<compile_context>
chip_gen: v7x
topology: tpu7x:2x2x1
jax: 0.10.2.dev20260603
libtpu: 0.0.44.dev20260713+nightly
codegen_flags: <defaults>
</compile_context>

<pallas_src>
import dataclasses
import functools

import jax
import jax.numpy as jnp
from jax import lax
from jax.experimental import pallas as pl
from jax.experimental.pallas import tpu as pltpu
from jax.experimental.pallas import tpu_sc as plsc

N = 10000
NP = 10240
D = 128
E = 320000
CH = 128
NC = 2
NS = 16
NW = NC * NS
CHUNKS = 2560
EPAD = CHUNKS * CH
CPW = CHUNKS // NW
DUMMY_DST = N
ZERO_SRC = N + 8
RPS = NP // NS
BLK = 1024


def _sc_mesh():
    return plsc.VectorSubcoreMesh(core_axis_name="c", subcore_axis_name="s")


EPW = EPAD // NW


def _sc_compiler_params():
    cp = pltpu.CompilerParams()
    if "needs_layout_passes" in pltpu.CompilerParams.__dataclass_fields__:
        cp = dataclasses.replace(cp, needs_layout_passes=False)
    return cp


@functools.partial(pl.kernel,
                   compiler_params=_sc_compiler_params(),
                   out_type=jax.ShapeDtypeStruct((NW, NP), jnp.float32),
                   mesh=_sc_mesh(),
                   scratch_types=[pltpu.VMEM((EPW,), jnp.int32),
                                  pltpu.VMEM((NP,), jnp.float32)])
def _sc_degree(dst_hbm, out_hbm, idx_v, hist_v):
    core = lax.axis_index("c")
    sid = lax.axis_index("s")
    wid = sid * NC + core

    @pl.loop(0, NP, step=16)
    def _(i):
        hist_v[pl.ds(i, 16)] = jnp.zeros((16,), jnp.float32)

    pltpu.sync_copy(dst_hbm.at[pl.ds(wid * EPW, EPW)], idx_v)
    ones = jnp.ones((16,), jnp.float32)

    @pl.loop(0, EPW, step=16)
    def _(e):
        idx = idx_v[pl.ds(e, 16)]
        plsc.addupdate_scatter(hist_v, [idx], ones)

    pltpu.sync_copy(hist_v, out_hbm.at[wid])


QC = 16


QB = 2 * QC


@functools.partial(pl.kernel,
                   out_type=jax.ShapeDtypeStruct((NC, NP, D), jnp.float32),
                   mesh=_sc_mesh(),
                   scratch_types=[pltpu.VMEM((QB, CH), jnp.int32),
                                  pltpu.VMEM((QB, CH), jnp.int32),
                                  pltpu.VMEM((2, CH, D), jnp.float32),
                                  pltpu.VMEM_SHARED((NP, D), jnp.float32),
                                  pltpu.SemaphoreType.DMA,
                                  pltpu.SemaphoreType.DMA,
                                  pltpu.SemaphoreType.DMA,
                                  pltpu.SemaphoreType.DMA])
def _sc_aggregate(g_hbm, src_hbm, dst_hbm, out_hbm,
                  sidx_v, didx_v, bufs, acc, gs0, gs1, ss0, ss1):
    core = lax.axis_index("c")
    sid = lax.axis_index("s")
    wid = sid * NC + core
    r0 = sid * RPS

    @pl.loop(0, CH)
    def _(i):
        @pl.loop(0, D, step=16)
        def _(j):
            bufs[0, i, pl.ds(j, 16)] = jnp.zeros((16,), jnp.float32)

    @pl.loop(0, RPS, step=CH)
    def _(r):
        pltpu.sync_copy(bufs.at[0], acc.at[pl.ds(r0 + r, CH)])

    base0 = pl.multiple_of(wid * CPW, 8)
    pltpu.sync_copy(src_hbm.at[pl.ds(base0, QB)], sidx_v)
    pltpu.sync_copy(dst_hbm.at[pl.ds(base0, QB)], didx_v)
    pltpu.async_copy(g_hbm.at[sidx_v.at[0]], bufs.at[0], gs0)

    plsc.subcore_barrier()

    @pl.loop(0, CPW, step=2)
    def _(c0):
        for b in range(2):
            c = c0 + b
            gsem = gs0 if b == 0 else gs1
            gsem_n = gs1 if b == 0 else gs0
            ssemb = ss0 if b == 0 else ss1
            ssemo = ss1 if b == 0 else ss0
            pltpu.make_async_copy(g_hbm.at[pl.ds(0, CH)],
                                  bufs.at[b], gsem).wait()
            nxt = c + 1

            @pl.when(c >= 1)
            def _():
                pltpu.make_async_copy(bufs.at[1 - b],
                                      acc.at[pl.ds(0, CH)], ssemo).wait()

            @pl.when((lax.rem(c, QC) == 0) & (c >= 1) & (c + QC < CPW))
            def _():
                base = pl.multiple_of(wid * CPW + c + QC, 8)
                roff = pl.multiple_of(lax.rem(c + QC, QB), 8)
                pltpu.sync_copy(src_hbm.at[pl.ds(base, QC)],
                                sidx_v.at[pl.ds(roff, QC)])
                pltpu.sync_copy(dst_hbm.at[pl.ds(base, QC)],
                                didx_v.at[pl.ds(roff, QC)])

            @pl.when(nxt < CPW)
            def _():
                pltpu.async_copy(g_hbm.at[sidx_v.at[lax.rem(nxt, QB)]],
                                 bufs.at[1 - b], gsem_n)

            pltpu.async_copy(bufs.at[b], acc.at[didx_v.at[lax.rem(c, QB)]],
                             ssemb, add=True)

    pltpu.make_async_copy(bufs.at[1], acc.at[pl.ds(0, CH)], ss1).wait()

    plsc.subcore_barrier()

    @pl.loop(0, RPS, step=CH)
    def _(r):
        pltpu.sync_copy(acc.at[pl.ds(r0 + r, CH)],
                        out_hbm.at[core, pl.ds(r0 + r, CH)])


def _first_body(x_ref, w_ref, d_ref, g_ref, dv_ref):
    deg = lax.dot_general(d_ref[...], jnp.ones((NW, 1), jnp.float32),
                          (((0,), (0,)), ((), ())),
                          preferred_element_type=jnp.float32) + 1.0
    dinv = lax.rsqrt(deg)
    dv_ref[...] = jnp.broadcast_to(dinv, (BLK, 16))
    h = jnp.dot(x_ref[...], w_ref[...], preferred_element_type=jnp.float32)
    g_ref[...] = h * dinv


def _tc_first(x_p, w, dall):
    return pl.pallas_call(
        _first_body,
        grid=(NP // BLK,),
        in_specs=[pl.BlockSpec((BLK, D), lambda i: (i, 0)),
                  pl.BlockSpec((D, D), lambda i: (0, 0)),
                  pl.BlockSpec((NW, BLK), lambda i: (0, i))],
        out_specs=[pl.BlockSpec((BLK, D), lambda i: (i, 0)),
                   pl.BlockSpec((BLK, 16), lambda i: (i, 0))],
        out_shape=[jax.ShapeDtypeStruct((NP, D), jnp.float32),
                   jax.ShapeDtypeStruct((NP, 16), jnp.float32)],
    )(x_p, w, dall)


def _mid_body(a_ref, gp_ref, dv_ref, b_ref, w_ref, o_ref):
    dinv = dv_ref[...][:, 0:1]
    s = (a_ref[0] + a_ref[1] + gp_ref[...]) * dinv + b_ref[...]
    h = jnp.maximum(s, 0.0)
    o_ref[...] = jnp.dot(h, w_ref[...],
                         preferred_element_type=jnp.float32) * dinv


def _tc_mid(a, gp, dv, b, w):
    return pl.pallas_call(
        _mid_body,
        grid=(NP // BLK,),
        in_specs=[pl.BlockSpec((NC, BLK, D), lambda i: (0, i, 0)),
                  pl.BlockSpec((BLK, D), lambda i: (i, 0)),
                  pl.BlockSpec((BLK, 16), lambda i: (i, 0)),
                  pl.BlockSpec((1, D), lambda i: (0, 0)),
                  pl.BlockSpec((D, D), lambda i: (0, 0))],
        out_specs=pl.BlockSpec((BLK, D), lambda i: (i, 0)),
        out_shape=jax.ShapeDtypeStruct((NP, D), jnp.float32),
    )(a, gp, dv, b, w)


BLKL = 1000


def _last_body(a_ref, gp_ref, dv_ref, b_ref, o_ref):
    dinv = dv_ref[...][:, 0:1]
    o_ref[...] = (a_ref[0] + a_ref[1] + gp_ref[...]) * dinv + b_ref[...]


def _tc_last(a, gp, dv, b):
    return pl.pallas_call(
        _last_body,
        grid=(N // BLKL,),
        in_specs=[pl.BlockSpec((NC, BLKL, D), lambda i: (0, i, 0)),
                  pl.BlockSpec((BLKL, D), lambda i: (i, 0)),
                  pl.BlockSpec((BLKL, 16), lambda i: (i, 0)),
                  pl.BlockSpec((1, D), lambda i: (0, 0))],
        out_specs=pl.BlockSpec((BLKL, D), lambda i: (i, 0)),
        out_shape=jax.ShapeDtypeStruct((N, D), jnp.float32),
    )(a, gp, dv, b)


def kernel(x, edge_index, W0, b0, W1, b1, W2, b2):
    ei = edge_index.astype(jnp.int32)
    pad = EPAD - E
    pad_rows = DUMMY_DST + jnp.arange(pad, dtype=jnp.int32) % (NP - N)
    src = jnp.concatenate([ei[0], pad_rows])
    dst = jnp.concatenate([ei[1], pad_rows])
    srcm = src.reshape(CHUNKS, CH)
    dstm = dst.reshape(CHUNKS, CH)
    x_p = jnp.pad(x, ((0, NP - N), (0, 0)))
    b0r = b0.reshape(1, D)
    b1r = b1.reshape(1, D)
    b2r = b2.reshape(1, D)

    dall = _sc_degree(dst)
    g0, dv = _tc_first(x_p, W0, dall)

    a = _sc_aggregate(g0, srcm, dstm)
    g1 = _tc_mid(a, g0, dv, b0r, W1)

    a = _sc_aggregate(g1, srcm, dstm)
    g2 = _tc_mid(a, g1, dv, b1r, W2)

    a = _sc_aggregate(g2, srcm, dstm)
    return _tc_last(a, g2, dv, b2r)

# --- scband reference (transcript-rebuilt; emitter-appended) ---
"""Pipeline reference for scband-gcn-66864050864373 (READ-ONLY COPY).

The authoritative reference and input builder live on the scoring server;
editing this copy changes nothing except your own understanding.
"""

import jax, jax.numpy as jnp
import numpy as np

N_NODES = 10000


def gcn_conv(x, edge_index, W, b):
    n = x.shape[0]
    src = edge_index[0]
    dst = edge_index[1]
    loop = jnp.arange(n, dtype=src.dtype)
    src = jnp.concatenate([src, loop])
    dst = jnp.concatenate([dst, loop])
    h = x @ W
    deg = jnp.zeros((n,), dtype=h.dtype).at[dst].add(1.0)
    dinv = jnp.where(deg > 0, jax.lax.rsqrt(deg), 0.0)
    norm = dinv[src] * dinv[dst]
    msgs = h[src] * norm[:, None]
    out = jnp.zeros_like(h).at[dst].add(msgs)
    return out + b


def setup_inputs(seed: int = 0) -> dict:
    key = jax.random.key(seed)
    ks = jax.random.split(key, 8)
    x = jax.random.normal(ks[0], (N_NODES, 128), dtype=jnp.float32)
    edge_index = jax.random.randint(ks[1], (2, 320000), 0, N_NODES, dtype=jnp.int64)
    W0 = jax.random.normal(ks[2], (128, 128), dtype=jnp.float32) * 0.05
    b0 = jnp.zeros((128,), dtype=jnp.float32)
    W1 = jax.random.normal(ks[3], (128, 128), dtype=jnp.float32) * 0.05
    b1 = jnp.zeros((128,), dtype=jnp.float32)
    W2 = jax.random.normal(ks[4], (128, 128), dtype=jnp.float32) * 0.05
    b2 = jnp.zeros((128,), dtype=jnp.float32)
    return {"x": x, "edge_index": edge_index, "W0": W0, "b0": b0, "W1": W1, "b1": b1, "W2": W2, "b2": b2}


def reference(x, edge_index, W0, b0, W1, b1, W2, b2):
    # GCN forward (eval mode: dropout is identity)
    h = gcn_conv(x, edge_index, W0, b0)
    h = jax.nn.relu(h)
    h = gcn_conv(h, edge_index, W1, b1)
    h = jax.nn.relu(h)
    out = gcn_conv(h, edge_index, W2, b2)
    return out

if __name__ == "__main__":
    import jax
    _d = setup_inputs()
    print(jax.jit(kernel)(*tuple(_d.values())))

</pallas_src>

<mosaic_0001>
#map = affine_map<(d0, d1) -> (0, 0)>
#map1 = affine_map<(d0, d1) -> (0, 0, 0)>
module attributes {stable_mosaic.version = 14 : i64} {
  func.func @_sc_aggregate(%arg0: i32, %arg1: i32, %arg2: memref<10240x128xf32, #tpu.memory_space<hbm>>, %arg3: memref<2560x128xi32, #tpu.memory_space<hbm>>, %arg4: memref<2560x128xi32, #tpu.memory_space<hbm>>, %arg5: memref<2x10240x128xf32, #tpu.memory_space<hbm>>, %arg6: memref<32x128xi32, #tpu.memory_space<vmem>>, %arg7: memref<32x128xi32, #tpu.memory_space<vmem>>, %arg8: memref<2x128x128xf32, #tpu.memory_space<vmem>>, %arg9: memref<10240x128xf32, #tpu.memory_space<vmem_shared>>, %arg10: memref<!tpu.dma_semaphore, #tpu.memory_space<semaphore_mem>>, %arg11: memref<!tpu.dma_semaphore, #tpu.memory_space<semaphore_mem>>, %arg12: memref<!tpu.dma_semaphore, #tpu.memory_space<semaphore_mem>>, %arg13: memref<!tpu.dma_semaphore, #tpu.memory_space<semaphore_mem>>) attributes {dimension_semantics = [#tpu.dimension_semantics<core_parallel>, #tpu.dimension_semantics<subcore_parallel>], iteration_bounds = array<i64: 2, 16>, scalar_prefetch = 0 : i64, scratch_operands = 8 : i64, tpu.core_type = #tpu.core_type<sc_vector_subcore>, window_params = [{transform_indices = #map}, {transform_indices = #map}, {transform_indices = #map}, {transform_indices = #map1}]} {
    %mul3A = arith.constant 2 : i32
    %mul3A_0 = arith.muli %arg1, %mul3A : i32
    %add3A = arith.addi %mul3A_0, %arg0 : i32
    %mul3A_1 = arith.constant 640 : i32
    %mul3A_2 = arith.muli %arg1, %mul3A_1 : i32
    %scan3A = arith.constant 0 : i32
    %scan3A_3 = arith.constant 128 : i32
    %scan3A_4 = arith.addi %scan3A, %scan3A_3 : i32
    %scan3A_5 = arith.constant 1 : i32
    scf.for %scan3A_50 = %scan3A to %scan3A_4 step %scan3A_5  : i32 {
      %mul3A_51 = arith.constant 1 : i32
      %mul3A_52 = arith.muli %scan3A_50, %mul3A_51 : i32
      %add3A_53 = arith.constant 0 : i32
      %add3A_54 = arith.addi %add3A_53, %mul3A_52 : i32
      %scan3A_55 = arith.constant 0 : i32
      %scan3A_56 = arith.constant 8 : i32
      %scan3A_57 = arith.addi %scan3A_55, %scan3A_56 : i32
      %scan3A_58 = arith.constant 1 : i32
      scf.for %scan3A_60 = %scan3A_55 to %scan3A_57 step %scan3A_58  : i32 {
        %mul3A_61 = arith.constant 16 : i32
        %mul3A_62 = arith.muli %scan3A_60, %mul3A_61 : i32
        %add3A_63 = arith.constant 0 : i32
        %add3A_64 = arith.addi %add3A_63, %mul3A_62 : i32
        %broadcast_in_dim3A = arith.constant 0.000000e+00 : f32
        %broadcast_in_dim3A_65 = vector.broadcast %broadcast_in_dim3A : f32 to vector<16xf32>
        %swap3A = arith.constant 0 : i32
        %swap3A_66 = arith.index_cast %swap3A : i32 to index
        %swap3A_67 = arith.index_cast %add3A_54 : i32 to index
        %swap3A_68 = arith.index_cast %add3A_64 : i32 to index
        %swap3A_69 = tpu.vector_load %arg8[%swap3A_66, %swap3A_67, %swap3A_68] {strides = array<i32>} : memref<2x128x128xf32, #tpu.memory_space<vmem>>, vector<1x1x16xf32>,
        %swap3A_70 = vector.shape_cast %swap3A_69 : vector<1x1x16xf32> to vector<16xf32>
        %swap3A_71 = vector.shape_cast %broadcast_in_dim3A_65 : vector<16xf32> to vector<1x1x16xf32>
        tpu.vector_store %arg8[%swap3A_66, %swap3A_67, %swap3A_68], %swap3A_71 {strides = array<i32>} : memref<2x128x128xf32, #tpu.memory_space<vmem>>, vector<1x1x16xf32>,
      }
      %scan3A_59 = arith.constant 8 : i32
    }
    %scan3A_6 = arith.constant 128 : i32
    %scan3A_7 = arith.constant 0 : i32
    %scan3A_8 = arith.constant 5 : i32
    %scan3A_9 = arith.addi %scan3A_7, %scan3A_8 : i32
    %scan3A_10 = arith.constant 1 : i32
    scf.for %scan3A_50 = %scan3A_7 to %scan3A_9 step %scan3A_10  : i32 {
      %mul3A_51 = arith.constant 128 : i32
      %mul3A_52 = arith.muli %scan3A_50, %mul3A_51 : i32
      %add3A_53 = arith.constant 0 : i32
      %add3A_54 = arith.addi %add3A_53, %mul3A_52 : i32
      %add3A_55 = arith.addi %mul3A_2, %add3A_54 : i32
      %run_scoped3A = arith.constant 0 : i32
      "tpu.region"() ({
        %run_scoped3A_56 = tpu.sem_alloc : memref<!tpu.dma_semaphore, #tpu.memory_space<semaphore_mem>>
        %dma_start3A_57 = arith.constant 0 : i32
        %dma_start3A_58 = arith.constant 0 : i32
        %dma_start3A_59 = tpu.memref_slice %arg8[%run_scoped3A, %dma_start3A_57, %dma_start3A_58] : memref<2x128x128xf32, #tpu.memory_space<vmem>> -> memref<1x128x128xf32, #tpu.memory_space<vmem>>
        %dma_start3A_60 = tpu.memref_squeeze %dma_start3A_59 : memref<1x128x128xf32, #tpu.memory_space<vmem>> -> memref<128x128xf32, #tpu.memory_space<vmem>>
        %dma_start3A_61 = arith.constant 0 : i32
        %dma_start3A_62 = tpu.memref_slice %arg9[%add3A_55, %dma_start3A_61] : memref<10240x128xf32, #tpu.memory_space<vmem_shared>> -> memref<128x128xf32, #tpu.memory_space<vmem_shared>>
        %dma_start3A_63 = arith.constant 0 : i32
        %dma_start3A_64 = tpu.memref_slice %arg9[%add3A_55, %dma_start3A_63] : memref<10240x128xf32, #tpu.memory_space<vmem_shared>> -> memref<128x128xf32, #tpu.memory_space<vmem_shared>>
        %dma_start3A_65 = arith.constant 0 : i32
        %dma_start3A_66 = arith.constant 0 : i32
        %dma_start3A_67 = tpu.memref_slice %arg8[%run_scoped3A, %dma_start3A_65, %dma_start3A_66] : memref<2x128x128xf32, #tpu.memory_space<vmem>> -> memref<1x128x128xf32, #tpu.memory_space<vmem>>
        %dma_start3A_68 = tpu.memref_squeeze %dma_start3A_67 : memref<1x128x128xf32, #tpu.memory_space<vmem>> -> memref<128x128xf32, #tpu.memory_space<vmem>>
        tpu.enqueue_dma source(%dma_start3A_68 : memref<128x128xf32, #tpu.memory_space<vmem>>) target(%dma_start3A_64 : memref<128x128xf32, #tpu.memory_space<vmem_shared>>) target_semaphore(%run_scoped3A_56 : memref<!tpu.dma_semaphore, #tpu.memory_space<semaphore_mem>>)
        %dma_wait3A_69 = arith.constant 0 : i32
        %dma_wait3A_70 = arith.constant 0 : i32
        %dma_wait3A_71 = tpu.memref_slice %arg8[%run_scoped3A, %dma_wait3A_69, %dma_wait3A_70] : memref<2x128x128xf32, #tpu.memory_space<vmem>> -> memref<1x128x128xf32, #tpu.memory_space<vmem>>
        %dma_wait3A_72 = tpu.memref_squeeze %dma_wait3A_71 : memref<1x128x128xf32, #tpu.memory_space<vmem>> -> memref<128x128xf32, #tpu.memory_space<vmem>>
        %dma_wait3A_73 = arith.constant 0 : i32
        %dma_wait3A_74 = tpu.memref_slice %arg9[%add3A_55, %dma_wait3A_73] : memref<10240x128xf32, #tpu.memory_space<vmem_shared>> -> memref<128x128xf32, #tpu.memory_space<vmem_shared>>
        %dma_wait3A_75 = arith.constant 0 : i32
        %dma_wait3A_76 = tpu.memref_slice %arg9[%add3A_55, %dma_wait3A_75] : memref<10240x128xf32, #tpu.memory_space<vmem_shared>> -> memref<128x128xf32, #tpu.memory_space<vmem_shared>>
        %dma_wait3A_77 = arith.constant 0 : i32
        %dma_wait3A_78 = arith.constant 0 : i32
        %dma_wait3A_79 = tpu.memref_slice %arg8[%run_scoped3A, %dma_wait3A_77, %dma_wait3A_78] : memref<2x128x128xf32, #tpu.memory_space<vmem>> -> memref<1x128x128xf32, #tpu.memory_space<vmem>>
        %dma_wait3A_80 = tpu.memref_squeeze %dma_wait3A_79 : memref<1x128x128xf32, #tpu.memory_space<vmem>> -> memref<128x128xf32, #tpu.memory_space<vmem>>
        tpu.wait_dma2 semaphore(%run_scoped3A_56 : memref<!tpu.dma_semaphore, #tpu.memory_space<semaphore_mem>>) src(%dma_wait3A_80 : memref<128x128xf32, #tpu.memory_space<vmem>>) dst(%dma_wait3A_76 : memref<128x128xf32, #tpu.memory_space<vmem_shared>>)
        tpu.yield
      }) : () -> ()
    }
    %scan3A_11 = arith.constant 5 : i32
    %mul3A_12 = arith.constant 80 : i32
    %mul3A_13 = arith.muli %add3A, %mul3A_12 : i32
    %multiple_of3A = tpu.assume_multiple %mul3A_13, 8 : i32
    "tpu.region"() ({
      %run_scoped3A = tpu.sem_alloc : memref<!tpu.dma_semaphore, #tpu.memory_space<semaphore_mem>>
      %dma_start3A_50 = arith.constant 0 : i32
      %dma_start3A_51 = tpu.memref_slice %arg3[%multiple_of3A, %dma_start3A_50] : memref<2560x128xi32, #tpu.memory_space<hbm>> -> memref<32x128xi32, #tpu.memory_space<hbm>>
      %dma_start3A_52 = arith.constant 0 : i32
      %dma_start3A_53 = tpu.memref_slice %arg3[%multiple_of3A, %dma_start3A_52] : memref<2560x128xi32, #tpu.memory_space<hbm>> -> memref<32x128xi32, #tpu.memory_space<hbm>>
      tpu.enqueue_dma source(%dma_start3A_53 : memref<32x128xi32, #tpu.memory_space<hbm>>) target(%arg6 : memref<32x128xi32, #tpu.memory_space<vmem>>) target_semaphore(%run_scoped3A : memref<!tpu.dma_semaphore, #tpu.memory_space<semaphore_mem>>)
      %dma_wait3A_54 = arith.constant 0 : i32
      %dma_wait3A_55 = tpu.memref_slice %arg3[%multiple_of3A, %dma_wait3A_54] : memref<2560x128xi32, #tpu.memory_space<hbm>> -> memref<32x128xi32, #tpu.memory_space<hbm>>
      %dma_wait3A_56 = arith.constant 0 : i32
      %dma_wait3A_57 = tpu.memref_slice %arg3[%multiple_of3A, %dma_wait3A_56] : memref<2560x128xi32, #tpu.memory_space<hbm>> -> memref<32x128xi32, #tpu.memory_space<hbm>>
      tpu.wait_dma2 semaphore(%run_scoped3A : memref<!tpu.dma_semaphore, #tpu.memory_space<semaphore_mem>>) src(%dma_wait3A_57 : memref<32x128xi32, #tpu.memory_space<hbm>>) dst(%arg6 : memref<32x128xi32, #tpu.memory_space<vmem>>)
      tpu.yield
    }) : () -> ()
    "tpu.region"() ({
      %run_scoped3A = tpu.sem_alloc : memref<!tpu.dma_semaphore, #tpu.memory_space<semaphore_mem>>
      %dma_start3A_50 = arith.constant 0 : i32
      %dma_start3A_51 = tpu.memref_slice %arg4[%multiple_of3A, %dma_start3A_50] : memref<2560x128xi32, #tpu.memory_space<hbm>> -> memref<32x128xi32, #tpu.memory_space<hbm>>
      %dma_start3A_52 = arith.constant 0 : i32
      %dma_start3A_53 = tpu.memref_slice %arg4[%multiple_of3A, %dma_start3A_52] : memref<2560x128xi32, #tpu.memory_space<hbm>> -> memref<32x128xi32, #tpu.memory_space<hbm>>
      tpu.enqueue_dma source(%dma_start3A_53 : memref<32x128xi32, #tpu.memory_space<hbm>>) target(%arg7 : memref<32x128xi32, #tpu.memory_space<vmem>>) target_semaphore(%run_scoped3A : memref<!tpu.dma_semaphore, #tpu.memory_space<semaphore_mem>>)
      %dma_wait3A_54 = arith.constant 0 : i32
      %dma_wait3A_55 = tpu.memref_slice %arg4[%multiple_of3A, %dma_wait3A_54] : memref<2560x128xi32, #tpu.memory_space<hbm>> -> memref<32x128xi32, #tpu.memory_space<hbm>>
      %dma_wait3A_56 = arith.constant 0 : i32
      %dma_wait3A_57 = tpu.memref_slice %arg4[%multiple_of3A, %dma_wait3A_56] : memref<2560x128xi32, #tpu.memory_space<hbm>> -> memref<32x128xi32, #tpu.memory_space<hbm>>
      tpu.wait_dma2 semaphore(%run_scoped3A : memref<!tpu.dma_semaphore, #tpu.memory_space<semaphore_mem>>) src(%dma_wait3A_57 : memref<32x128xi32, #tpu.memory_space<hbm>>) dst(%arg7 : memref<32x128xi32, #tpu.memory_space<vmem>>)
      tpu.yield
    }) : () -> ()
    %dma_start3A = arith.constant 0 : i32
    %dma_start3A_14 = arith.constant 0 : i32
    %dma_start3A_15 = arith.constant 0 : i32
    %dma_start3A_16 = arith.constant 0 : i32
    %dma_start3A_17 = tpu.memref_slice %arg8[%dma_start3A_14, %dma_start3A_15, %dma_start3A_16] : memref<2x128x128xf32, #tpu.memory_space<vmem>> -> memref<1x128x128xf32, #tpu.memory_space<vmem>>
    %dma_start3A_18 = tpu.memref_squeeze %dma_start3A_17 : memref<1x128x128xf32, #tpu.memory_space<vmem>> -> memref<128x128xf32, #tpu.memory_space<vmem>>
    %dma_start3A_19 = arith.constant 0 : i32
    %dma_start3A_20 = tpu.memref_slice %arg6[%dma_start3A, %dma_start3A_19] : memref<32x128xi32, #tpu.memory_space<vmem>> -> memref<1x128xi32, #tpu.memory_space<vmem>>
    %dma_start3A_21 = tpu.memref_squeeze %dma_start3A_20 : memref<1x128xi32, #tpu.memory_space<vmem>> -> memref<128xi32, #tpu.memory_space<vmem>>
    %dma_start3A_22 = arith.constant 0 : i32
    %dma_start3A_23 = arith.constant 0 : i32
    %dma_start3A_24 = tpu.memref_slice %arg2[%dma_start3A_22, %dma_start3A_23] : memref<10240x128xf32, #tpu.memory_space<hbm>> -> memref<10240x128xf32, #tpu.memory_space<hbm>>
    tpu.enqueue_indirect_dma source(%dma_start3A_24 : memref<10240x128xf32, #tpu.memory_space<hbm>>) target(%dma_start3A_18 : memref<128x128xf32, #tpu.memory_space<vmem>>) offsets(%dma_start3A_21 : memref<128xi32, #tpu.memory_space<vmem>>) semaphore(%arg10 : memref<!tpu.dma_semaphore, #tpu.memory_space<semaphore_mem>>)
    %barrier3A = arith.constant 0 : index
    tpu.barrier barrier_id(%barrier3A)
    %scan3A_25 = arith.constant 0 : i32
    %scan3A_26 = arith.constant 40 : i32
    %scan3A_27 = arith.addi %scan3A_25, %scan3A_26 : i32
    %scan3A_28 = arith.constant 1 : i32
    scf.for %scan3A_50 = %scan3A_25 to %scan3A_27 step %scan3A_28  : i32 {
      %mul3A_51 = arith.constant 2 : i32
      %mul3A_52 = arith.muli %scan3A_50, %mul3A_51 : i32
      %add3A_53 = arith.constant 0 : i32
      %add3A_54 = arith.addi %add3A_53, %mul3A_52 : i32
      %add3A_55 = arith.constant 0 : i32
      %add3A_56 = arith.addi %add3A_54, %add3A_55 : i32
      %dma_wait3A_57 = arith.constant 0 : i32
      %dma_wait3A_58 = arith.constant 0 : i32
      %dma_wait3A_59 = arith.constant 0 : i32
      %dma_wait3A_60 = tpu.memref_slice %arg8[%dma_wait3A_57, %dma_wait3A_58, %dma_wait3A_59] : memref<2x128x128xf32, #tpu.memory_space<vmem>> -> memref<1x128x128xf32, #tpu.memory_space<vmem>>
      %dma_wait3A_61 = tpu.memref_squeeze %dma_wait3A_60 : memref<1x128x128xf32, #tpu.memory_space<vmem>> -> memref<128x128xf32, #tpu.memory_space<vmem>>
      %dma_wait3A_62 = arith.constant 0 : i32
      %dma_wait3A_63 = arith.constant 0 : i32
      %dma_wait3A_64 = tpu.memref_slice %arg2[%dma_wait3A_62, %dma_wait3A_63] : memref<10240x128xf32, #tpu.memory_space<hbm>> -> memref<128x128xf32, #tpu.memory_space<hbm>>
      %dma_wait3A_65 = arith.constant 0 : i32
      %dma_wait3A_66 = arith.constant 0 : i32
      %dma_wait3A_67 = tpu.memref_slice %arg8[%dma_wait3A_57, %dma_wait3A_65, %dma_wait3A_66] : memref<2x128x128xf32, #tpu.memory_space<vmem>> -> memref<1x128x128xf32, #tpu.memory_space<vmem>>
      %dma_wait3A_68 = tpu.memref_squeeze %dma_wait3A_67 : memref<1x128x128xf32, #tpu.memory_space<vmem>> -> memref<128x128xf32, #tpu.memory_space<vmem>>
      %dma_wait3A_69 = arith.constant 0 : i32
      %dma_wait3A_70 = arith.constant 0 : i32
      %dma_wait3A_71 = tpu.memref_slice %arg2[%dma_wait3A_69, %dma_wait3A_70] : memref<10240x128xf32, #tpu.memory_space<hbm>> -> memref<128x128xf32, #tpu.memory_space<hbm>>
      tpu.wait_dma2 semaphore(%arg10 : memref<!tpu.dma_semaphore, #tpu.memory_space<semaphore_mem>>) src(%dma_wait3A_71 : memref<128x128xf32, #tpu.memory_space<hbm>>) dst(%dma_wait3A_68 : memref<128x128xf32, #tpu.memory_space<vmem>>)
      %add3A_72 = arith.constant 1 : i32
      %add3A_73 = arith.addi %add3A_56, %add3A_72 : i32
      %ge3A = arith.constant 1 : i32
      %ge3A_74 = arith.cmpi sge, %add3A_56, %ge3A : i32
      %convert_element_type3A = arith.extui %ge3A_74 : i1 to i32
      %cond3A = arith.constant 0 : i32
      %cond3A_75 = arith.cmpi ne, %convert_element_type3A, %cond3A : i32
      scf.if %cond3A_75 {
        %dma_wait3A_162 = arith.constant 1 : i32
        %dma_wait3A_163 = arith.constant 0 : i32
        %dma_wait3A_164 = arith.constant 0 : i32
        %dma_wait3A_165 = tpu.memref_slice %arg8[%dma_wait3A_162, %dma_wait3A_163, %dma_wait3A_164] : memref<2x128x128xf32, #tpu.memory_space<vmem>> -> memref<1x128x128xf32, #tpu.memory_space<vmem>>
        %dma_wait3A_166 = tpu.memref_squeeze %dma_wait3A_165 : memref<1x128x128xf32, #tpu.memory_space<vmem>> -> memref<128x128xf32, #tpu.memory_space<vmem>>
        %dma_wait3A_167 = arith.constant 0 : i32
        %dma_wait3A_168 = arith.constant 0 : i32
        %dma_wait3A_169 = tpu.memref_slice %arg9[%dma_wait3A_167, %dma_wait3A_168] : memref<10240x128xf32, #tpu.memory_space<vmem_shared>> -> memref<128x128xf32, #tpu.memory_space<vmem_shared>>
        %dma_wait3A_170 = arith.constant 0 : i32
        %dma_wait3A_171 = arith.constant 0 : i32
        %dma_wait3A_172 = tpu.memref_slice %arg9[%dma_wait3A_170, %dma_wait3A_171] : memref<10240x128xf32, #tpu.memory_space<vmem_shared>> -> memref<128x128xf32, #tpu.memory_space<vmem_shared>>
        %dma_wait3A_173 = arith.constant 0 : i32
        %dma_wait3A_174 = arith.constant 0 : i32
        %dma_wait3A_175 = tpu.memref_slice %arg8[%dma_wait3A_162, %dma_wait3A_173, %dma_wait3A_174] : memref<2x128x128xf32, #tpu.memory_space<vmem>> -> memref<1x128x128xf32, #tpu.memory_space<vmem>>
        %dma_wait3A_176 = tpu.memref_squeeze %dma_wait3A_175 : memref<1x128x128xf32, #tpu.memory_space<vmem>> -> memref<128x128xf32, #tpu.memory_space<vmem>>
        tpu.wait_dma2 semaphore(%arg13 : memref<!tpu.dma_semaphore, #tpu.memory_space<semaphore_mem>>) src(%dma_wait3A_176 : memref<128x128xf32, #tpu.memory_space<vmem>>) dst(%dma_wait3A_172 : memref<128x128xf32, #tpu.memory_space<vmem_shared>>)
      } else {
      }
      %rem3A = arith.constant 16 : i32
      %rem3A_76 = arith.remsi %add3A_56, %rem3A : i32
      %eq3A = arith.constant 0 : i32
      %eq3A_77 = arith.cmpi eq, %rem3A_76, %eq3A : i32
      %ge3A_78 = arith.constant 1 : i32
      %ge3A_79 = arith.cmpi sge, %add3A_56, %ge3A_78 : i32
      %and3A = arith.andi %eq3A_77, %ge3A_79 : i1
      %add3A_80 = arith.constant 16 : i32
      %add3A_81 = arith.addi %add3A_56, %add3A_80 : i32
      %lt3A = arith.constant 80 : i32
      %lt3A_82 = arith.cmpi slt, %add3A_81, %lt3A : i32
      %and3A_83 = arith.andi %and3A, %lt3A_82 : i1
      %convert_element_type3A_84 = arith.extui %and3A_83 : i1 to i32
      %cond3A_85 = arith.constant 0 : i32
      %cond3A_86 = arith.cmpi ne, %convert_element_type3A_84, %cond3A_85 : i32
      scf.if %cond3A_86 {
        %mul3A_162 = arith.constant 80 : i32
        %mul3A_163 = arith.muli %add3A, %mul3A_162 : i32
        %add3A_164 = arith.addi %mul3A_163, %add3A_56 : i32
        %add3A_165 = arith.constant 16 : i32
        %add3A_166 = arith.addi %add3A_164, %add3A_165 : i32
        %multiple_of3A_167 = tpu.assume_multiple %add3A_166, 8 : i32
        %add3A_168 = arith.constant 16 : i32
        %add3A_169 = arith.addi %add3A_56, %add3A_168 : i32
        %rem3A_170 = arith.constant 32 : i32
        %rem3A_171 = arith.remsi %add3A_169, %rem3A_170 : i32
        %multiple_of3A_172 = tpu.assume_multiple %rem3A_171, 8 : i32
        "tpu.region"() ({
          %run_scoped3A = tpu.sem_alloc : memref<!tpu.dma_semaphore, #tpu.memory_space<semaphore_mem>>
          %dma_start3A_173 = arith.constant 0 : i32
          %dma_start3A_174 = tpu.memref_slice %arg6[%multiple_of3A_172, %dma_start3A_173] : memref<32x128xi32, #tpu.memory_space<vmem>> -> memref<16x128xi32, #tpu.memory_space<vmem>>
          %dma_start3A_175 = arith.constant 0 : i32
          %dma_start3A_176 = tpu.memref_slice %arg3[%multiple_of3A_167, %dma_start3A_175] : memref<2560x128xi32, #tpu.memory_space<hbm>> -> memref<16x128xi32, #tpu.memory_space<hbm>>
          %dma_start3A_177 = arith.constant 0 : i32
          %dma_start3A_178 = tpu.memref_slice %arg6[%multiple_of3A_172, %dma_start3A_177] : memref<32x128xi32, #tpu.memory_space<vmem>> -> memref<16x128xi32, #tpu.memory_space<vmem>>
          %dma_start3A_179 = arith.constant 0 : i32
          %dma_start3A_180 = tpu.memref_slice %arg3[%multiple_of3A_167, %dma_start3A_179] : memref<2560x128xi32, #tpu.memory_space<hbm>> -> memref<16x128xi32, #tpu.memory_space<hbm>>
          tpu.enqueue_dma source(%dma_start3A_180 : memref<16x128xi32, #tpu.memory_space<hbm>>) target(%dma_start3A_178 : memref<16x128xi32, #tpu.memory_space<vmem>>) target_semaphore(%run_scoped3A : memref<!tpu.dma_semaphore, #tpu.memory_space<semaphore_mem>>)
          %dma_wait3A_181 = arith.constant 0 : i32
          %dma_wait3A_182 = tpu.memref_slice %arg6[%multiple_of3A_172, %dma_wait3A_181] : memref<32x128xi32, #tpu.memory_space<vmem>> -> memref<16x128xi32, #tpu.memory_space<vmem>>
          %dma_wait3A_183 = arith.constant 0 : i32
          %dma_wait3A_184 = tpu.memref_slice %arg3[%multiple_of3A_167, %dma_wait3A_183] : memref<2560x128xi32, #tpu.memory_space<hbm>> -> memref<16x128xi32, #tpu.memory_space<hbm>>
          %dma_wait3A_185 = arith.constant 0 : i32
          %dma_wait3A_186 = tpu.memref_slice %arg6[%multiple_of3A_172, %dma_wait3A_185] : memref<32x128xi32, #tpu.memory_space<vmem>> -> memref<16x128xi32, #tpu.memory_space<vmem>>
          %dma_wait3A_187 = arith.constant 0 : i32
          %dma_wait3A_188 = tpu.memref_slice %arg3[%multiple_of3A_167, %dma_wait3A_187] : memref<2560x128xi32, #tpu.memory_space<hbm>> -> memref<16x128xi32, #tpu.memory_space<hbm>>
          tpu.wait_dma2 semaphore(%run_scoped3A : memref<!tpu.dma_semaphore, #tpu.memory_space<semaphore_mem>>) src(%dma_wait3A_188 : memref<16x128xi32, #tpu.memory_space<hbm>>) dst(%dma_wait3A_186 : memref<16x128xi32, #tpu.memory_space<vmem>>)
          tpu.yield
        }) : () -> ()
        "tpu.region"() ({
          %run_scoped3A = tpu.sem_alloc : memref<!tpu.dma_semaphore, #tpu.memory_space<semaphore_mem>>
          %dma_start3A_173 = arith.constant 0 : i32
          %dma_start3A_174 = tpu.memref_slice %arg7[%multiple_of3A_172, %dma_start3A_173] : memref<32x128xi32, #tpu.memory_space<vmem>> -> memref<16x128xi32, #tpu.memory_space<vmem>>
          %dma_start3A_175 = arith.constant 0 : i32
          %dma_start3A_176 = tpu.memref_slice %arg4[%multiple_of3A_167, %dma_start3A_175] : memref<2560x128xi32, #tpu.memory_space<hbm>> -> memref<16x128xi32, #tpu.memory_space<hbm>>
          %dma_start3A_177 = arith.constant 0 : i32
          %dma_start3A_178 = tpu.memref_slice %arg7[%multiple_of3A_172, %dma_start3A_177] : memref<32x128xi32, #tpu.memory_space<vmem>> -> memref<16x128xi32, #tpu.memory_space<vmem>>
          %dma_start3A_179 = arith.constant 0 : i32
          %dma_start3A_180 = tpu.memref_slice %arg4[%multiple_of3A_167, %dma_start3A_179] : memref<2560x128xi32, #tpu.memory_space<hbm>> -> memref<16x128xi32, #tpu.memory_space<hbm>>
          tpu.enqueue_dma source(%dma_start3A_180 : memref<16x128xi32, #tpu.memory_space<hbm>>) target(%dma_start3A_178 : memref<16x128xi32, #tpu.memory_space<vmem>>) target_semaphore(%run_scoped3A : memref<!tpu.dma_semaphore, #tpu.memory_space<semaphore_mem>>)
          %dma_wait3A_181 = arith.constant 0 : i32
          %dma_wait3A_182 = tpu.memref_slice %arg7[%multiple_of3A_172, %dma_wait3A_181] : memref<32x128xi32, #tpu.memory_space<vmem>> -> memref<16x128xi32, #tpu.memory_space<vmem>>
          %dma_wait3A_183 = arith.constant 0 : i32
          %dma_wait3A_184 = tpu.memref_slice %arg4[%multiple_of3A_167, %dma_wait3A_183] : memref<2560x128xi32, #tpu.memory_space<hbm>> -> memref<16x128xi32, #tpu.memory_space<hbm>>
          %dma_wait3A_185 = arith.constant 0 : i32
          %dma_wait3A_186 = tpu.memref_slice %arg7[%multiple_of3A_172, %dma_wait3A_185] : memref<32x128xi32, #tpu.memory_space<vmem>> -> memref<16x128xi32, #tpu.memory_space<vmem>>
          %dma_wait3A_187 = arith.constant 0 : i32
          %dma_wait3A_188 = tpu.memref_slice %arg4[%multiple_of3A_167, %dma_wait3A_187] : memref<2560x128xi32, #tpu.memory_space<hbm>> -> memref<16x128xi32, #tpu.memory_space<hbm>>
          tpu.wait_dma2 semaphore(%run_scoped3A : memref<!tpu.dma_semaphore, #tpu.memory_space<semaphore_mem>>) src(%dma_wait3A_188 : memref<16x128xi32, #tpu.memory_space<hbm>>) dst(%dma_wait3A_186 : memref<16x128xi32, #tpu.memory_space<vmem>>)
          tpu.yield
        }) : () -> ()
      } else {
      }
      %lt3A_87 = arith.constant 80 : i32
      %lt3A_88 = arith.cmpi slt, %add3A_73, %lt3A_87 : i32
      %convert_element_type3A_89 = arith.extui %lt3A_88 : i1 to i32
      %cond3A_90 = arith.constant 0 : i32
      %cond3A_91 = arith.cmpi ne, %convert_element_type3A_89, %cond3A_90 : i32
      scf.if %cond3A_91 {
        %rem3A_162 = arith.constant 32 : i32
        %rem3A_163 = arith.remsi %add3A_73, %rem3A_162 : i32
        %dma_start3A_164 = arith.constant 1 : i32
        %dma_start3A_165 = arith.constant 0 : i32
        %dma_start3A_166 = arith.constant 0 : i32
        %dma_start3A_167 = tpu.memref_slice %arg8[%dma_start3A_164, %dma_start3A_165, %dma_start3A_166] : memref<2x128x128xf32, #tpu.memory_space<vmem>> -> memref<1x128x128xf32, #tpu.memory_space<vmem>>
        %dma_start3A_168 = tpu.memref_squeeze %dma_start3A_167 : memref<1x128x128xf32, #tpu.memory_space<vmem>> -> memref<128x128xf32, #tpu.memory_space<vmem>>
        %dma_start3A_169 = arith.constant 0 : i32
        %dma_start3A_170 = tpu.memref_slice %arg6[%rem3A_163, %dma_start3A_169] : memref<32x128xi32, #tpu.memory_space<vmem>> -> memref<1x128xi32, #tpu.memory_space<vmem>>
        %dma_start3A_171 = tpu.memref_squeeze %dma_start3A_170 : memref<1x128xi32, #tpu.memory_space<vmem>> -> memref<128xi32, #tpu.memory_space<vmem>>
        %dma_start3A_172 = arith.constant 0 : i32
        %dma_start3A_173 = arith.constant 0 : i32
        %dma_start3A_174 = tpu.memref_slice %arg2[%dma_start3A_172, %dma_start3A_173] : memref<10240x128xf32, #tpu.memory_space<hbm>> -> memref<10240x128xf32, #tpu.memory_space<hbm>>
        tpu.enqueue_indirect_dma source(%dma_start3A_174 : memref<10240x128xf32, #tpu.memory_space<hbm>>) target(%dma_start3A_168 : memref<128x128xf32, #tpu.memory_space<vmem>>) offsets(%dma_start3A_171 : memref<128xi32, #tpu.memory_space<vmem>>) semaphore(%arg11 : memref<!tpu.dma_semaphore, #tpu.memory_space<semaphore_mem>>)
      } else {
      }
      %rem3A_92 = arith.constant 32 : i32
      %rem3A_93 = arith.remsi %add3A_56, %rem3A_92 : i32
      %dma_start3A_94 = arith.constant 0 : i32
      %dma_start3A_95 = arith.constant 0 : i32
      %dma_start3A_96 = arith.constant 0 : i32
      %dma_start3A_97 = tpu.memref_slice %arg8[%dma_start3A_94, %dma_start3A_95, %dma_start3A_96] : memref<2x128x128xf32, #tpu.memory_space<vmem>> -> memref<1x128x128xf32, #tpu.memory_space<vmem>>
      %dma_start3A_98 = tpu.memref_squeeze %dma_start3A_97 : memref<1x128x128xf32, #tpu.memory_space<vmem>> -> memref<128x128xf32, #tpu.memory_space<vmem>>
      %dma_start3A_99 = arith.constant 0 : i32
      %dma_start3A_100 = tpu.memref_slice %arg7[%rem3A_93, %dma_start3A_99] : memref<32x128xi32, #tpu.memory_space<vmem>> -> memref<1x128xi32, #tpu.memory_space<vmem>>
      %dma_start3A_101 = tpu.memref_squeeze %dma_start3A_100 : memref<1x128xi32, #tpu.memory_space<vmem>> -> memref<128xi32, #tpu.memory_space<vmem>>
      %dma_start3A_102 = arith.constant 0 : i32
      %dma_start3A_103 = arith.constant 0 : i32
      %dma_start3A_104 = tpu.memref_slice %arg9[%dma_start3A_102, %dma_start3A_103] : memref<10240x128xf32, #tpu.memory_space<vmem_shared>> -> memref<10240x128xf32, #tpu.memory_space<vmem_shared>>
      tpu.enqueue_indirect_dma source(%dma_start3A_98 : memref<128x128xf32, #tpu.memory_space<vmem>>) target(%dma_start3A_104 : memref<10240x128xf32, #tpu.memory_space<vmem_shared>>) offsets(%dma_start3A_101 : memref<128xi32, #tpu.memory_space<vmem>>) semaphore(%arg12 : memref<!tpu.dma_semaphore, #tpu.memory_space<semaphore_mem>>) {add = true}
      %add3A_105 = arith.constant 1 : i32
      %add3A_106 = arith.addi %add3A_54, %add3A_105 : i32
      %dma_wait3A_107 = arith.constant 1 : i32
      %dma_wait3A_108 = arith.constant 0 : i32
      %dma_wait3A_109 = arith.constant 0 : i32
      %dma_wait3A_110 = tpu.memref_slice %arg8[%dma_wait3A_107, %dma_wait3A_108, %dma_wait3A_109] : memref<2x128x128xf32, #tpu.memory_space<vmem>> -> memref<1x128x128xf32, #tpu.memory_space<vmem>>
      %dma_wait3A_111 = tpu.memref_squeeze %dma_wait3A_110 : memref<1x128x128xf32, #tpu.memory_space<vmem>> -> memref<128x128xf32, #tpu.memory_space<vmem>>
      %dma_wait3A_112 = arith.constant 0 : i32
      %dma_wait3A_113 = arith.constant 0 : i32
      %dma_wait3A_114 = tpu.memref_slice %arg2[%dma_wait3A_112, %dma_wait3A_113] : memref<10240x128xf32, #tpu.memory_space<hbm>> -> memref<128x128xf32, #tpu.memory_space<hbm>>
      %dma_wait3A_115 = arith.constant 0 : i32
      %dma_wait3A_116 = arith.constant 0 : i32
      %dma_wait3A_117 = tpu.memref_slice %arg8[%dma_wait3A_107, %dma_wait3A_115, %dma_wait3A_116] : memref<2x128x128xf32, #tpu.memory_space<vmem>> -> memref<1x128x128xf32, #tpu.memory_space<vmem>>
      %dma_wait3A_118 = tpu.memref_squeeze %dma_wait3A_117 : memref<1x128x128xf32, #tpu.memory_space<vmem>> -> memref<128x128xf32, #tpu.memory_space<vmem>>
      %dma_wait3A_119 = arith.constant 0 : i32
      %dma_wait3A_120 = arith.constant 0 : i32
      %dma_wait3A_121 = tpu.memref_slice %arg2[%dma_wait3A_119, %dma_wait3A_120] : memref<10240x128xf32, #tpu.memory_space<hbm>> -> memref<128x128xf32, #tpu.memory_space<hbm>>
      tpu.wait_dma2 semaphore(%arg11 : memref<!tpu.dma_semaphore, #tpu.memory_space<semaphore_mem>>) src(%dma_wait3A_121 : memref<128x128xf32, #tpu.memory_space<hbm>>) dst(%dma_wait3A_118 : memref<128x128xf32, #tpu.memory_space<vmem>>)
      %add3A_122 = arith.constant 1 : i32
      %add3A_123 = arith.addi %add3A_106, %add3A_122 : i32
      %ge3A_124 = arith.constant 1 : i32
      %ge3A_125 = arith.cmpi sge, %add3A_106, %ge3A_124 : i32
      %convert_element_type3A_126 = arith.extui %ge3A_125 : i1 to i32
      %cond3A_127 = arith.constant 0 : i32
      %cond3A_128 = arith.cmpi ne, %convert_element_type3A_126, %cond3A_127 : i32
      scf.if %cond3A_128 {
        %dma_wait3A_162 = arith.constant 0 : i32
        %dma_wait3A_163 = arith.constant 0 : i32
        %dma_wait3A_164 = arith.constant 0 : i32
        %dma_wait3A_165 = tpu.memref_slice %arg8[%dma_wait3A_162, %dma_wait3A_163, %dma_wait3A_164] : memref<2x128x128xf32, #tpu.memory_space<vmem>> -> memref<1x128x128xf32, #tpu.memory_space<vmem>>
        %dma_wait3A_166 = tpu.memref_squeeze %dma_wait3A_165 : memref<1x128x128xf32, #tpu.memory_space<vmem>> -> memref<128x128xf32, #tpu.memory_space<vmem>>
        %dma_wait3A_167 = arith.constant 0 : i32
        %dma_wait3A_168 = arith.constant 0 : i32
        %dma_wait3A_169 = tpu.memref_slice %arg9[%dma_wait3A_167, %dma_wait3A_168] : memref<10240x128xf32, #tpu.memory_space<vmem_shared>> -> memref<128x128xf32, #tpu.memory_space<vmem_shared>>
        %dma_wait3A_170 = arith.constant 0 : i32
        %dma_wait3A_171 = arith.constant 0 : i32
        %dma_wait3A_172 = tpu.memref_slice %arg9[%dma_wait3A_170, %dma_wait3A_171] : memref<10240x128xf32, #tpu.memory_space<vmem_shared>> -> memref<128x128xf32, #tpu.memory_space<vmem_shared>>
        %dma_wait3A_173 = arith.constant 0 : i32
        %dma_wait3A_174 = arith.constant 0 : i32
        %dma_wait3A_175 = tpu.memref_slice %arg8[%dma_wait3A_162, %dma_wait3A_173, %dma_wait3A_174] : memref<2x128x128xf32, #tpu.memory_space<vmem>> -> memref<1x128x128xf32, #tpu.memory_space<vmem>>
        %dma_wait3A_176 = tpu.memref_squeeze %dma_wait3A_175 : memref<1x128x128xf32, #tpu.memory_space<vmem>> -> memref<128x128xf32, #tpu.memory_space<vmem>>
        tpu.wait_dma2 semaphore(%arg12 : memref<!tpu.dma_semaphore, #tpu.memory_space<semaphore_mem>>) src(%dma_wait3A_176 : memref<128x128xf32, #tpu.memory_space<vmem>>) dst(%dma_wait3A_172 : memref<128x128xf32, #tpu.memory_space<vmem_shared>>)
      } else {
      }
      %rem3A_129 = arith.constant 16 : i32
      %rem3A_130 = arith.remsi %add3A_106, %rem3A_129 : i32
      %eq3A_131 = arith.constant 0 : i32
      %eq3A_132 = arith.cmpi eq, %rem3A_130, %eq3A_131 : i32
      %ge3A_133 = arith.constant 1 : i32
      %ge3A_134 = arith.cmpi sge, %add3A_106, %ge3A_133 : i32
      %and3A_135 = arith.andi %eq3A_132, %ge3A_134 : i1
      %add3A_136 = arith.constant 16 : i32
      %add3A_137 = arith.addi %add3A_106, %add3A_136 : i32
      %lt3A_138 = arith.constant 80 : i32
      %lt3A_139 = arith.cmpi slt, %add3A_137, %lt3A_138 : i32
      %and3A_140 = arith.andi %and3A_135, %lt3A_139 : i1
      %convert_element_type3A_141 = arith.extui %and3A_140 : i1 to i32
      %cond3A_142 = arith.constant 0 : i32
      %cond3A_143 = arith.cmpi ne, %convert_element_type3A_141, %cond3A_142 : i32
      scf.if %cond3A_143 {
        %mul3A_162 = arith.constant 80 : i32
        %mul3A_163 = arith.muli %add3A, %mul3A_162 : i32
        %add3A_164 = arith.addi %mul3A_163, %add3A_106 : i32
        %add3A_165 = arith.constant 16 : i32
        %add3A_166 = arith.addi %add3A_164, %add3A_165 : i32
        %multiple_of3A_167 = tpu.assume_multiple %add3A_166, 8 : i32
        %add3A_168 = arith.constant 16 : i32
        %add3A_169 = arith.addi %add3A_106, %add3A_168 : i32
        %rem3A_170 = arith.constant 32 : i32
        %rem3A_171 = arith.remsi %add3A_169, %rem3A_170 : i32
        %multiple_of3A_172 = tpu.assume_multiple %rem3A_171, 8 : i32
        "tpu.region"() ({
          %run_scoped3A = tpu.sem_alloc : memref<!tpu.dma_semaphore, #tpu.memory_space<semaphore_mem>>
          %dma_start3A_173 = arith.constant 0 : i32
          %dma_start3A_174 = tpu.memref_slice %arg6[%multiple_of3A_172, %dma_start3A_173] : memref<32x128xi32, #tpu.memory_space<vmem>> -> memref<16x128xi32, #tpu.memory_space<vmem>>
          %dma_start3A_175 = arith.constant 0 : i32
          %dma_start3A_176 = tpu.memref_slice %arg3[%multiple_of3A_167, %dma_start3A_175] : memref<2560x128xi32, #tpu.memory_space<hbm>> -> memref<16x128xi32, #tpu.memory_space<hbm>>
          %dma_start3A_177 = arith.constant 0 : i32
          %dma_start3A_178 = tpu.memref_slice %arg6[%multiple_of3A_172, %dma_start3A_177] : memref<32x128xi32, #tpu.memory_space<vmem>> -> memref<16x128xi32, #tpu.memory_space<vmem>>
          %dma_start3A_179 = arith.constant 0 : i32
          %dma_start3A_180 = tpu.memref_slice %arg3[%multiple_of3A_167, %dma_start3A_179] : memref<2560x128xi32, #tpu.memory_space<hbm>> -> memref<16x128xi32, #tpu.memory_space<hbm>>
          tpu.enqueue_dma source(%dma_start3A_180 : memref<16x128xi32, #tpu.memory_space<hbm>>) target(%dma_start3A_178 : memref<16x128xi32, #tpu.memory_space<vmem>>) target_semaphore(%run_scoped3A : memref<!tpu.dma_semaphore, #tpu.memory_space<semaphore_mem>>)
          %dma_wait3A_181 = arith.constant 0 : i32
          %dma_wait3A_182 = tpu.memref_slice %arg6[%multiple_of3A_172, %dma_wait3A_181] : memref<32x128xi32, #tpu.memory_space<vmem>> -> memref<16x128xi32, #tpu.memory_space<vmem>>
          %dma_wait3A_183 = arith.constant 0 : i32
          %dma_wait3A_184 = tpu.memref_slice %arg3[%multiple_of3A_167, %dma_wait3A_183] : memref<2560x128xi32, #tpu.memory_space<hbm>> -> memref<16x128xi32, #tpu.memory_space<hbm>>
          %dma_wait3A_185 = arith.constant 0 : i32
          %dma_wait3A_186 = tpu.memref_slice %arg6[%multiple_of3A_172, %dma_wait3A_185] : memref<32x128xi32, #tpu.memory_space<vmem>> -> memref<16x128xi32, #tpu.memory_space<vmem>>
          %dma_wait3A_187 = arith.constant 0 : i32
          %dma_wait3A_188 = tpu.memref_slice %arg3[%multiple_of3A_167, %dma_wait3A_187] : memref<2560x128xi32, #tpu.memory_space<hbm>> -> memref<16x128xi32, #tpu.memory_space<hbm>>
          tpu.wait_dma2 semaphore(%run_scoped3A : memref<!tpu.dma_semaphore, #tpu.memory_space<semaphore_mem>>) src(%dma_wait3A_188 : memref<16x128xi32, #tpu.memory_space<hbm>>) dst(%dma_wait3A_186 : memref<16x128xi32, #tpu.memory_space<vmem>>)
          tpu.yield
        }) : () -> ()
        "tpu.region"() ({
          %run_scoped3A = tpu.sem_alloc : memref<!tpu.dma_semaphore, #tpu.memory_space<semaphore_mem>>
          %dma_start3A_173 = arith.constant 0 : i32
          %dma_start3A_174 = tpu.memref_slice %arg7[%multiple_of3A_172, %dma_start3A_173] : memref<32x128xi32, #tpu.memory_space<vmem>> -> memref<16x128xi32, #tpu.memory_space<vmem>>
          %dma_start3A_175 = arith.constant 0 : i32
          %dma_start3A_176 = tpu.memref_slice %arg4[%multiple_of3A_167, %dma_start3A_175] : memref<2560x128xi32, #tpu.memory_space<hbm>> -> memref<16x128xi32, #tpu.memory_space<hbm>>
          %dma_start3A_177 = arith.constant 0 : i32
          %dma_start3A_178 = tpu.memref_slice %arg7[%multiple_of3A_172, %dma_start3A_177] : memref<32x128xi32, #tpu.memory_space<vmem>> -> memref<16x128xi32, #tpu.memory_space<vmem>>
          %dma_start3A_179 = arith.constant 0 : i32
          %dma_start3A_180 = tpu.memref_slice %arg4[%multiple_of3A_167, %dma_start3A_179] : memref<2560x128xi32, #tpu.memory_space<hbm>> -> memref<16x128xi32, #tpu.memory_space<hbm>>
          tpu.enqueue_dma source(%dma_start3A_180 : memref<16x128xi32, #tpu.memory_space<hbm>>) target(%dma_start3A_178 : memref<16x128xi32, #tpu.memory_space<vmem>>) target_semaphore(%run_scoped3A : memref<!tpu.dma_semaphore, #tpu.memory_space<semaphore_mem>>)
          %dma_wait3A_181 = arith.constant 0 : i32
          %dma_wait3A_182 = tpu.memref_slice %arg7[%multiple_of3A_172, %dma_wait3A_181] : memref<32x128xi32, #tpu.memory_space<vmem>> -> memref<16x128xi32, #tpu.memory_space<vmem>>
          %dma_wait3A_183 = arith.constant 0 : i32
          %dma_wait3A_184 = tpu.memref_slice %arg4[%multiple_of3A_167, %dma_wait3A_183] : memref<2560x128xi32, #tpu.memory_space<hbm>> -> memref<16x128xi32, #tpu.memory_space<hbm>>
          %dma_wait3A_185 = arith.constant 0 : i32
          %dma_wait3A_186 = tpu.memref_slice %arg7[%multiple_of3A_172, %dma_wait3A_185] : memref<32x128xi32, #tpu.memory_space<vmem>> -> memref<16x128xi32, #tpu.memory_space<vmem>>
          %dma_wait3A_187 = arith.constant 0 : i32
          %dma_wait3A_188 = tpu.memref_slice %arg4[%multiple_of3A_167, %dma_wait3A_187] : memref<2560x128xi32, #tpu.memory_space<hbm>> -> memref<16x128xi32, #tpu.memory_space<hbm>>
          tpu.wait_dma2 semaphore(%run_scoped3A : memref<!tpu.dma_semaphore, #tpu.memory_space<semaphore_mem>>) src(%dma_wait3A_188 : memref<16x128xi32, #tpu.memory_space<hbm>>) dst(%dma_wait3A_186 : memref<16x128xi32, #tpu.memory_space<vmem>>)
          tpu.yield
        }) : () -> ()
      } else {
      }
      %lt3A_144 = arith.constant 80 : i32
      %lt3A_145 = arith.cmpi slt, %add3A_123, %lt3A_144 : i32
      %convert_element_type3A_146 = arith.extui %lt3A_145 : i1 to i32
      %cond3A_147 = arith.constant 0 : i32
      %cond3A_148 = arith.cmpi ne, %convert_element_type3A_146, %cond3A_147 : i32
      scf.if %cond3A_148 {
        %rem3A_162 = arith.constant 32 : i32
        %rem3A_163 = arith.remsi %add3A_123, %rem3A_162 : i32
        %dma_start3A_164 = arith.constant 0 : i32
        %dma_start3A_165 = arith.constant 0 : i32
        %dma_start3A_166 = arith.constant 0 : i32
        %dma_start3A_167 = tpu.memref_slice %arg8[%dma_start3A_164, %dma_start3A_165, %dma_start3A_166] : memref<2x128x128xf32, #tpu.memory_space<vmem>> -> memref<1x128x128xf32, #tpu.memory_space<vmem>>
        %dma_start3A_168 = tpu.memref_squeeze %dma_start3A_167 : memref<1x128x128xf32, #tpu.memory_space<vmem>> -> memref<128x128xf32, #tpu.memory_space<vmem>>
        %dma_start3A_169 = arith.constant 0 : i32
        %dma_start3A_170 = tpu.memref_slice %arg6[%rem3A_163, %dma_start3A_169] : memref<32x128xi32, #tpu.memory_space<vmem>> -> memref<1x128xi32, #tpu.memory_space<vmem>>
        %dma_start3A_171 = tpu.memref_squeeze %dma_start3A_170 : memref<1x128xi32, #tpu.memory_space<vmem>> -> memref<128xi32, #tpu.memory_space<vmem>>
        %dma_start3A_172 = arith.constant 0 : i32
        %dma_start3A_173 = arith.constant 0 : i32
        %dma_start3A_174 = tpu.memref_slice %arg2[%dma_start3A_172, %dma_start3A_173] : memref<10240x128xf32, #tpu.memory_space<hbm>> -> memref<10240x128xf32, #tpu.memory_space<hbm>>
        tpu.enqueue_indirect_dma source(%dma_start3A_174 : memref<10240x128xf32, #tpu.memory_space<hbm>>) target(%dma_start3A_168 : memref<128x128xf32, #tpu.memory_space<vmem>>) offsets(%dma_start3A_171 : memref<128xi32, #tpu.memory_space<vmem>>) semaphore(%arg10 : memref<!tpu.dma_semaphore, #tpu.memory_space<semaphore_mem>>)
      } else {
      }
      %rem3A_149 = arith.constant 32 : i32
      %rem3A_150 = arith.remsi %add3A_106, %rem3A_149 : i32
      %dma_start3A_151 = arith.constant 1 : i32
      %dma_start3A_152 = arith.constant 0 : i32
      %dma_start3A_153 = arith.constant 0 : i32
      %dma_start3A_154 = tpu.memref_slice %arg8[%dma_start3A_151, %dma_start3A_152, %dma_start3A_153] : memref<2x128x128xf32, #tpu.memory_space<vmem>> -> memref<1x128x128xf32, #tpu.memory_space<vmem>>
      %dma_start3A_155 = tpu.memref_squeeze %dma_start3A_154 : memref<1x128x128xf32, #tpu.memory_space<vmem>> -> memref<128x128xf32, #tpu.memory_space<vmem>>
      %dma_start3A_156 = arith.constant 0 : i32
      %dma_start3A_157 = tpu.memref_slice %arg7[%rem3A_150, %dma_start3A_156] : memref<32x128xi32, #tpu.memory_space<vmem>> -> memref<1x128xi32, #tpu.memory_space<vmem>>
      %dma_start3A_158 = tpu.memref_squeeze %dma_start3A_157 : memref<1x128xi32, #tpu.memory_space<vmem>> -> memref<128xi32, #tpu.memory_space<vmem>>
      %dma_start3A_159 = arith.constant 0 : i32
      %dma_start3A_160 = arith.constant 0 : i32
      %dma_start3A_161 = tpu.memref_slice %arg9[%dma_start3A_159, %dma_start3A_160] : memref<10240x128xf32, #tpu.memory_space<vmem_shared>> -> memref<10240x128xf32, #tpu.memory_space<vmem_shared>>
      tpu.enqueue_indirect_dma source(%dma_start3A_155 : memref<128x128xf32, #tpu.memory_space<vmem>>) target(%dma_start3A_161 : memref<10240x128xf32, #tpu.memory_space<vmem_shared>>) offsets(%dma_start3A_158 : memref<128xi32, #tpu.memory_space<vmem>>) semaphore(%arg13 : memref<!tpu.dma_semaphore, #tpu.memory_space<semaphore_mem>>) {add = true}
    }
    %scan3A_29 = arith.constant 40 : i32
    %dma_wait3A = arith.constant 1 : i32
    %dma_wait3A_30 = arith.constant 0 : i32
    %dma_wait3A_31 = arith.constant 0 : i32
    %dma_wait3A_32 = tpu.memref_slice %arg8[%dma_wait3A, %dma_wait3A_30, %dma_wait3A_31] : memref<2x128x128xf32, #tpu.memory_space<vmem>> -> memref<1x128x128xf32, #tpu.memory_space<vmem>>
    %dma_wait3A_33 = tpu.memref_squeeze %dma_wait3A_32 : memref<1x128x128xf32, #tpu.memory_space<vmem>> -> memref<128x128xf32, #tpu.memory_space<vmem>>
    %dma_wait3A_34 = arith.constant 0 : i32
    %dma_wait3A_35 = arith.constant 0 : i32
    %dma_wait3A_36 = tpu.memref_slice %arg9[%dma_wait3A_34, %dma_wait3A_35] : memref<10240x128xf32, #tpu.memory_space<vmem_shared>> -> memref<128x128xf32, #tpu.memory_space<vmem_shared>>
    %dma_wait3A_37 = arith.constant 0 : i32
    %dma_wait3A_38 = arith.constant 0 : i32
    %dma_wait3A_39 = tpu.memref_slice %arg9[%dma_wait3A_37, %dma_wait3A_38] : memref<10240x128xf32, #tpu.memory_space<vmem_shared>> -> memref<128x128xf32, #tpu.memory_space<vmem_shared>>
    %dma_wait3A_40 = arith.constant 0 : i32
    %dma_wait3A_41 = arith.constant 0 : i32
    %dma_wait3A_42 = tpu.memref_slice %arg8[%dma_wait3A, %dma_wait3A_40, %dma_wait3A_41] : memref<2x128x128xf32, #tpu.memory_space<vmem>> -> memref<1x128x128xf32, #tpu.memory_space<vmem>>
    %dma_wait3A_43 = tpu.memref_squeeze %dma_wait3A_42 : memref<1x128x128xf32, #tpu.memory_space<vmem>> -> memref<128x128xf32, #tpu.memory_space<vmem>>
    tpu.wait_dma2 semaphore(%arg13 : memref<!tpu.dma_semaphore, #tpu.memory_space<semaphore_mem>>) src(%dma_wait3A_43 : memref<128x128xf32, #tpu.memory_space<vmem>>) dst(%dma_wait3A_39 : memref<128x128xf32, #tpu.memory_space<vmem_shared>>)
    %barrier3A_44 = arith.constant 0 : index
    tpu.barrier barrier_id(%barrier3A_44)
    %scan3A_45 = arith.constant 0 : i32
    %scan3A_46 = arith.constant 5 : i32
    %scan3A_47 = arith.addi %scan3A_45, %scan3A_46 : i32
    %scan3A_48 = arith.constant 1 : i32
    scf.for %scan3A_50 = %scan3A_45 to %scan3A_47 step %scan3A_48  : i32 {
      %mul3A_51 = arith.constant 128 : i32
      %mul3A_52 = arith.muli %scan3A_50, %mul3A_51 : i32
      %add3A_53 = arith.constant 0 : i32
      %add3A_54 = arith.addi %add3A_53, %mul3A_52 : i32
      %add3A_55 = arith.addi %mul3A_2, %add3A_54 : i32
      %add3A_56 = arith.addi %mul3A_2, %add3A_54 : i32
      "tpu.region"() ({
        %run_scoped3A = tpu.sem_alloc : memref<!tpu.dma_semaphore, #tpu.memory_space<semaphore_mem>>
        %dma_start3A_57 = arith.constant 0 : i32
        %dma_start3A_58 = tpu.memref_slice %arg5[%arg0, %add3A_56, %dma_start3A_57] : memref<2x10240x128xf32, #tpu.memory_space<hbm>> -> memref<1x128x128xf32, #tpu.memory_space<hbm>>
        %dma_start3A_59 = tpu.memref_squeeze %dma_start3A_58 : memref<1x128x128xf32, #tpu.memory_space<hbm>> -> memref<128x128xf32, #tpu.memory_space<hbm>>
        %dma_start3A_60 = arith.constant 0 : i32
        %dma_start3A_61 = tpu.memref_slice %arg9[%add3A_55, %dma_start3A_60] : memref<10240x128xf32, #tpu.memory_space<vmem_shared>> -> memref<128x128xf32, #tpu.memory_space<vmem_shared>>
        tpu.enqueue_dma source(%dma_start3A_61 : memref<128x128xf32, #tpu.memory_space<vmem_shared>>) target(%dma_start3A_59 : memref<128x128xf32, #tpu.memory_space<hbm>>) target_semaphore(%run_scoped3A : memref<!tpu.dma_semaphore, #tpu.memory_space<semaphore_mem>>)
        %dma_wait3A_62 = arith.constant 0 : i32
        %dma_wait3A_63 = tpu.memref_slice %arg5[%arg0, %add3A_56, %dma_wait3A_62] : memref<2x10240x128xf32, #tpu.memory_space<hbm>> -> memref<1x128x128xf32, #tpu.memory_space<hbm>>
        %dma_wait3A_64 = tpu.memref_squeeze %dma_wait3A_63 : memref<1x128x128xf32, #tpu.memory_space<hbm>> -> memref<128x128xf32, #tpu.memory_space<hbm>>
        %dma_wait3A_65 = arith.constant 0 : i32
        %dma_wait3A_66 = tpu.memref_slice %arg9[%add3A_55, %dma_wait3A_65] : memref<10240x128xf32, #tpu.memory_space<vmem_shared>> -> memref<128x128xf32, #tpu.memory_space<vmem_shared>>
        tpu.wait_dma2 semaphore(%run_scoped3A : memref<!tpu.dma_semaphore, #tpu.memory_space<semaphore_mem>>) src(%dma_wait3A_66 : memref<128x128xf32, #tpu.memory_space<vmem_shared>>) dst(%dma_wait3A_64 : memref<128x128xf32, #tpu.memory_space<hbm>>)
        tpu.yield
      }) : () -> ()
    }
    %scan3A_49 = arith.constant 5 : i32
    return
  }
}

#map = affine_map<(d0, d1) -> (0, 0)>
#map1 = affine_map<(d0, d1) -> (0, 0, 0)>
module attributes {stable_mosaic.version = 14 : i64} {
  func.func @_sc_aggregate(%arg0: i32, %arg1: i32, %arg2: memref<10240x128xf32, #tpu.memory_space<hbm>>, %arg3: memref<2560x128xi32, #tpu.memory_space<hbm>>, %arg4: memref<2560x128xi32, #tpu.memory_space<hbm>>, %arg5: memref<2x10240x128xf32, #tpu.memory_space<hbm>>, %arg6: memref<32x128xi32, #tpu.memory_space<vmem>>, %arg7: memref<32x128xi32, #tpu.memory_space<vmem>>, %arg8: memref<2x128x128xf32, #tpu.memory_space<vmem>>, %arg9: memref<10240x128xf32, #tpu.memory_space<vmem_shared>>, %arg10: memref<!tpu.dma_semaphore, #tpu.memory_space<semaphore_mem>>, %arg11: memref<!tpu.dma_semaphore, #tpu.memory_space<semaphore_mem>>, %arg12: memref<!tpu.dma_semaphore, #tpu.memory_space<semaphore_mem>>, %arg13: memref<!tpu.dma_semaphore, #tpu.memory_space<semaphore_mem>>) attributes {dimension_semantics = [#tpu.dimension_semantics<core_parallel>, #tpu.dimension_semantics<subcore_parallel>], iteration_bounds = array<i64: 2, 16>, scalar_prefetch = 0 : i64, scratch_operands = 8 : i64, tpu.core_type = #tpu.core_type<sc_vector_subcore>, window_params = [{transform_indices = #map}, {transform_indices = #map}, {transform_indices = #map}, {transform_indices = #map1}]} {
    %mul3A = arith.constant 2 : i32
    %mul3A_0 = arith.muli %arg1, %mul3A : i32
    %add3A = arith.addi %mul3A_0, %arg0 : i32
    %mul3A_1 = arith.constant 640 : i32
    %mul3A_2 = arith.muli %arg1, %mul3A_1 : i32
    %scan3A = arith.constant 0 : i32
    %scan3A_3 = arith.constant 128 : i32
    %scan3A_4 = arith.addi %scan3A, %scan3A_3 : i32
    %scan3A_5 = arith.constant 1 : i32
    scf.for %scan3A_50 = %scan3A to %scan3A_4 step %scan3A_5  : i32 {
      %mul3A_51 = arith.constant 1 : i32
      %mul3A_52 = arith.muli %scan3A_50, %mul3A_51 : i32
      %add3A_53 = arith.constant 0 : i32
      %add3A_54 = arith.addi %add3A_53, %mul3A_52 : i32
      %scan3A_55 = arith.constant 0 : i32
      %scan3A_56 = arith.constant 8 : i32
      %scan3A_57 = arith.addi %scan3A_55, %scan3A_56 : i32
      %scan3A_58 = arith.constant 1 : i32
      scf.for %scan3A_60 = %scan3A_55 to %scan3A_57 step %scan3A_58  : i32 {
        %mul3A_61 = arith.constant 16 : i32
        %mul3A_62 = arith.muli %scan3A_60, %mul3A_61 : i32
        %add3A_63 = arith.constant 0 : i32
        %add3A_64 = arith.addi %add3A_63, %mul3A_62 : i32
        %broadcast_in_dim3A = arith.constant 0.000000e+00 : f32
        %broadcast_in_dim3A_65 = vector.broadcast %broadcast_in_dim3A : f32 to vector<16xf32>
        %swap3A = arith.constant 0 : i32
        %swap3A_66 = arith.index_cast %swap3A : i32 to index
        %swap3A_67 = arith.index_cast %add3A_54 : i32 to index
        %swap3A_68 = arith.index_cast %add3A_64 : i32 to index
        %swap3A_69 = tpu.vector_load %arg8[%swap3A_66, %swap3A_67, %swap3A_68] {strides = array<i32>} : memref<2x128x128xf32, #tpu.memory_space<vmem>>, vector<1x1x16xf32>,
        %swap3A_70 = vector.shape_cast %swap3A_69 : vector<1x1x16xf32> to vector<16xf32>
        %swap3A_71 = vector.shape_cast %broadcast_in_dim3A_65 : vector<16xf32> to vector<1x1x16xf32>
        tpu.vector_store %arg8[%swap3A_66, %swap3A_67, %swap3A_68], %swap3A_71 {strides = array<i32>} : memref<2x128x128xf32, #tpu.memory_space<vmem>>, vector<1x1x16xf32>,
      }
      %scan3A_59 = arith.constant 8 : i32
    }
    %scan3A_6 = arith.constant 128 : i32
    %scan3A_7 = arith.constant 0 : i32
    %scan3A_8 = arith.constant 5 : i32
    %scan3A_9 = arith.addi %scan3A_7, %scan3A_8 : i32
    %scan3A_10 = arith.constant 1 : i32
    scf.for %scan3A_50 = %scan3A_7 to %scan3A_9 step %scan3A_10  : i32 {
      %mul3A_51 = arith.constant 128 : i32
      %mul3A_52 = arith.muli %scan3A_50, %mul3A_51 : i32
      %add3A_53 = arith.constant 0 : i32
      %add3A_54 = arith.addi %add3A_53, %mul3A_52 : i32
      %add3A_55 = arith.addi %mul3A_2, %add3A_54 : i32
      %run_scoped3A = arith.constant 0 : i32
      "tpu.region"() ({
        %run_scoped3A_56 = tpu.sem_alloc : memref<!tpu.dma_semaphore, #tpu.memory_space<semaphore_mem>>
        %dma_start3A_57 = arith.constant 0 : i32
        %dma_start3A_58 = arith.constant 0 : i32
        %dma_start3A_59 = tpu.memref_slice %arg8[%run_scoped3A, %dma_start3A_57, %dma_start3A_58] : memref<2x128x128xf32, #tpu.memory_space<vmem>> -> memref<1x128x128xf32, #tpu.memory_space<vmem>>
        %dma_start3A_60 = tpu.memref_squeeze %dma_start3A_59 : memref<1x128x128xf32, #tpu.memory_space<vmem>> -> memref<128x128xf32, #tpu.memory_space<vmem>>
        %dma_start3A_61 = arith.constant 0 : i32
        %dma_start3A_62 = tpu.memref_slice %arg9[%add3A_55, %dma_start3A_61] : memref<10240x128xf32, #tpu.memory_space<vmem_shared>> -> memref<128x128xf32, #tpu.memory_space<vmem_shared>>
        %dma_start3A_63 = arith.constant 0 : i32
        %dma_start3A_64 = tpu.memref_slice %arg9[%add3A_55, %dma_start3A_63] : memref<10240x128xf32, #tpu.memory_space<vmem_shared>> -> memref<128x128xf32, #tpu.memory_space<vmem_shared>>
        %dma_start3A_65 = arith.constant 0 : i32
        %dma_start3A_66 = arith.constant 0 : i32
        %dma_start3A_67 = tpu.memref_slice %arg8[%run_scoped3A, %dma_start3A_65, %dma_start3A_66] : memref<2x128x128xf32, #tpu.memory_space<vmem>> -> memref<1x128x128xf32, #tpu.memory_space<vmem>>
        %dma_start3A_68 = tpu.memref_squeeze %dma_start3A_67 : memref<1x128x128xf32, #tpu.memory_space<vmem>> -> memref<128x128xf32, #tpu.memory_space<vmem>>
        tpu.enqueue_dma source(%dma_start3A_68 : memref<128x128xf32, #tpu.memory_space<vmem>>) target(%dma_start3A_64 : memref<128x128xf32, #tpu.memory_space<vmem_shared>>) target_semaphore(%run_scoped3A_56 : memref<!tpu.dma_semaphore, #tpu.memory_space<semaphore_mem>>)
        %dma_wait3A_69 = arith.constant 0 : i32
        %dma_wait3A_70 = arith.constant 0 : i32
        %dma_wait3A_71 = tpu.memref_slice %arg8[%run_scoped3A, %dma_wait3A_69, %dma_wait3A_70] : memref<2x128x128xf32, #tpu.memory_space<vmem>> -> memref<1x128x128xf32, #tpu.memory_space<vmem>>
        %dma_wait3A_72 = tpu.memref_squeeze %dma_wait3A_71 : memref<1x128x128xf32, #tpu.memory_space<vmem>> -> memref<128x128xf32, #tpu.memory_space<vmem>>
        %dma_wait3A_73 = arith.constant 0 : i32
        %dma_wait3A_74 = tpu.memref_slice %arg9[%add3A_55, %dma_wait3A_73] : memref<10240x128xf32, #tpu.memory_space<vmem_shared>> -> memref<128x128xf32, #tpu.memory_space<vmem_shared>>
        %dma_wait3A_75 = arith.constant 0 : i32
        %dma_wait3A_76 = tpu.memref_slice %arg9[%add3A_55, %dma_wait3A_75] : memref<10240x128xf32, #tpu.memory_space<vmem_shared>> -> memref<128x128xf32, #tpu.memory_space<vmem_shared>>
        %dma_wait3A_77 = arith.constant 0 : i32
        %dma_wait3A_78 = arith.constant 0 : i32
        %dma_wait3A_79 = tpu.memref_slice %arg8[%run_scoped3A, %dma_wait3A_77, %dma_wait3A_78] : memref<2x128x128xf32, #tpu.memory_space<vmem>> -> memref<1x128x128xf32, #tpu.memory_space<vmem>>
        %dma_wait3A_80 = tpu.memref_squeeze %dma_wait3A_79 : memref<1x128x128xf32, #tpu.memory_space<vmem>> -> memref<128x128xf32, #tpu.memory_space<vmem>>
        tpu.wait_dma2 semaphore(%run_scoped3A_56 : memref<!tpu.dma_semaphore, #tpu.memory_space<semaphore_mem>>) src(%dma_wait3A_80 : memref<128x128xf32, #tpu.memory_space<vmem>>) dst(%dma_wait3A_76 : memref<128x128xf32, #tpu.memory_space<vmem_shared>>)
        tpu.yield
      }) : () -> ()
    }
    %scan3A_11 = arith.constant 5 : i32
    %mul3A_12 = arith.constant 80 : i32
    %mul3A_13 = arith.muli %add3A, %mul3A_12 : i32
    %multiple_of3A = tpu.assume_multiple %mul3A_13, 8 : i32
    "tpu.region"() ({
      %run_scoped3A = tpu.sem_alloc : memref<!tpu.dma_semaphore, #tpu.memory_space<semaphore_mem>>
      %dma_start3A_50 = arith.constant 0 : i32
      %dma_start3A_51 = tpu.memref_slice %arg3[%multiple_of3A, %dma_start3A_50] : memref<2560x128xi32, #tpu.memory_space<hbm>> -> memref<32x128xi32, #tpu.memory_space<hbm>>
      %dma_start3A_52 = arith.constant 0 : i32
      %dma_start3A_53 = tpu.memref_slice %arg3[%multiple_of3A, %dma_start3A_52] : memref<2560x128xi32, #tpu.memory_space<hbm>> -> memref<32x128xi32, #tpu.memory_space<hbm>>
      tpu.enqueue_dma source(%dma_start3A_53 : memref<32x128xi32, #tpu.memory_space<hbm>>) target(%arg6 : memref<32x128xi32, #tpu.memory_space<vmem>>) target_semaphore(%run_scoped3A : memref<!tpu.dma_semaphore, #tpu.memory_space<semaphore_mem>>)
      %dma_wait3A_54 = arith.constant 0 : i32
      %dma_wait3A_55 = tpu.memref_slice %arg3[%multiple_of3A, %dma_wait3A_54] : memref<2560x128xi32, #tpu.memory_space<hbm>> -> memref<32x128xi32, #tpu.memory_space<hbm>>
      %dma_wait3A_56 = arith.constant 0 : i32
      %dma_wait3A_57 = tpu.memref_slice %arg3[%multiple_of3A, %dma_wait3A_56] : memref<2560x128xi32, #tpu.memory_space<hbm>> -> memref<32x128xi32, #tpu.memory_space<hbm>>
      tpu.wait_dma2 semaphore(%run_scoped3A : memref<!tpu.dma_semaphore, #tpu.memory_space<semaphore_mem>>) src(%dma_wait3A_57 : memref<32x128xi32, #tpu.memory_space<hbm>>) dst(%arg6 : memref<32x128xi32, #tpu.memory_space<vmem>>)
      tpu.yield
    }) : () -> ()
    "tpu.region"() ({
      %run_scoped3A = tpu.sem_alloc : memref<!tpu.dma_semaphore, #tpu.memory_space<semaphore_mem>>
      %dma_start3A_50 = arith.constant 0 : i32
      %dma_start3A_51 = tpu.memref_slice %arg4[%multiple_of3A, %dma_start3A_50] : memref<2560x128xi32, #tpu.memory_space<hbm>> -> memref<32x128xi32, #tpu.memory_space<hbm>>
      %dma_start3A_52 = arith.constant 0 : i32
      %dma_start3A_53 = tpu.memref_slice %arg4[%multiple_of3A, %dma_start3A_52] : memref<2560x128xi32, #tpu.memory_space<hbm>> -> memref<32x128xi32, #tpu.memory_space<hbm>>
      tpu.enqueue_dma source(%dma_start3A_53 : memref<32x128xi32, #tpu.memory_space<hbm>>) target(%arg7 : memref<32x128xi32, #tpu.memory_space<vmem>>) target_semaphore(%run_scoped3A : memref<!tpu.dma_semaphore, #tpu.memory_space<semaphore_mem>>)
      %dma_wait3A_54 = arith.constant 0 : i32
      %dma_wait3A_55 = tpu.memref_slice %arg4[%multiple_of3A, %dma_wait3A_54] : memref<2560x128xi32, #tpu.memory_space<hbm>> -> memref<32x128xi32, #tpu.memory_space<hbm>>
      %dma_wait3A_56 = arith.constant 0 : i32
      %dma_wait3A_57 = tpu.memref_slice %arg4[%multiple_of3A, %dma_wait3A_56] : memref<2560x128xi32, #tpu.memory_space<hbm>> -> memref<32x128xi32, #tpu.memory_space<hbm>>
      tpu.wait_dma2 semaphore(%run_scoped3A : memref<!tpu.dma_semaphore, #tpu.memory_space<semaphore_mem>>) src(%dma_wait3A_57 : memref<32x128xi32, #tpu.memory_space<hbm>>) dst(%arg7 : memref<32x128xi32, #tpu.memory_space<vmem>>)
      tpu.yield
    }) : () -> ()
    %dma_start3A = arith.constant 0 : i32
    %dma_start3A_14 = arith.constant 0 : i32
    %dma_start3A_15 = arith.constant 0 : i32
    %dma_start3A_16 = arith.constant 0 : i32
    %dma_start3A_17 = tpu.memref_slice %arg8[%dma_start3A_14, %dma_start3A_15, %dma_start3A_16] : memref<2x128x128xf32, #tpu.memory_space<vmem>> -> memref<1x128x128xf32, #tpu.memory_space<vmem>>
    %dma_start3A_18 = tpu.memref_squeeze %dma_start3A_17 : memref<1x128x128xf32, #tpu.memory_space<vmem>> -> memref<128x128xf32, #tpu.memory_space<vmem>>
    %dma_start3A_19 = arith.constant 0 : i32
    %dma_start3A_20 = tpu.memref_slice %arg6[%dma_start3A, %dma_start3A_19] : memref<32x128xi32, #tpu.memory_space<vmem>> -> memref<1x128xi32, #tpu.memory_space<vmem>>
    %dma_start3A_21 = tpu.memref_squeeze %dma_start3A_20 : memref<1x128xi32, #tpu.memory_space<vmem>> -> memref<128xi32, #tpu.memory_space<vmem>>
    %dma_start3A_22 = arith.constant 0 : i32
    %dma_start3A_23 = arith.constant 0 : i32
    %dma_start3A_24 = tpu.memref_slice %arg2[%dma_start3A_22, %dma_start3A_23] : memref<10240x128xf32, #tpu.memory_space<hbm>> -> memref<10240x128xf32, #tpu.memory_space<hbm>>
    tpu.enqueue_indirect_dma source(%dma_start3A_24 : memref<10240x128xf32, #tpu.memory_space<hbm>>) target(%dma_start3A_18 : memref<128x128xf32, #tpu.memory_space<vmem>>) offsets(%dma_start3A_21 : memref<128xi32, #tpu.memory_space<vmem>>) semaphore(%arg10 : memref<!tpu.dma_semaphore, #tpu.memory_space<semaphore_mem>>)
    %barrier3A = arith.constant 0 : index
    tpu.barrier barrier_id(%barrier3A)
    %scan3A_25 = arith.constant 0 : i32
    %scan3A_26 = arith.constant 40 : i32
    %scan3A_27 = arith.addi %scan3A_25, %scan3A_26 : i32
    %scan3A_28 = arith.constant 1 : i32
    scf.for %scan3A_50 = %scan3A_25 to %scan3A_27 step %scan3A_28  : i32 {
      %mul3A_51 = arith.constant 2 : i32
      %mul3A_52 = arith.muli %scan3A_50, %mul3A_51 : i32
      %add3A_53 = arith.constant 0 : i32
      %add3A_54 = arith.addi %add3A_53, %mul3A_52 : i32
      %add3A_55 = arith.constant 0 : i32
      %add3A_56 = arith.addi %add3A_54, %add3A_55 : i32
      %dma_wait3A_57 = arith.constant 0 : i32
      %dma_wait3A_58 = arith.constant 0 : i32
      %dma_wait3A_59 = arith.constant 0 : i32
      %dma_wait3A_60 = tpu.memref_slice %arg8[%dma_wait3A_57, %dma_wait3A_58, %dma_wait3A_59] : memref<2x128x128xf32, #tpu.memory_space<vmem>> -> memref<1x128x128xf32, #tpu.memory_space<vmem>>
      %dma_wait3A_61 = tpu.memref_squeeze %dma_wait3A_60 : memref<1x128x128xf32, #tpu.memory_space<vmem>> -> memref<128x128xf32, #tpu.memory_space<vmem>>
      %dma_wait3A_62 = arith.constant 0 : i32
      %dma_wait3A_63 = arith.constant 0 : i32
      %dma_wait3A_64 = tpu.memref_slice %arg2[%dma_wait3A_62, %dma_wait3A_63] : memref<10240x128xf32, #tpu.memory_space<hbm>> -> memref<128x128xf32, #tpu.memory_space<hbm>>
      %dma_wait3A_65 = arith.constant 0 : i32
      %dma_wait3A_66 = arith.constant 0 : i32
      %dma_wait3A_67 = tpu.memref_slice %arg8[%dma_wait3A_57, %dma_wait3A_65, %dma_wait3A_66] : memref<2x128x128xf32, #tpu.memory_space<vmem>> -> memref<1x128x128xf32, #tpu.memory_space<vmem>>
      %dma_wait3A_68 = tpu.memref_squeeze %dma_wait3A_67 : memref<1x128x128xf32, #tpu.memory_space<vmem>> -> memref<128x128xf32, #tpu.memory_space<vmem>>
      %dma_wait3A_69 = arith.constant 0 : i32
      %dma_wait3A_70 = arith.constant 0 : i32
      %dma_wait3A_71 = tpu.memref_slice %arg2[%dma_wait3A_69, %dma_wait3A_70] : memref<10240x128xf32, #tpu.memory_space<hbm>> -> memref<128x128xf32, #tpu.memory_space<hbm>>
      tpu.wait_dma2 semaphore(%arg10 : memref<!tpu.dma_semaphore, #tpu.memory_space<semaphore_mem>>) src(%dma_wait3A_71 : memref<128x128xf32, #tpu.memory_space<hbm>>) dst(%dma_wait3A_68 : memref<128x128xf32, #tpu.memory_space<vmem>>)
      %add3A_72 = arith.constant 1 : i32
      %add3A_73 = arith.addi %add3A_56, %add3A_72 : i32
      %ge3A = arith.constant 1 : i32
      %ge3A_74 = arith.cmpi sge, %add3A_56, %ge3A : i32
      %convert_element_type3A = arith.extui %ge3A_74 : i1 to i32
      %cond3A = arith.constant 0 : i32
      %cond3A_75 = arith.cmpi ne, %convert_element_type3A, %cond3A : i32
      scf.if %cond3A_75 {
        %dma_wait3A_162 = arith.constant 1 : i32
        %dma_wait3A_163 = arith.constant 0 : i32
        %dma_wait3A_164 = arith.constant 0 : i32
        %dma_wait3A_165 = tpu.memref_slice %arg8[%dma_wait3A_162, %dma_wait3A_163, %dma_wait3A_164] : memref<2x128x128xf32, #tpu.memory_space<vmem>> -> memref<1x128x128xf32, #tpu.memory_space<vmem>>
        %dma_wait3A_166 = tpu.memref_squeeze %dma_wait3A_165 : memref<1x128x128xf32, #tpu.memory_space<vmem>> -> memref<128x128xf32, #tpu.memory_space<vmem>>
        %dma_wait3A_167 = arith.constant 0 : i32
        %dma_wait3A_168 = arith.constant 0 : i32
        %dma_wait3A_169 = tpu.memref_slice %arg9[%dma_wait3A_167, %dma_wait3A_168] : memref<10240x128xf32, #tpu.memory_space<vmem_shared>> -> memref<128x128xf32, #tpu.memory_space<vmem_shared>>
        %dma_wait3A_170 = arith.constant 0 : i32
        %dma_wait3A_171 = arith.constant 0 : i32
        %dma_wait3A_172 = tpu.memref_slice %arg9[%dma_wait3A_170, %dma_wait3A_171] : memref<10240x128xf32, #tpu.memory_space<vmem_shared>> -> memref<128x128xf32, #tpu.memory_space<vmem_shared>>
        %dma_wait3A_173 = arith.constant 0 : i32
        %dma_wait3A_174 = arith.constant 0 : i32
        %dma_wait3A_175 = tpu.memref_slice %arg8[%dma_wait3A_162, %dma_wait3A_173, %dma_wait3A_174] : memref<2x128x128xf32, #tpu.memory_space<vmem>> -> memref<1x128x128xf32, #tpu.memory_space<vmem>>
        %dma_wait3A_176 = tpu.memref_squeeze %dma_wait3A_175 : memref<1x128x128xf32, #tpu.memory_space<vmem>> -> memref<128x128xf32, #tpu.memory_space<vmem>>
        tpu.wait_dma2 semaphore(%arg13 : memref<!tpu.dma_semaphore, #tpu.memory_space<semaphore_mem>>) src(%dma_wait3A_176 : memref<128x128xf32, #tpu.memory_space<vmem>>) dst(%dma_wait3A_172 : memref<128x128xf32, #tpu.memory_space<vmem_shared>>)
      } else {
      }
      %rem3A = arith.constant 16 : i32
      %rem3A_76 = arith.remsi %add3A_56, %rem3A : i32
      %eq3A = arith.constant 0 : i32
      %eq3A_77 = arith.cmpi eq, %rem3A_76, %eq3A : i32
      %ge3A_78 = arith.constant 1 : i32
      %ge3A_79 = arith.cmpi sge, %add3A_56, %ge3A_78 : i32
      %and3A = arith.andi %eq3A_77, %ge3A_79 : i1
      %add3A_80 = arith.constant 16 : i32
      %add3A_81 = arith.addi %add3A_56, %add3A_80 : i32
      %lt3A = arith.constant 80 : i32
      %lt3A_82 = arith.cmpi slt, %add3A_81, %lt3A : i32
      %and3A_83 = arith.andi %and3A, %lt3A_82 : i1
      %convert_element_type3A_84 = arith.extui %and3A_83 : i1 to i32
      %cond3A_85 = arith.constant 0 : i32
      %cond3A_86 = arith.cmpi ne, %convert_element_type3A_84, %cond3A_85 : i32
      scf.if %cond3A_86 {
        %mul3A_162 = arith.constant 80 : i32
        %mul3A_163 = arith.muli %add3A, %mul3A_162 : i32
        %add3A_164 = arith.addi %mul3A_163, %add3A_56 : i32
        %add3A_165 = arith.constant 16 : i32
        %add3A_166 = arith.addi %add3A_164, %add3A_165 : i32
        %multiple_of3A_167 = tpu.assume_multiple %add3A_166, 8 : i32
        %add3A_168 = arith.constant 16 : i32
        %add3A_169 = arith.addi %add3A_56, %add3A_168 : i32
        %rem3A_170 = arith.constant 32 : i32
        %rem3A_171 = arith.remsi %add3A_169, %rem3A_170 : i32
        %multiple_of3A_172 = tpu.assume_multiple %rem3A_171, 8 : i32
        "tpu.region"() ({
          %run_scoped3A = tpu.sem_alloc : memref<!tpu.dma_semaphore, #tpu.memory_space<semaphore_mem>>
          %dma_start3A_173 = arith.constant 0 : i32
          %dma_start3A_174 = tpu.memref_slice %arg6[%multiple_of3A_172, %dma_start3A_173] : memref<32x128xi32, #tpu.memory_space<vmem>> -> memref<16x128xi32, #tpu.memory_space<vmem>>
          %dma_start3A_175 = arith.constant 0 : i32
          %dma_start3A_176 = tpu.memref_slice %arg3[%multiple_of3A_167, %dma_start3A_175] : memref<2560x128xi32, #tpu.memory_space<hbm>> -> memref<16x128xi32, #tpu.memory_space<hbm>>
          %dma_start3A_177 = arith.constant 0 : i32
          %dma_start3A_178 = tpu.memref_slice %arg6[%multiple_of3A_172, %dma_start3A_177] : memref<32x128xi32, #tpu.memory_space<vmem>> -> memref<16x128xi32, #tpu.memory_space<vmem>>
          %dma_start3A_179 = arith.constant 0 : i32
          %dma_start3A_180 = tpu.memref_slice %arg3[%multiple_of3A_167, %dma_start3A_179] : memref<2560x128xi32, #tpu.memory_space<hbm>> -> memref<16x128xi32, #tpu.memory_space<hbm>>
          tpu.enqueue_dma source(%dma_start3A_180 : memref<16x128xi32, #tpu.memory_space<hbm>>) target(%dma_start3A_178 : memref<16x128xi32, #tpu.memory_space<vmem>>) target_semaphore(%run_scoped3A : memref<!tpu.dma_semaphore, #tpu.memory_space<semaphore_mem>>)
          %dma_wait3A_181 = arith.constant 0 : i32
          %dma_wait3A_182 = tpu.memref_slice %arg6[%multiple_of3A_172, %dma_wait3A_181] : memref<32x128xi32, #tpu.memory_space<vmem>> -> memref<16x128xi32, #tpu.memory_space<vmem>>
          %dma_wait3A_183 = arith.constant 0 : i32
          %dma_wait3A_184 = tpu.memref_slice %arg3[%multiple_of3A_167, %dma_wait3A_183] : memref<2560x128xi32, #tpu.memory_space<hbm>> -> memref<16x128xi32, #tpu.memory_space<hbm>>
          %dma_wait3A_185 = arith.constant 0 : i32
          %dma_wait3A_186 = tpu.memref_slice %arg6[%multiple_of3A_172, %dma_wait3A_185] : memref<32x128xi32, #tpu.memory_space<vmem>> -> memref<16x128xi32, #tpu.memory_space<vmem>>
          %dma_wait3A_187 = arith.constant 0 : i32
          %dma_wait3A_188 = tpu.memref_slice %arg3[%multiple_of3A_167, %dma_wait3A_187] : memref<2560x128xi32, #tpu.memory_space<hbm>> -> memref<16x128xi32, #tpu.memory_space<hbm>>
          tpu.wait_dma2 semaphore(%run_scoped3A : memref<!tpu.dma_semaphore, #tpu.memory_space<semaphore_mem>>) src(%dma_wait3A_188 : memref<16x128xi32, #tpu.memory_space<hbm>>) dst(%dma_wait3A_186 : memref<16x128xi32, #tpu.memory_space<vmem>>)
          tpu.yield
        }) : () -> ()
        "tpu.region"() ({
          %run_scoped3A = tpu.sem_alloc : memref<!tpu.dma_semaphore, #tpu.memory_space<semaphore_mem>>
          %dma_start3A_173 = arith.constant 0 : i32
          %dma_start3A_174 = tpu.memref_slice %arg7[%multiple_of3A_172, %dma_start3A_173] : memref<32x128xi32, #tpu.memory_space<vmem>> -> memref<16x128xi32, #tpu.memory_space<vmem>>
          %dma_start3A_175 = arith.constant 0 : i32
          %dma_start3A_176 = tpu.memref_slice %arg4[%multiple_of3A_167, %dma_start3A_175] : memref<2560x128xi32, #tpu.memory_space<hbm>> -> memref<16x128xi32, #tpu.memory_space<hbm>>
          %dma_start3A_177 = arith.constant 0 : i32
          %dma_start3A_178 = tpu.memref_slice %arg7[%multiple_of3A_172, %dma_start3A_177] : memref<32x128xi32, #tpu.memory_space<vmem>> -> memref<16x128xi32, #tpu.memory_space<vmem>>
          %dma_start3A_179 = arith.constant 0 : i32
          %dma_start3A_180 = tpu.memref_slice %arg4[%multiple_of3A_167, %dma_start3A_179] : memref<2560x128xi32, #tpu.memory_space<hbm>> -> memref<16x128xi32, #tpu.memory_space<hbm>>
          tpu.enqueue_dma source(%dma_start3A_180 : memref<16x128xi32, #tpu.memory_space<hbm>>) target(%dma_start3A_178 : memref<16x128xi32, #tpu.memory_space<vmem>>) target_semaphore(%run_scoped3A : memref<!tpu.dma_semaphore, #tpu.memory_space<semaphore_mem>>)
          %dma_wait3A_181 = arith.constant 0 : i32
          %dma_wait3A_182 = tpu.memref_slice %arg7[%multiple_of3A_172, %dma_wait3A_181] : memref<32x128xi32, #tpu.memory_space<vmem>> -> memref<16x128xi32, #tpu.memory_space<vmem>>
          %dma_wait3A_183 = arith.constant 0 : i32
          %dma_wait3A_184 = tpu.memref_slice %arg4[%multiple_of3A_167, %dma_wait3A_183] : memref<2560x128xi32, #tpu.memory_space<hbm>> -> memref<16x128xi32, #tpu.memory_space<hbm>>
          %dma_wait3A_185 = arith.constant 0 : i32
          %dma_wait3A_186 = tpu.memref_slice %arg7[%multiple_of3A_172, %dma_wait3A_185] : memref<32x128xi32, #tpu.memory_space<vmem>> -> memref<16x128xi32, #tpu.memory_space<vmem>>
          %dma_wait3A_187 = arith.constant 0 : i32
          %dma_wait3A_188 = tpu.memref_slice %arg4[%multiple_of3A_167, %dma_wait3A_187] : memref<2560x128xi32, #tpu.memory_space<hbm>> -> memref<16x128xi32, #tpu.memory_space<hbm>>
          tpu.wait_dma2 semaphore(%run_scoped3A : memref<!tpu.dma_semaphore, #tpu.memory_space<semaphore_mem>>) src(%dma_wait3A_188 : memref<16x128xi32, #tpu.memory_space<hbm>>) dst(%dma_wait3A_186 : memref<16x128xi32, #tpu.memory_space<vmem>>)
          tpu.yield
        }) : () -> ()
      } else {
      }
      %lt3A_87 = arith.constant 80 : i32
      %lt3A_88 = arith.cmpi slt, %add3A_73, %lt3A_87 : i32
      %convert_element_type3A_89 = arith.extui %lt3A_88 : i1 to i32
      %cond3A_90 = arith.constant 0 : i32
      %cond3A_91 = arith.cmpi ne, %convert_element_type3A_89, %cond3A_90 : i32
      scf.if %cond3A_91 {
        %rem3A_162 = arith.constant 32 : i32
        %rem3A_163 = arith.remsi %add3A_73, %rem3A_162 : i32
        %dma_start3A_164 = arith.constant 1 : i32
        %dma_start3A_165 = arith.constant 0 : i32
        %dma_start3A_166 = arith.constant 0 : i32
        %dma_start3A_167 = tpu.memref_slice %arg8[%dma_start3A_164, %dma_start3A_165, %dma_start3A_166] : memref<2x128x128xf32, #tpu.memory_space<vmem>> -> memref<1x128x128xf32, #tpu.memory_space<vmem>>
        %dma_start3A_168 = tpu.memref_squeeze %dma_start3A_167 : memref<1x128x128xf32, #tpu.memory_space<vmem>> -> memref<128x128xf32, #tpu.memory_space<vmem>>
        %dma_start3A_169 = arith.constant 0 : i32
        %dma_start3A_170 = tpu.memref_slice %arg6[%rem3A_163, %dma_start3A_169] : memref<32x128xi32, #tpu.memory_space<vmem>> -> memref<1x128xi32, #tpu.memory_space<vmem>>
        %dma_start3A_171 = tpu.memref_squeeze %dma_start3A_170 : memref<1x128xi32, #tpu.memory_space<vmem>> -> memref<128xi32, #tpu.memory_space<vmem>>
        %dma_start3A_172 = arith.constant 0 : i32
        %dma_start3A_173 = arith.constant 0 : i32
        %dma_start3A_174 = tpu.memref_slice %arg2[%dma_start3A_172, %dma_start3A_173] : memref<10240x128xf32, #tpu.memory_space<hbm>> -> memref<10240x128xf32, #tpu.memory_space<hbm>>
        tpu.enqueue_indirect_dma source(%dma_start3A_174 : memref<10240x128xf32, #tpu.memory_space<hbm>>) target(%dma_start3A_168 : memref<128x128xf32, #tpu.memory_space<vmem>>) offsets(%dma_start3A_171 : memref<128xi32, #tpu.memory_space<vmem>>) semaphore(%arg11 : memref<!tpu.dma_semaphore, #tpu.memory_space<semaphore_mem>>)
      } else {
      }
      %rem3A_92 = arith.constant 32 : i32
      %rem3A_93 = arith.remsi %add3A_56, %rem3A_92 : i32
      %dma_start3A_94 = arith.constant 0 : i32
      %dma_start3A_95 = arith.constant 0 : i32
      %dma_start3A_96 = arith.constant 0 : i32
      %dma_start3A_97 = tpu.memref_slice %arg8[%dma_start3A_94, %dma_start3A_95, %dma_start3A_96] : memref<2x128x128xf32, #tpu.memory_space<vmem>> -> memref<1x128x128xf32, #tpu.memory_space<vmem>>
      %dma_start3A_98 = tpu.memref_squeeze %dma_start3A_97 : memref<1x128x128xf32, #tpu.memory_space<vmem>> -> memref<128x128xf32, #tpu.memory_space<vmem>>
      %dma_start3A_99 = arith.constant 0 : i32
      %dma_start3A_100 = tpu.memref_slice %arg7[%rem3A_93, %dma_start3A_99] : memref<32x128xi32, #tpu.memory_space<vmem>> -> memref<1x128xi32, #tpu.memory_space<vmem>>
      %dma_start3A_101 = tpu.memref_squeeze %dma_start3A_100 : memref<1x128xi32, #tpu.memory_space<vmem>> -> memref<128xi32, #tpu.memory_space<vmem>>
      %dma_start3A_102 = arith.constant 0 : i32
      %dma_start3A_103 = arith.constant 0 : i32
      %dma_start3A_104 = tpu.memref_slice %arg9[%dma_start3A_102, %dma_start3A_103] : memref<10240x128xf32, #tpu.memory_space<vmem_shared>> -> memref<10240x128xf32, #tpu.memory_space<vmem_shared>>
      tpu.enqueue_indirect_dma source(%dma_start3A_98 : memref<128x128xf32, #tpu.memory_space<vmem>>) target(%dma_start3A_104 : memref<10240x128xf32, #tpu.memory_space<vmem_shared>>) offsets(%dma_start3A_101 : memref<128xi32, #tpu.memory_space<vmem>>) semaphore(%arg12 : memref<!tpu.dma_semaphore, #tpu.memory_space<semaphore_mem>>) {add = true}
      %add3A_105 = arith.constant 1 : i32
      %add3A_106 = arith.addi %add3A_54, %add3A_105 : i32
      %dma_wait3A_107 = arith.constant 1 : i32
      %dma_wait3A_108 = arith.constant 0 : i32
      %dma_wait3A_109 = arith.constant 0 : i32
      %dma_wait3A_110 = tpu.memref_slice %arg8[%dma_wait3A_107, %dma_wait3A_108, %dma_wait3A_109] : memref<2x128x128xf32, #tpu.memory_space<vmem>> -> memref<1x128x128xf32, #tpu.memory_space<vmem>>
      %dma_wait3A_111 = tpu.memref_squeeze %dma_wait3A_110 : memref<1x128x128xf32, #tpu.memory_space<vmem>> -> memref<128x128xf32, #tpu.memory_space<vmem>>
      %dma_wait3A_112 = arith.constant 0 : i32
      %dma_wait3A_113 = arith.constant 0 : i32
      %dma_wait3A_114 = tpu.memref_slice %arg2[%dma_wait3A_112, %dma_wait3A_113] : memref<10240x128xf32, #tpu.memory_space<hbm>> -> memref<128x128xf32, #tpu.memory_space<hbm>>
      %dma_wait3A_115 = arith.constant 0 : i32
      %dma_wait3A_116 = arith.constant 0 : i32
      %dma_wait3A_117 = tpu.memref_slice %arg8[%dma_wait3A_107, %dma_wait3A_115, %dma_wait3A_116] : memref<2x128x128xf32, #tpu.memory_space<vmem>> -> memref<1x128x128xf32, #tpu.memory_space<vmem>>
      %dma_wait3A_118 = tpu.memref_squeeze %dma_wait3A_117 : memref<1x128x128xf32, #tpu.memory_space<vmem>> -> memref<128x128xf32, #tpu.memory_space<vmem>>
      %dma_wait3A_119 = arith.constant 0 : i32
      %dma_wait3A_120 = arith.constant 0 : i32
      %dma_wait3A_121 = tpu.memref_slice %arg2[%dma_wait3A_119, %dma_wait3A_120] : memref<10240x128xf32, #tpu.memory_space<hbm>> -> memref<128x128xf32, #tpu.memory_space<hbm>>
      tpu.wait_dma2 semaphore(%arg11 : memref<!tpu.dma_semaphore, #tpu.memory_space<semaphore_mem>>) src(%dma_wait3A_121 : memref<128x128xf32, #tpu.memory_space<hbm>>) dst(%dma_wait3A_118 : memref<128x128xf32, #tpu.memory_space<vmem>>)
      %add3A_122 = arith.constant 1 : i32
      %add3A_123 = arith.addi %add3A_106, %add3A_122 : i32
      %ge3A_124 = arith.constant 1 : i32
      %ge3A_125 = arith.cmpi sge, %add3A_106, %ge3A_124 : i32
      %convert_element_type3A_126 = arith.extui %ge3A_125 : i1 to i32
      %cond3A_127 = arith.constant 0 : i32
      %cond3A_128 = arith.cmpi ne, %convert_element_type3A_126, %cond3A_127 : i32
      scf.if %cond3A_128 {
        %dma_wait3A_162 = arith.constant 0 : i32
        %dma_wait3A_163 = arith.constant 0 : i32
        %dma_wait3A_164 = arith.constant 0 : i32
        %dma_wait3A_165 = tpu.memref_slice %arg8[%dma_wait3A_162, %dma_wait3A_163, %dma_wait3A_164] : memref<2x128x128xf32, #tpu.memory_space<vmem>> -> memref<1x128x128xf32, #tpu.memory_space<vmem>>
        %dma_wait3A_166 = tpu.memref_squeeze %dma_wait3A_165 : memref<1x128x128xf32, #tpu.memory_space<vmem>> -> memref<128x128xf32, #tpu.memory_space<vmem>>
        %dma_wait3A_167 = arith.constant 0 : i32
        %dma_wait3A_168 = arith.constant 0 : i32
        %dma_wait3A_169 = tpu.memref_slice %arg9[%dma_wait3A_167, %dma_wait3A_168] : memref<10240x128xf32, #tpu.memory_space<vmem_shared>> -> memref<128x128xf32, #tpu.memory_space<vmem_shared>>
        %dma_wait3A_170 = arith.constant 0 : i32
        %dma_wait3A_171 = arith.constant 0 : i32
        %dma_wait3A_172 = tpu.memref_slice %arg9[%dma_wait3A_170, %dma_wait3A_171] : memref<10240x128xf32, #tpu.memory_space<vmem_shared>> -> memref<128x128xf32, #tpu.memory_space<vmem_shared>>
        %dma_wait3A_173 = arith.constant 0 : i32
        %dma_wait3A_174 = arith.constant 0 : i32
        %dma_wait3A_175 = tpu.memref_slice %arg8[%dma_wait3A_162, %dma_wait3A_173, %dma_wait3A_174] : memref<2x128x128xf32, #tpu.memory_space<vmem>> -> memref<1x128x128xf32, #tpu.memory_space<vmem>>
        %dma_wait3A_176 = tpu.memref_squeeze %dma_wait3A_175 : memref<1x128x128xf32, #tpu.memory_space<vmem>> -> memref<128x128xf32, #tpu.memory_space<vmem>>
        tpu.wait_dma2 semaphore(%arg12 : memref<!tpu.dma_semaphore, #tpu.memory_space<semaphore_mem>>) src(%dma_wait3A_176 : memref<128x128xf32, #tpu.memory_space<vmem>>) dst(%dma_wait3A_172 : memref<128x128xf32, #tpu.memory_space<vmem_shared>>)
      } else {
      }
      %rem3A_129 = arith.constant 16 : i32
      %rem3A_130 = arith.remsi %add3A_106, %rem3A_129 : i32
      %eq3A_131 = arith.constant 0 : i32
      %eq3A_132 = arith.cmpi eq, %rem3A_130, %eq3A_131 : i32
      %ge3A_133 = arith.constant 1 : i32
      %ge3A_134 = arith.cmpi sge, %add3A_106, %ge3A_133 : i32
      %and3A_135 = arith.andi %eq3A_132, %ge3A_134 : i1
      %add3A_136 = arith.constant 16 : i32
      %add3A_137 = arith.addi %add3A_106, %add3A_136 : i32
      %lt3A_138 = arith.constant 80 : i32
      %lt3A_139 = arith.cmpi slt, %add3A_137, %lt3A_138 : i32
      %and3A_140 = arith.andi %and3A_135, %lt3A_139 : i1
      %convert_element_type3A_141 = arith.extui %and3A_140 : i1 to i32
      %cond3A_142 = arith.constant 0 : i32
      %cond3A_143 = arith.cmpi ne, %convert_element_type3A_141, %cond3A_142 : i32
      scf.if %cond3A_143 {
        %mul3A_162 = arith.constant 80 : i32
        %mul3A_163 = arith.muli %add3A, %mul3A_162 : i32
        %add3A_164 = arith.addi %mul3A_163, %add3A_106 : i32
        %add3A_165 = arith.constant 16 : i32
        %add3A_166 = arith.addi %add3A_164, %add3A_165 : i32
        %multiple_of3A_167 = tpu.assume_multiple %add3A_166, 8 : i32
        %add3A_168 = arith.constant 16 : i32
        %add3A_169 = arith.addi %add3A_106, %add3A_168 : i32
        %rem3A_170 = arith.constant 32 : i32
        %rem3A_171 = arith.remsi %add3A_169, %rem3A_170 : i32
        %multiple_of3A_172 = tpu.assume_multiple %rem3A_171, 8 : i32
        "tpu.region"() ({
          %run_scoped3A = tpu.sem_alloc : memref<!tpu.dma_semaphore, #tpu.memory_space<semaphore_mem>>
          %dma_start3A_173 = arith.constant 0 : i32
          %dma_start3A_174 = tpu.memref_slice %arg6[%multiple_of3A_172, %dma_start3A_173] : memref<32x128xi32, #tpu.memory_space<vmem>> -> memref<16x128xi32, #tpu.memory_space<vmem>>
          %dma_start3A_175 = arith.constant 0 : i32
          %dma_start3A_176 = tpu.memref_slice %arg3[%multiple_of3A_167, %dma_start3A_175] : memref<2560x128xi32, #tpu.memory_space<hbm>> -> memref<16x128xi32, #tpu.memory_space<hbm>>
          %dma_start3A_177 = arith.constant 0 : i32
          %dma_start3A_178 = tpu.memref_slice %arg6[%multiple_of3A_172, %dma_start3A_177] : memref<32x128xi32, #tpu.memory_space<vmem>> -> memref<16x128xi32, #tpu.memory_space<vmem>>
          %dma_start3A_179 = arith.constant 0 : i32
          %dma_start3A_180 = tpu.memref_slice %arg3[%multiple_of3A_167, %dma_start3A_179] : memref<2560x128xi32, #tpu.memory_space<hbm>> -> memref<16x128xi32, #tpu.memory_space<hbm>>
          tpu.enqueue_dma source(%dma_start3A_180 : memref<16x128xi32, #tpu.memory_space<hbm>>) target(%dma_start3A_178 : memref<16x128xi32, #tpu.memory_space<vmem>>) target_semaphore(%run_scoped3A : memref<!tpu.dma_semaphore, #tpu.memory_space<semaphore_mem>>)
          %dma_wait3A_181 = arith.constant 0 : i32
          %dma_wait3A_182 = tpu.memref_slice %arg6[%multiple_of3A_172, %dma_wait3A_181] : memref<32x128xi32, #tpu.memory_space<vmem>> -> memref<16x128xi32, #tpu.memory_space<vmem>>
          %dma_wait3A_183 = arith.constant 0 : i32
          %dma_wait3A_184 = tpu.memref_slice %arg3[%multiple_of3A_167, %dma_wait3A_183] : memref<2560x128xi32, #tpu.memory_space<hbm>> -> memref<16x128xi32, #tpu.memory_space<hbm>>
          %dma_wait3A_185 = arith.constant 0 : i32
          %dma_wait3A_186 = tpu.memref_slice %arg6[%multiple_of3A_172, %dma_wait3A_185] : memref<32x128xi32, #tpu.memory_space<vmem>> -> memref<16x128xi32, #tpu.memory_space<vmem>>
          %dma_wait3A_187 = arith.constant 0 : i32
          %dma_wait3A_188 = tpu.memref_slice %arg3[%multiple_of3A_167, %dma_wait3A_187] : memref<2560x128xi32, #tpu.memory_space<hbm>> -> memref<16x128xi32, #tpu.memory_space<hbm>>
          tpu.wait_dma2 semaphore(%run_scoped3A : memref<!tpu.dma_semaphore, #tpu.memory_space<semaphore_mem>>) src(%dma_wait3A_188 : memref<16x128xi32, #tpu.memory_space<hbm>>) dst(%dma_wait3A_186 : memref<16x128xi32, #tpu.memory_space<vmem>>)
          tpu.yield
        }) : () -> ()
        "tpu.region"() ({
          %run_scoped3A = tpu.sem_alloc : memref<!tpu.dma_semaphore, #tpu.memory_space<semaphore_mem>>
          %dma_start3A_173 = arith.constant 0 : i32
          %dma_start3A_174 = tpu.memref_slice %arg7[%multiple_of3A_172, %dma_start3A_173] : memref<32x128xi32, #tpu.memory_space<vmem>> -> memref<16x128xi32, #tpu.memory_space<vmem>>
          %dma_start3A_175 = arith.constant 0 : i32
          %dma_start3A_176 = tpu.memref_slice %arg4[%multiple_of3A_167, %dma_start3A_175] : memref<2560x128xi32, #tpu.memory_space<hbm>> -> memref<16x128xi32, #tpu.memory_space<hbm>>
          %dma_start3A_177 = arith.constant 0 : i32
          %dma_start3A_178 = tpu.memref_slice %arg7[%multiple_of3A_172, %dma_start3A_177] : memref<32x128xi32, #tpu.memory_space<vmem>> -> memref<16x128xi32, #tpu.memory_space<vmem>>
          %dma_start3A_179 = arith.constant 0 : i32
          %dma_start3A_180 = tpu.memref_slice %arg4[%multiple_of3A_167, %dma_start3A_179] : memref<2560x128xi32, #tpu.memory_space<hbm>> -> memref<16x128xi32, #tpu.memory_space<hbm>>
          tpu.enqueue_dma source(%dma_start3A_180 : memref<16x128xi32, #tpu.memory_space<hbm>>) target(%dma_start3A_178 : memref<16x128xi32, #tpu.memory_space<vmem>>) target_semaphore(%run_scoped3A : memref<!tpu.dma_semaphore, #tpu.memory_space<semaphore_mem>>)
          %dma_wait3A_181 = arith.constant 0 : i32
          %dma_wait3A_182 = tpu.memref_slice %arg7[%multiple_of3A_172, %dma_wait3A_181] : memref<32x128xi32, #tpu.memory_space<vmem>> -> memref<16x128xi32, #tpu.memory_space<vmem>>
          %dma_wait3A_183 = arith.constant 0 : i32
          %dma_wait3A_184 = tpu.memref_slice %arg4[%multiple_of3A_167, %dma_wait3A_183] : memref<2560x128xi32, #tpu.memory_space<hbm>> -> memref<16x128xi32, #tpu.memory_space<hbm>>
          %dma_wait3A_185 = arith.constant 0 : i32
          %dma_wait3A_186 = tpu.memref_slice %arg7[%multiple_of3A_172, %dma_wait3A_185] : memref<32x128xi32, #tpu.memory_space<vmem>> -> memref<16x128xi32, #tpu.memory_space<vmem>>
          %dma_wait3A_187 = arith.constant 0 : i32
          %dma_wait3A_188 = tpu.memref_slice %arg4[%multiple_of3A_167, %dma_wait3A_187] : memref<2560x128xi32, #tpu.memory_space<hbm>> -> memref<16x128xi32, #tpu.memory_space<hbm>>
          tpu.wait_dma2 semaphore(%run_scoped3A : memref<!tpu.dma_semaphore, #tpu.memory_space<semaphore_mem>>) src(%dma_wait3A_188 : memref<16x128xi32, #tpu.memory_space<hbm>>) dst(%dma_wait3A_186 : memref<16x128xi32, #tpu.memory_space<vmem>>)
          tpu.yield
        }) : () -> ()
      } else {
      }
      %lt3A_144 = arith.constant 80 : i32
      %lt3A_145 = arith.cmpi slt, %add3A_123, %lt3A_144 : i32
      %convert_element_type3A_146 = arith.extui %lt3A_145 : i1 to i32
      %cond3A_147 = arith.constant 0 : i32
      %cond3A_148 = arith.cmpi ne, %convert_element_type3A_146, %cond3A_147 : i32
      scf.if %cond3A_148 {
        %rem3A_162 = arith.constant 32 : i32
        %rem3A_163 = arith.remsi %add3A_123, %rem3A_162 : i32
        %dma_start3A_164 = arith.constant 0 : i32
        %dma_start3A_165 = arith.constant 0 : i32
        %dma_start3A_166 = arith.constant 0 : i32
        %dma_start3A_167 = tpu.memref_slice %arg8[%dma_start3A_164, %dma_start3A_165, %dma_start3A_166] : memref<2x128x128xf32, #tpu.memory_space<vmem>> -> memref<1x128x128xf32, #tpu.memory_space<vmem>>
        %dma_start3A_168 = tpu.memref_squeeze %dma_start3A_167 : memref<1x128x128xf32, #tpu.memory_space<vmem>> -> memref<128x128xf32, #tpu.memory_space<vmem>>
        %dma_start3A_169 = arith.constant 0 : i32
        %dma_start3A_170 = tpu.memref_slice %arg6[%rem3A_163, %dma_start3A_169] : memref<32x128xi32, #tpu.memory_space<vmem>> -> memref<1x128xi32, #tpu.memory_space<vmem>>
        %dma_start3A_171 = tpu.memref_squeeze %dma_start3A_170 : memref<1x128xi32, #tpu.memory_space<vmem>> -> memref<128xi32, #tpu.memory_space<vmem>>
        %dma_start3A_172 = arith.constant 0 : i32
        %dma_start3A_173 = arith.constant 0 : i32
        %dma_start3A_174 = tpu.memref_slice %arg2[%dma_start3A_172, %dma_start3A_173] : memref<10240x128xf32, #tpu.memory_space<hbm>> -> memref<10240x128xf32, #tpu.memory_space<hbm>>
        tpu.enqueue_indirect_dma source(%dma_start3A_174 : memref<10240x128xf32, #tpu.memory_space<hbm>>) target(%dma_start3A_168 : memref<128x128xf32, #tpu.memory_space<vmem>>) offsets(%dma_start3A_171 : memref<128xi32, #tpu.memory_space<vmem>>) semaphore(%arg10 : memref<!tpu.dma_semaphore, #tpu.memory_space<semaphore_mem>>)
      } else {
      }
      %rem3A_149 = arith.constant 32 : i32
      %rem3A_150 = arith.remsi %add3A_106, %rem3A_149 : i32
      %dma_start3A_151 = arith.constant 1 : i32
      %dma_start3A_152 = arith.constant 0 : i32
      %dma_start3A_153 = arith.constant 0 : i32
      %dma_start3A_154 = tpu.memref_slice %arg8[%dma_start3A_151, %dma_start3A_152, %dma_start3A_153] : memref<2x128x128xf32, #tpu.memory_space<vmem>> -> memref<1x128x128xf32, #tpu.memory_space<vmem>>
      %dma_start3A_155 = tpu.memref_squeeze %dma_start3A_154 : memref<1x128x128xf32, #tpu.memory_space<vmem>> -> memref<128x128xf32, #tpu.memory_space<vmem>>
      %dma_start3A_156 = arith.constant 0 : i32
      %dma_start3A_157 = tpu.memref_slice %arg7[%rem3A_150, %dma_start3A_156] : memref<32x128xi32, #tpu.memory_space<vmem>> -> memref<1x128xi32, #tpu.memory_space<vmem>>
      %dma_start3A_158 = tpu.memref_squeeze %dma_start3A_157 : memref<1x128xi32, #tpu.memory_space<vmem>> -> memref<128xi32, #tpu.memory_space<vmem>>
      %dma_start3A_159 = arith.constant 0 : i32
      %dma_start3A_160 = arith.constant 0 : i32
      %dma_start3A_161 = tpu.memref_slice %arg9[%dma_start3A_159, %dma_start3A_160] : memref<10240x128xf32, #tpu.memory_space<vmem_shared>> -> memref<10240x128xf32, #tpu.memory_space<vmem_shared>>
      tpu.enqueue_indirect_dma source(%dma_start3A_155 : memref<128x128xf32, #tpu.memory_space<vmem>>) target(%dma_start3A_161 : memref<10240x128xf32, #tpu.memory_space<vmem_shared>>) offsets(%dma_start3A_158 : memref<128xi32, #tpu.memory_space<vmem>>) semaphore(%arg13 : memref<!tpu.dma_semaphore, #tpu.memory_space<semaphore_mem>>) {add = true}
    }
    %scan3A_29 = arith.constant 40 : i32
    %dma_wait3A = arith.constant 1 : i32
    %dma_wait3A_30 = arith.constant 0 : i32
    %dma_wait3A_31 = arith.constant 0 : i32
    %dma_wait3A_32 = tpu.memref_slice %arg8[%dma_wait3A, %dma_wait3A_30, %dma_wait3A_31] : memref<2x128x128xf32, #tpu.memory_space<vmem>> -> memref<1x128x128xf32, #tpu.memory_space<vmem>>
    %dma_wait3A_33 = tpu.memref_squeeze %dma_wait3A_32 : memref<1x128x128xf32, #tpu.memory_space<vmem>> -> memref<128x128xf32, #tpu.memory_space<vmem>>
    %dma_wait3A_34 = arith.constant 0 : i32
    %dma_wait3A_35 = arith.constant 0 : i32
    %dma_wait3A_36 = tpu.memref_slice %arg9[%dma_wait3A_34, %dma_wait3A_35] : memref<10240x128xf32, #tpu.memory_space<vmem_shared>> -> memref<128x128xf32, #tpu.memory_space<vmem_shared>>
    %dma_wait3A_37 = arith.constant 0 : i32
    %dma_wait3A_38 = arith.constant 0 : i32
    %dma_wait3A_39 = tpu.memref_slice %arg9[%dma_wait3A_37, %dma_wait3A_38] : memref<10240x128xf32, #tpu.memory_space<vmem_shared>> -> memref<128x128xf32, #tpu.memory_space<vmem_shared>>
    %dma_wait3A_40 = arith.constant 0 : i32
    %dma_wait3A_41 = arith.constant 0 : i32
    %dma_wait3A_42 = tpu.memref_slice %arg8[%dma_wait3A, %dma_wait3A_40, %dma_wait3A_41] : memref<2x128x128xf32, #tpu.memory_space<vmem>> -> memref<1x128x128xf32, #tpu.memory_space<vmem>>
    %dma_wait3A_43 = tpu.memref_squeeze %dma_wait3A_42 : memref<1x128x128xf32, #tpu.memory_space<vmem>> -> memref<128x128xf32, #tpu.memory_space<vmem>>
    tpu.wait_dma2 semaphore(%arg13 : memref<!tpu.dma_semaphore, #tpu.memory_space<semaphore_mem>>) src(%dma_wait3A_43 : memref<128x128xf32, #tpu.memory_space<vmem>>) dst(%dma_wait3A_39 : memref<128x128xf32, #tpu.memory_space<vmem_shared>>)
    %barrier3A_44 = arith.constant 0 : index
    tpu.barrier barrier_id(%barrier3A_44)
    %scan3A_45 = arith.constant 0 : i32
    %scan3A_46 = arith.constant 5 : i32
    %scan3A_47 = arith.addi %scan3A_45, %scan3A_46 : i32
    %scan3A_48 = arith.constant 1 : i32
    scf.for %scan3A_50 = %scan3A_45 to %scan3A_47 step %scan3A_48  : i32 {
      %mul3A_51 = arith.constant 128 : i32
      %mul3A_52 = arith.muli %scan3A_50, %mul3A_51 : i32
      %add3A_53 = arith.constant 0 : i32
      %add3A_54 = arith.addi %add3A_53, %mul3A_52 : i32
      %add3A_55 = arith.addi %mul3A_2, %add3A_54 : i32
      %add3A_56 = arith.addi %mul3A_2, %add3A_54 : i32
      "tpu.region"() ({
        %run_scoped3A = tpu.sem_alloc : memref<!tpu.dma_semaphore, #tpu.memory_space<semaphore_mem>>
        %dma_start3A_57 = arith.constant 0 : i32
        %dma_start3A_58 = tpu.memref_slice %arg5[%arg0, %add3A_56, %dma_start3A_57] : memref<2x10240x128xf32, #tpu.memory_space<hbm>> -> memref<1x128x128xf32, #tpu.memory_space<hbm>>
        %dma_start3A_59 = tpu.memref_squeeze %dma_start3A_58 : memref<1x128x128xf32, #tpu.memory_space<hbm>> -> memref<128x128xf32, #tpu.memory_space<hbm>>
        %dma_start3A_60 = arith.constant 0 : i32
        %dma_start3A_61 = tpu.memref_slice %arg9[%add3A_55, %dma_start3A_60] : memref<10240x128xf32, #tpu.memory_space<vmem_shared>> -> memref<128x128xf32, #tpu.memory_space<vmem_shared>>
        tpu.enqueue_dma source(%dma_start3A_61 : memref<128x128xf32, #tpu.memory_space<vmem_shared>>) target(%dma_start3A_59 : memref<128x128xf32, #tpu.memory_space<hbm>>) target_semaphore(%run_scoped3A : memref<!tpu.dma_semaphore, #tpu.memory_space<semaphore_mem>>)
        %dma_wait3A_62 = arith.constant 0 : i32
        %dma_wait3A_63 = tpu.memref_slice %arg5[%arg0, %add3A_56, %dma_wait3A_62] : memref<2x10240x128xf32, #tpu.memory_space<hbm>> -> memref<1x128x128xf32, #tpu.memory_space<hbm>>
        %dma_wait3A_64 = tpu.memref_squeeze %dma_wait3A_63 : memref<1x128x128xf32, #tpu.memory_space<hbm>> -> memref<128x128xf32, #tpu.memory_space<hbm>>
        %dma_wait3A_65 = arith.constant 0 : i32
        %dma_wait3A_66 = tpu.memref_slice %arg9[%add3A_55, %dma_wait3A_65] : memref<10240x128xf32, #tpu.memory_space<vmem_shared>> -> memref<128x128xf32, #tpu.memory_space<vmem_shared>>
        tpu.wait_dma2 semaphore(%run_scoped3A : memref<!tpu.dma_semaphore, #tpu.memory_space<semaphore_mem>>) src(%dma_wait3A_66 : memref<128x128xf32, #tpu.memory_space<vmem_shared>>) dst(%dma_wait3A_64 : memref<128x128xf32, #tpu.memory_space<hbm>>)
        tpu.yield
      }) : () -> ()
    }
    %scan3A_49 = arith.constant 5 : i32
    return
  }
}

#map = affine_map<(d0, d1) -> (0)>
#map1 = affine_map<(d0, d1) -> (0, 0)>
module attributes {stable_mosaic.version = 14 : i64} {
  func.func @_sc_degree(%arg0: i32, %arg1: i32, %arg2: memref<327680xi32, #tpu.memory_space<hbm>>, %arg3: memref<32x10240xf32, #tpu.memory_space<hbm>>, %arg4: memref<10240xi32, #tpu.memory_space<vmem>>, %arg5: memref<10240xf32, #tpu.memory_space<vmem>>) attributes {dimension_semantics = [#tpu.dimension_semantics<core_parallel>, #tpu.dimension_semantics<subcore_parallel>], iteration_bounds = array<i64: 2, 16>, scalar_prefetch = 0 : i64, scratch_operands = 2 : i64, tpu.core_type = #tpu.core_type<sc_vector_subcore>, window_params = [{transform_indices = #map}, {transform_indices = #map1}]} {
    %mul3A = arith.constant 2 : i32
    %mul3A_0 = arith.muli %arg1, %mul3A : i32
    %add3A = arith.addi %mul3A_0, %arg0 : i32
    %scan3A = arith.constant 0 : i32
    %scan3A_1 = arith.constant 640 : i32
    %scan3A_2 = arith.addi %scan3A, %scan3A_1 : i32
    %scan3A_3 = arith.constant 1 : i32
    scf.for %scan3A_13 = %scan3A to %scan3A_2 step %scan3A_3  : i32 {
      %mul3A_14 = arith.constant 16 : i32
      %mul3A_15 = arith.muli %scan3A_13, %mul3A_14 : i32
      %add3A_16 = arith.constant 0 : i32
      %add3A_17 = arith.addi %add3A_16, %mul3A_15 : i32
      %broadcast_in_dim3A_18 = arith.constant 0.000000e+00 : f32
      %broadcast_in_dim3A_19 = vector.broadcast %broadcast_in_dim3A_18 : f32 to vector<16xf32>
      %swap3A = arith.index_cast %add3A_17 : i32 to index
      %swap3A_20 = tpu.vector_load %arg5[%swap3A] {strides = array<i32>} : memref<10240xf32, #tpu.memory_space<vmem>>, vector<16xf32>,
      tpu.vector_store %arg5[%swap3A], %broadcast_in_dim3A_19 {strides = array<i32>} : memref<10240xf32, #tpu.memory_space<vmem>>, vector<16xf32>,
    }
    %scan3A_4 = arith.constant 640 : i32
    %mul3A_5 = arith.constant 10240 : i32
    %mul3A_6 = arith.muli %add3A, %mul3A_5 : i32
    "tpu.region"() ({
      %run_scoped3A = tpu.sem_alloc : memref<!tpu.dma_semaphore, #tpu.memory_space<semaphore_mem>>
      %dma_start3A = tpu.memref_slice %arg2[%mul3A_6] : memref<327680xi32, #tpu.memory_space<hbm>> -> memref<10240xi32, #tpu.memory_space<hbm>>
      %dma_start3A_13 = tpu.memref_slice %arg2[%mul3A_6] : memref<327680xi32, #tpu.memory_space<hbm>> -> memref<10240xi32, #tpu.memory_space<hbm>>
      tpu.enqueue_dma source(%dma_start3A_13 : memref<10240xi32, #tpu.memory_space<hbm>>) target(%arg4 : memref<10240xi32, #tpu.memory_space<vmem>>) target_semaphore(%run_scoped3A : memref<!tpu.dma_semaphore, #tpu.memory_space<semaphore_mem>>)
      %dma_wait3A = tpu.memref_slice %arg2[%mul3A_6] : memref<327680xi32, #tpu.memory_space<hbm>> -> memref<10240xi32, #tpu.memory_space<hbm>>
      %dma_wait3A_14 = tpu.memref_slice %arg2[%mul3A_6] : memref<327680xi32, #tpu.memory_space<hbm>> -> memref<10240xi32, #tpu.memory_space<hbm>>
      tpu.wait_dma2 semaphore(%run_scoped3A : memref<!tpu.dma_semaphore, #tpu.memory_space<semaphore_mem>>) src(%dma_wait3A_14 : memref<10240xi32, #tpu.memory_space<hbm>>) dst(%arg4 : memref<10240xi32, #tpu.memory_space<vmem>>)
      tpu.yield
    }) : () -> ()
    %broadcast_in_dim3A = arith.constant 1.000000e+00 : f32
    %broadcast_in_dim3A_7 = vector.broadcast %broadcast_in_dim3A : f32 to vector<16xf32>
    %scan3A_8 = arith.constant 0 : i32
    %scan3A_9 = arith.constant 640 : i32
    %scan3A_10 = arith.addi %scan3A_8, %scan3A_9 : i32
    %scan3A_11 = arith.constant 1 : i32
    scf.for %scan3A_13 = %scan3A_8 to %scan3A_10 step %scan3A_11  : i32 {
      %mul3A_14 = arith.constant 16 : i32
      %mul3A_15 = arith.muli %scan3A_13, %mul3A_14 : i32
      %add3A_16 = arith.constant 0 : i32
      %add3A_17 = arith.addi %add3A_16, %mul3A_15 : i32
      %get3A = arith.index_cast %add3A_17 : i32 to index
      %get3A_18 = tpu.vector_load %arg4[%get3A] {strides = array<i32>} : memref<10240xi32, #tpu.memory_space<vmem>>, vector<16xi32>,
      tpu.vector_store_idx %arg5[%get3A_18], %broadcast_in_dim3A_7 {add = true} : memref<10240xf32, #tpu.memory_space<vmem>>[vector<16xi32>], vector<16xf32>,
    }
    %scan3A_12 = arith.constant 640 : i32
    "tpu.region"() ({
      %run_scoped3A = tpu.sem_alloc : memref<!tpu.dma_semaphore, #tpu.memory_space<semaphore_mem>>
      %dma_start3A = arith.constant 0 : i32
      %dma_start3A_13 = tpu.memref_slice %arg3[%add3A, %dma_start3A] : memref<32x10240xf32, #tpu.memory_space<hbm>> -> memref<1x10240xf32, #tpu.memory_space<hbm>>
      %dma_start3A_14 = tpu.memref_squeeze %dma_start3A_13 : memref<1x10240xf32, #tpu.memory_space<hbm>> -> memref<10240xf32, #tpu.memory_space<hbm>>
      %dma_start3A_15 = arith.constant 0 : i32
      %dma_start3A_16 = tpu.memref_slice %arg3[%add3A, %dma_start3A_15] : memref<32x10240xf32, #tpu.memory_space<hbm>> -> memref<1x10240xf32, #tpu.memory_space<hbm>>
      %dma_start3A_17 = tpu.memref_squeeze %dma_start3A_16 : memref<1x10240xf32, #tpu.memory_space<hbm>> -> memref<10240xf32, #tpu.memory_space<hbm>>
      tpu.enqueue_dma source(%arg5 : memref<10240xf32, #tpu.memory_space<vmem>>) target(%dma_start3A_17 : memref<10240xf32, #tpu.memory_space<hbm>>) target_semaphore(%run_scoped3A : memref<!tpu.dma_semaphore, #tpu.memory_space<semaphore_mem>>)
      %dma_wait3A = arith.constant 0 : i32
      %dma_wait3A_18 = tpu.memref_slice %arg3[%add3A, %dma_wait3A] : memref<32x10240xf32, #tpu.memory_space<hbm>> -> memref<1x10240xf32, #tpu.memory_space<hbm>>
      %dma_wait3A_19 = tpu.memref_squeeze %dma_wait3A_18 : memref<1x10240xf32, #tpu.memory_space<hbm>> -> memref<10240xf32, #tpu.memory_space<hbm>>
      %dma_wait3A_20 = arith.constant 0 : i32
      %dma_wait3A_21 = tpu.memref_slice %arg3[%add3A, %dma_wait3A_20] : memref<32x10240xf32, #tpu.memory_space<hbm>> -> memref<1x10240xf32, #tpu.memory_space<hbm>>
      %dma_wait3A_22 = tpu.memref_squeeze %dma_wait3A_21 : memref<1x10240xf32, #tpu.memory_space<hbm>> -> memref<10240xf32, #tpu.memory_space<hbm>>
      tpu.wait_dma2 semaphore(%run_scoped3A : memref<!tpu.dma_semaphore, #tpu.memory_space<semaphore_mem>>) src(%arg5 : memref<10240xf32, #tpu.memory_space<vmem>>) dst(%dma_wait3A_22 : memref<10240xf32, #tpu.memory_space<hbm>>)
      tpu.yield
    }) : () -> ()
    return
  }
}

#map = affine_map<(d0, d1) -> (0, 0)>
#map1 = affine_map<(d0, d1) -> (0, 0, 0)>
module attributes {stable_mosaic.version = 14 : i64} {
  func.func @_sc_aggregate(%arg0: i32, %arg1: i32, %arg2: memref<10240x128xf32, #tpu.memory_space<hbm>>, %arg3: memref<2560x128xi32, #tpu.memory_space<hbm>>, %arg4: memref<2560x128xi32, #tpu.memory_space<hbm>>, %arg5: memref<2x10240x128xf32, #tpu.memory_space<hbm>>, %arg6: memref<32x128xi32, #tpu.memory_space<vmem>>, %arg7: memref<32x128xi32, #tpu.memory_space<vmem>>, %arg8: memref<2x128x128xf32, #tpu.memory_space<vmem>>, %arg9: memref<10240x128xf32, #tpu.memory_space<vmem_shared>>, %arg10: memref<!tpu.dma_semaphore, #tpu.memory_space<semaphore_mem>>, %arg11: memref<!tpu.dma_semaphore, #tpu.memory_space<semaphore_mem>>, %arg12: memref<!tpu.dma_semaphore, #tpu.memory_space<semaphore_mem>>, %arg13: memref<!tpu.dma_semaphore, #tpu.memory_space<semaphore_mem>>) attributes {dimension_semantics = [#tpu.dimension_semantics<core_parallel>, #tpu.dimension_semantics<subcore_parallel>], iteration_bounds = array<i64: 2, 16>, scalar_prefetch = 0 : i64, scratch_operands = 8 : i64, tpu.core_type = #tpu.core_type<sc_vector_subcore>, window_params = [{transform_indices = #map}, {transform_indices = #map}, {transform_indices = #map}, {transform_indices = #map1}]} {
    %mul3A = arith.constant 2 : i32
    %mul3A_0 = arith.muli %arg1, %mul3A : i32
    %add3A = arith.addi %mul3A_0, %arg0 : i32
    %mul3A_1 = arith.constant 640 : i32
    %mul3A_2 = arith.muli %arg1, %mul3A_1 : i32
    %scan3A = arith.constant 0 : i32
    %scan3A_3 = arith.constant 128 : i32
    %scan3A_4 = arith.addi %scan3A, %scan3A_3 : i32
    %scan3A_5 = arith.constant 1 : i32
    scf.for %scan3A_50 = %scan3A to %scan3A_4 step %scan3A_5  : i32 {
      %mul3A_51 = arith.constant 1 : i32
      %mul3A_52 = arith.muli %scan3A_50, %mul3A_51 : i32
      %add3A_53 = arith.constant 0 : i32
      %add3A_54 = arith.addi %add3A_53, %mul3A_52 : i32
      %scan3A_55 = arith.constant 0 : i32
      %scan3A_56 = arith.constant 8 : i32
      %scan3A_57 = arith.addi %scan3A_55, %scan3A_56 : i32
      %scan3A_58 = arith.constant 1 : i32
      scf.for %scan3A_60 = %scan3A_55 to %scan3A_57 step %scan3A_58  : i32 {
        %mul3A_61 = arith.constant 16 : i32
        %mul3A_62 = arith.muli %scan3A_60, %mul3A_61 : i32
        %add3A_63 = arith.constant 0 : i32
        %add3A_64 = arith.addi %add3A_63, %mul3A_62 : i32
        %broadcast_in_dim3A = arith.constant 0.000000e+00 : f32
        %broadcast_in_dim3A_65 = vector.broadcast %broadcast_in_dim3A : f32 to vector<16xf32>
        %swap3A = arith.constant 0 : i32
        %swap3A_66 = arith.index_cast %swap3A : i32 to index
        %swap3A_67 = arith.index_cast %add3A_54 : i32 to index
        %swap3A_68 = arith.index_cast %add3A_64 : i32 to index
        %swap3A_69 = tpu.vector_load %arg8[%swap3A_66, %swap3A_67, %swap3A_68] {strides = array<i32>} : memref<2x128x128xf32, #tpu.memory_space<vmem>>, vector<1x1x16xf32>,
        %swap3A_70 = vector.shape_cast %swap3A_69 : vector<1x1x16xf32> to vector<16xf32>
        %swap3A_71 = vector.shape_cast %broadcast_in_dim3A_65 : vector<16xf32> to vector<1x1x16xf32>
        tpu.vector_store %arg8[%swap3A_66, %swap3A_67, %swap3A_68], %swap3A_71 {strides = array<i32>} : memref<2x128x128xf32, #tpu.memory_space<vmem>>, vector<1x1x16xf32>,
      }
      %scan3A_59 = arith.constant 8 : i32
    }
    %scan3A_6 = arith.constant 128 : i32
    %scan3A_7 = arith.constant 0 : i32
    %scan3A_8 = arith.constant 5 : i32
    %scan3A_9 = arith.addi %scan3A_7, %scan3A_8 : i32
    %scan3A_10 = arith.constant 1 : i32
    scf.for %scan3A_50 = %scan3A_7 to %scan3A_9 step %scan3A_10  : i32 {
      %mul3A_51 = arith.constant 128 : i32
      %mul3A_52 = arith.muli %scan3A_50, %mul3A_51 : i32
      %add3A_53 = arith.constant 0 : i32
      %add3A_54 = arith.addi %add3A_53, %mul3A_52 : i32
      %add3A_55 = arith.addi %mul3A_2, %add3A_54 : i32
      %run_scoped3A = arith.constant 0 : i32
      "tpu.region"() ({
        %run_scoped3A_56 = tpu.sem_alloc : memref<!tpu.dma_semaphore, #tpu.memory_space<semaphore_mem>>
        %dma_start3A_57 = arith.constant 0 : i32
        %dma_start3A_58 = arith.constant 0 : i32
        %dma_start3A_59 = tpu.memref_slice %arg8[%run_scoped3A, %dma_start3A_57, %dma_start3A_58] : memref<2x128x128xf32, #tpu.memory_space<vmem>> -> memref<1x128x128xf32, #tpu.memory_space<vmem>>
        %dma_start3A_60 = tpu.memref_squeeze %dma_start3A_59 : memref<1x128x128xf32, #tpu.memory_space<vmem>> -> memref<128x128xf32, #tpu.memory_space<vmem>>
        %dma_start3A_61 = arith.constant 0 : i32
        %dma_start3A_62 = tpu.memref_slice %arg9[%add3A_55, %dma_start3A_61] : memref<10240x128xf32, #tpu.memory_space<vmem_shared>> -> memref<128x128xf32, #tpu.memory_space<vmem_shared>>
        %dma_start3A_63 = arith.constant 0 : i32
        %dma_start3A_64 = tpu.memref_slice %arg9[%add3A_55, %dma_start3A_63] : memref<10240x128xf32, #tpu.memory_space<vmem_shared>> -> memref<128x128xf32, #tpu.memory_space<vmem_shared>>
        %dma_start3A_65 = arith.constant 0 : i32
        %dma_start3A_66 = arith.constant 0 : i32
        %dma_start3A_67 = tpu.memref_slice %arg8[%run_scoped3A, %dma_start3A_65, %dma_start3A_66] : memref<2x128x128xf32, #tpu.memory_space<vmem>> -> memref<1x128x128xf32, #tpu.memory_space<vmem>>
        %dma_start3A_68 = tpu.memref_squeeze %dma_start3A_67 : memref<1x128x128xf32, #tpu.memory_space<vmem>> -> memref<128x128xf32, #tpu.memory_space<vmem>>
        tpu.enqueue_dma source(%dma_start3A_68 : memref<128x128xf32, #tpu.memory_space<vmem>>) target(%dma_start3A_64 : memref<128x128xf32, #tpu.memory_space<vmem_shared>>) target_semaphore(%run_scoped3A_56 : memref<!tpu.dma_semaphore, #tpu.memory_space<semaphore_mem>>)
        %dma_wait3A_69 = arith.constant 0 : i32
        %dma_wait3A_70 = arith.constant 0 : i32
        %dma_wait3A_71 = tpu.memref_slice %arg8[%run_scoped3A, %dma_wait3A_69, %dma_wait3A_70] : memref<2x128x128xf32, #tpu.memory_space<vmem>> -> memref<1x128x128xf32, #tpu.memory_space<vmem>>
        %dma_wait3A_72 = tpu.memref_squeeze %dma_wait3A_71 : memref<1x128x128xf32, #tpu.memory_space<vmem>> -> memref<128x128xf32, #tpu.memory_space<vmem>>
        %dma_wait3A_73 = arith.constant 0 : i32
        %dma_wait3A_74 = tpu.memref_slice %arg9[%add3A_55, %dma_wait3A_73] : memref<10240x128xf32, #tpu.memory_space<vmem_shared>> -> memref<128x128xf32, #tpu.memory_space<vmem_shared>>
        %dma_wait3A_75 = arith.constant 0 : i32
        %dma_wait3A_76 = tpu.memref_slice %arg9[%add3A_55, %dma_wait3A_75] : memref<10240x128xf32, #tpu.memory_space<vmem_shared>> -> memref<128x128xf32, #tpu.memory_space<vmem_shared>>
        %dma_wait3A_77 = arith.constant 0 : i32
        %dma_wait3A_78 = arith.constant 0 : i32
        %dma_wait3A_79 = tpu.memref_slice %arg8[%run_scoped3A, %dma_wait3A_77, %dma_wait3A_78] : memref<2x128x128xf32, #tpu.memory_space<vmem>> -> memref<1x128x128xf32, #tpu.memory_space<vmem>>
        %dma_wait3A_80 = tpu.memref_squeeze %dma_wait3A_79 : memref<1x128x128xf32, #tpu.memory_space<vmem>> -> memref<128x128xf32, #tpu.memory_space<vmem>>
        tpu.wait_dma2 semaphore(%run_scoped3A_56 : memref<!tpu.dma_semaphore, #tpu.memory_space<semaphore_mem>>) src(%dma_wait3A_80 : memref<128x128xf32, #tpu.memory_space<vmem>>) dst(%dma_wait3A_76 : memref<128x128xf32, #tpu.memory_space<vmem_shared>>)
        tpu.yield
      }) : () -> ()
    }
    %scan3A_11 = arith.constant 5 : i32
    %mul3A_12 = arith.constant 80 : i32
    %mul3A_13 = arith.muli %add3A, %mul3A_12 : i32
    %multiple_of3A = tpu.assume_multiple %mul3A_13, 8 : i32
    "tpu.region"() ({
      %run_scoped3A = tpu.sem_alloc : memref<!tpu.dma_semaphore, #tpu.memory_space<semaphore_mem>>
      %dma_start3A_50 = arith.constant 0 : i32
      %dma_start3A_51 = tpu.memref_slice %arg3[%multiple_of3A, %dma_start3A_50] : memref<2560x128xi32, #tpu.memory_space<hbm>> -> memref<32x128xi32, #tpu.memory_space<hbm>>
      %dma_start3A_52 = arith.constant 0 : i32
      %dma_start3A_53 = tpu.memref_slice %arg3[%multiple_of3A, %dma_start3A_52] : memref<2560x128xi32, #tpu.memory_space<hbm>> -> memref<32x128xi32, #tpu.memory_space<hbm>>
      tpu.enqueue_dma source(%dma_start3A_53 : memref<32x128xi32, #tpu.memory_space<hbm>>) target(%arg6 : memref<32x128xi32, #tpu.memory_space<vmem>>) target_semaphore(%run_scoped3A : memref<!tpu.dma_semaphore, #tpu.memory_space<semaphore_mem>>)
      %dma_wait3A_54 = arith.constant 0 : i32
      %dma_wait3A_55 = tpu.memref_slice %arg3[%multiple_of3A, %dma_wait3A_54] : memref<2560x128xi32, #tpu.memory_space<hbm>> -> memref<32x128xi32, #tpu.memory_space<hbm>>
      %dma_wait3A_56 = arith.constant 0 : i32
      %dma_wait3A_57 = tpu.memref_slice %arg3[%multiple_of3A, %dma_wait3A_56] : memref<2560x128xi32, #tpu.memory_space<hbm>> -> memref<32x128xi32, #tpu.memory_space<hbm>>
      tpu.wait_dma2 semaphore(%run_scoped3A : memref<!tpu.dma_semaphore, #tpu.memory_space<semaphore_mem>>) src(%dma_wait3A_57 : memref<32x128xi32, #tpu.memory_space<hbm>>) dst(%arg6 : memref<32x128xi32, #tpu.memory_space<vmem>>)
      tpu.yield
    }) : () -> ()
    "tpu.region"() ({
      %run_scoped3A = tpu.sem_alloc : memref<!tpu.dma_semaphore, #tpu.memory_space<semaphore_mem>>
      %dma_start3A_50 = arith.constant 0 : i32
      %dma_start3A_51 = tpu.memref_slice %arg4[%multiple_of3A, %dma_start3A_50] : memref<2560x128xi32, #tpu.memory_space<hbm>> -> memref<32x128xi32, #tpu.memory_space<hbm>>
      %dma_start3A_52 = arith.constant 0 : i32
      %dma_start3A_53 = tpu.memref_slice %arg4[%multiple_of3A, %dma_start3A_52] : memref<2560x128xi32, #tpu.memory_space<hbm>> -> memref<32x128xi32, #tpu.memory_space<hbm>>
      tpu.enqueue_dma source(%dma_start3A_53 : memref<32x128xi32, #tpu.memory_space<hbm>>) target(%arg7 : memref<32x128xi32, #tpu.memory_space<vmem>>) target_semaphore(%run_scoped3A : memref<!tpu.dma_semaphore, #tpu.memory_space<semaphore_mem>>)
      %dma_wait3A_54 = arith.constant 0 : i32
      %dma_wait3A_55 = tpu.memref_slice %arg4[%multiple_of3A, %dma_wait3A_54] : memref<2560x128xi32, #tpu.memory_space<hbm>> -> memref<32x128xi32, #tpu.memory_space<hbm>>
      %dma_wait3A_56 = arith.constant 0 : i32
      %dma_wait3A_57 = tpu.memref_slice %arg4[%multiple_of3A, %dma_wait3A_56] : memref<2560x128xi32, #tpu.memory_space<hbm>> -> memref<32x128xi32, #tpu.memory_space<hbm>>
      tpu.wait_dma2 semaphore(%run_scoped3A : memref<!tpu.dma_semaphore, #tpu.memory_space<semaphore_mem>>) src(%dma_wait3A_57 : memref<32x128xi32, #tpu.memory_space<hbm>>) dst(%arg7 : memref<32x128xi32, #tpu.memory_space<vmem>>)
      tpu.yield
    }) : () -> ()
    %dma_start3A = arith.constant 0 : i32
    %dma_start3A_14 = arith.constant 0 : i32
    %dma_start3A_15 = arith.constant 0 : i32
    %dma_start3A_16 = arith.constant 0 : i32
    %dma_start3A_17 = tpu.memref_slice %arg8[%dma_start3A_14, %dma_start3A_15, %dma_start3A_16] : memref<2x128x128xf32, #tpu.memory_space<vmem>> -> memref<1x128x128xf32, #tpu.memory_space<vmem>>
    %dma_start3A_18 = tpu.memref_squeeze %dma_start3A_17 : memref<1x128x128xf32, #tpu.memory_space<vmem>> -> memref<128x128xf32, #tpu.memory_space<vmem>>
    %dma_start3A_19 = arith.constant 0 : i32
    %dma_start3A_20 = tpu.memref_slice %arg6[%dma_start3A, %dma_start3A_19] : memref<32x128xi32, #tpu.memory_space<vmem>> -> memref<1x128xi32, #tpu.memory_space<vmem>>
    %dma_start3A_21 = tpu.memref_squeeze %dma_start3A_20 : memref<1x128xi32, #tpu.memory_space<vmem>> -> memref<128xi32, #tpu.memory_space<vmem>>
    %dma_start3A_22 = arith.constant 0 : i32
    %dma_start3A_23 = arith.constant 0 : i32
    %dma_start3A_24 = tpu.memref_slice %arg2[%dma_start3A_22, %dma_start3A_23] : memref<10240x128xf32, #tpu.memory_space<hbm>> -> memref<10240x128xf32, #tpu.memory_space<hbm>>
    tpu.enqueue_indirect_dma source(%dma_start3A_24 : memref<10240x128xf32, #tpu.memory_space<hbm>>) target(%dma_start3A_18 : memref<128x128xf32, #tpu.memory_space<vmem>>) offsets(%dma_start3A_21 : memref<128xi32, #tpu.memory_space<vmem>>) semaphore(%arg10 : memref<!tpu.dma_semaphore, #tpu.memory_space<semaphore_mem>>)
    %barrier3A = arith.constant 0 : index
    tpu.barrier barrier_id(%barrier3A)
    %scan3A_25 = arith.constant 0 : i32
    %scan3A_26 = arith.constant 40 : i32
    %scan3A_27 = arith.addi %scan3A_25, %scan3A_26 : i32
    %scan3A_28 = arith.constant 1 : i32
    scf.for %scan3A_50 = %scan3A_25 to %scan3A_27 step %scan3A_28  : i32 {
      %mul3A_51 = arith.constant 2 : i32
      %mul3A_52 = arith.muli %scan3A_50, %mul3A_51 : i32
      %add3A_53 = arith.constant 0 : i32
      %add3A_54 = arith.addi %add3A_53, %mul3A_52 : i32
      %add3A_55 = arith.constant 0 : i32
      %add3A_56 = arith.addi %add3A_54, %add3A_55 : i32
      %dma_wait3A_57 = arith.constant 0 : i32
      %dma_wait3A_58 = arith.constant 0 : i32
      %dma_wait3A_59 = arith.constant 0 : i32
      %dma_wait3A_60 = tpu.memref_slice %arg8[%dma_wait3A_57, %dma_wait3A_58, %dma_wait3A_59] : memref<2x128x128xf32, #tpu.memory_space<vmem>> -> memref<1x128x128xf32, #tpu.memory_space<vmem>>
      %dma_wait3A_61 = tpu.memref_squeeze %dma_wait3A_60 : memref<1x128x128xf32, #tpu.memory_space<vmem>> -> memref<128x128xf32, #tpu.memory_space<vmem>>
      %dma_wait3A_62 = arith.constant 0 : i32
      %dma_wait3A_63 = arith.constant 0 : i32
      %dma_wait3A_64 = tpu.memref_slice %arg2[%dma_wait3A_62, %dma_wait3A_63] : memref<10240x128xf32, #tpu.memory_space<hbm>> -> memref<128x128xf32, #tpu.memory_space<hbm>>
      %dma_wait3A_65 = arith.constant 0 : i32
      %dma_wait3A_66 = arith.constant 0 : i32
      %dma_wait3A_67 = tpu.memref_slice %arg8[%dma_wait3A_57, %dma_wait3A_65, %dma_wait3A_66] : memref<2x128x128xf32, #tpu.memory_space<vmem>> -> memref<1x128x128xf32, #tpu.memory_space<vmem>>
      %dma_wait3A_68 = tpu.memref_squeeze %dma_wait3A_67 : memref<1x128x128xf32, #tpu.memory_space<vmem>> -> memref<128x128xf32, #tpu.memory_space<vmem>>
      %dma_wait3A_69 = arith.constant 0 : i32
      %dma_wait3A_70 = arith.constant 0 : i32
      %dma_wait3A_71 = tpu.memref_slice %arg2[%dma_wait3A_69, %dma_wait3A_70] : memref<10240x128xf32, #tpu.memory_space<hbm>> -> memref<128x128xf32, #tpu.memory_space<hbm>>
      tpu.wait_dma2 semaphore(%arg10 : memref<!tpu.dma_semaphore, #tpu.memory_space<semaphore_mem>>) src(%dma_wait3A_71 : memref<128x128xf32, #tpu.memory_space<hbm>>) dst(%dma_wait3A_68 : memref<128x128xf32, #tpu.memory_space<vmem>>)
      %add3A_72 = arith.constant 1 : i32
      %add3A_73 = arith.addi %add3A_56, %add3A_72 : i32
      %ge3A = arith.constant 1 : i32
      %ge3A_74 = arith.cmpi sge, %add3A_56, %ge3A : i32
      %convert_element_type3A = arith.extui %ge3A_74 : i1 to i32
      %cond3A = arith.constant 0 : i32
      %cond3A_75 = arith.cmpi ne, %convert_element_type3A, %cond3A : i32
      scf.if %cond3A_75 {
        %dma_wait3A_162 = arith.constant 1 : i32
        %dma_wait3A_163 = arith.constant 0 : i32
        %dma_wait3A_164 = arith.constant 0 : i32
        %dma_wait3A_165 = tpu.memref_slice %arg8[%dma_wait3A_162, %dma_wait3A_163, %dma_wait3A_164] : memref<2x128x128xf32, #tpu.memory_space<vmem>> -> memref<1x128x128xf32, #tpu.memory_space<vmem>>
        %dma_wait3A_166 = tpu.memref_squeeze %dma_wait3A_165 : memref<1x128x128xf32, #tpu.memory_space<vmem>> -> memref<128x128xf32, #tpu.memory_space<vmem>>
        %dma_wait3A_167 = arith.constant 0 : i32
        %dma_wait3A_168 = arith.constant 0 : i32
        %dma_wait3A_169 = tpu.memref_slice %arg9[%dma_wait3A_167, %dma_wait3A_168] : memref<10240x128xf32, #tpu.memory_space<vmem_shared>> -> memref<128x128xf32, #tpu.memory_space<vmem_shared>>
        %dma_wait3A_170 = arith.constant 0 : i32
        %dma_wait3A_171 = arith.constant 0 : i32
        %dma_wait3A_172 = tpu.memref_slice %arg9[%dma_wait3A_170, %dma_wait3A_171] : memref<10240x128xf32, #tpu.memory_space<vmem_shared>> -> memref<128x128xf32, #tpu.memory_space<vmem_shared>>
        %dma_wait3A_173 = arith.constant 0 : i32
        %dma_wait3A_174 = arith.constant 0 : i32
        %dma_wait3A_175 = tpu.memref_slice %arg8[%dma_wait3A_162, %dma_wait3A_173, %dma_wait3A_174] : memref<2x128x128xf32, #tpu.memory_space<vmem>> -> memref<1x128x128xf32, #tpu.memory_space<vmem>>
        %dma_wait3A_176 = tpu.memref_squeeze %dma_wait3A_175 : memref<1x128x128xf32, #tpu.memory_space<vmem>> -> memref<128x128xf32, #tpu.memory_space<vmem>>
        tpu.wait_dma2 semaphore(%arg13 : memref<!tpu.dma_semaphore, #tpu.memory_space<semaphore_mem>>) src(%dma_wait3A_176 : memref<128x128xf32, #tpu.memory_space<vmem>>) dst(%dma_wait3A_172 : memref<128x128xf32, #tpu.memory_space<vmem_shared>>)
      } else {
      }
      %rem3A = arith.constant 16 : i32
      %rem3A_76 = arith.remsi %add3A_56, %rem3A : i32
      %eq3A = arith.constant 0 : i32
      %eq3A_77 = arith.cmpi eq, %rem3A_76, %eq3A : i32
      %ge3A_78 = arith.constant 1 : i32
      %ge3A_79 = arith.cmpi sge, %add3A_56, %ge3A_78 : i32
      %and3A = arith.andi %eq3A_77, %ge3A_79 : i1
      %add3A_80 = arith.constant 16 : i32
      %add3A_81 = arith.addi %add3A_56, %add3A_80 : i32
      %lt3A = arith.constant 80 : i32
      %lt3A_82 = arith.cmpi slt, %add3A_81, %lt3A : i32
      %and3A_83 = arith.andi %and3A, %lt3A_82 : i1
      %convert_element_type3A_84 = arith.extui %and3A_83 : i1 to i32
      %cond3A_85 = arith.constant 0 : i32
      %cond3A_86 = arith.cmpi ne, %convert_element_type3A_84, %cond3A_85 : i32
      scf.if %cond3A_86 {
        %mul3A_162 = arith.constant 80 : i32
        %mul3A_163 = arith.muli %add3A, %mul3A_162 : i32
        %add3A_164 = arith.addi %mul3A_163, %add3A_56 : i32
        %add3A_165 = arith.constant 16 : i32
        %add3A_166 = arith.addi %add3A_164, %add3A_165 : i32
        %multiple_of3A_167 = tpu.assume_multiple %add3A_166, 8 : i32
        %add3A_168 = arith.constant 16 : i32
        %add3A_169 = arith.addi %add3A_56, %add3A_168 : i32
        %rem3A_170 = arith.constant 32 : i32
        %rem3A_171 = arith.remsi %add3A_169, %rem3A_170 : i32
        %multiple_of3A_172 = tpu.assume_multiple %rem3A_171, 8 : i32
        "tpu.region"() ({
          %run_scoped3A = tpu.sem_alloc : memref<!tpu.dma_semaphore, #tpu.memory_space<semaphore_mem>>
          %dma_start3A_173 = arith.constant 0 : i32
          %dma_start3A_174 = tpu.memref_slice %arg6[%multiple_of3A_172, %dma_start3A_173] : memref<32x128xi32, #tpu.memory_space<vmem>> -> memref<16x128xi32, #tpu.memory_space<vmem>>
          %dma_start3A_175 = arith.constant 0 : i32
          %dma_start3A_176 = tpu.memref_slice %arg3[%multiple_of3A_167, %dma_start3A_175] : memref<2560x128xi32, #tpu.memory_space<hbm>> -> memref<16x128xi32, #tpu.memory_space<hbm>>
          %dma_start3A_177 = arith.constant 0 : i32
          %dma_start3A_178 = tpu.memref_slice %arg6[%multiple_of3A_172, %dma_start3A_177] : memref<32x128xi32, #tpu.memory_space<vmem>> -> memref<16x128xi32, #tpu.memory_space<vmem>>
          %dma_start3A_179 = arith.constant 0 : i32
          %dma_start3A_180 = tpu.memref_slice %arg3[%multiple_of3A_167, %dma_start3A_179] : memref<2560x128xi32, #tpu.memory_space<hbm>> -> memref<16x128xi32, #tpu.memory_space<hbm>>
          tpu.enqueue_dma source(%dma_start3A_180 : memref<16x128xi32, #tpu.memory_space<hbm>>) target(%dma_start3A_178 : memref<16x128xi32, #tpu.memory_space<vmem>>) target_semaphore(%run_scoped3A : memref<!tpu.dma_semaphore, #tpu.memory_space<semaphore_mem>>)
          %dma_wait3A_181 = arith.constant 0 : i32
          %dma_wait3A_182 = tpu.memref_slice %arg6[%multiple_of3A_172, %dma_wait3A_181] : memref<32x128xi32, #tpu.memory_space<vmem>> -> memref<16x128xi32, #tpu.memory_space<vmem>>
          %dma_wait3A_183 = arith.constant 0 : i32
          %dma_wait3A_184 = tpu.memref_slice %arg3[%multiple_of3A_167, %dma_wait3A_183] : memref<2560x128xi32, #tpu.memory_space<hbm>> -> memref<16x128xi32, #tpu.memory_space<hbm>>
          %dma_wait3A_185 = arith.constant 0 : i32
          %dma_wait3A_186 = tpu.memref_slice %arg6[%multiple_of3A_172, %dma_wait3A_185] : memref<32x128xi32, #tpu.memory_space<vmem>> -> memref<16x128xi32, #tpu.memory_space<vmem>>
          %dma_wait3A_187 = arith.constant 0 : i32
          %dma_wait3A_188 = tpu.memref_slice %arg3[%multiple_of3A_167, %dma_wait3A_187] : memref<2560x128xi32, #tpu.memory_space<hbm>> -> memref<16x128xi32, #tpu.memory_space<hbm>>
          tpu.wait_dma2 semaphore(%run_scoped3A : memref<!tpu.dma_semaphore, #tpu.memory_space<semaphore_mem>>) src(%dma_wait3A_188 : memref<16x128xi32, #tpu.memory_space<hbm>>) dst(%dma_wait3A_186 : memref<16x128xi32, #tpu.memory_space<vmem>>)
          tpu.yield
        }) : () -> ()
        "tpu.region"() ({
          %run_scoped3A = tpu.sem_alloc : memref<!tpu.dma_semaphore, #tpu.memory_space<semaphore_mem>>
          %dma_start3A_173 = arith.constant 0 : i32
          %dma_start3A_174 = tpu.memref_slice %arg7[%multiple_of3A_172, %dma_start3A_173] : memref<32x128xi32, #tpu.memory_space<vmem>> -> memref<16x128xi32, #tpu.memory_space<vmem>>
          %dma_start3A_175 = arith.constant 0 : i32
          %dma_start3A_176 = tpu.memref_slice %arg4[%multiple_of3A_167, %dma_start3A_175] : memref<2560x128xi32, #tpu.memory_space<hbm>> -> memref<16x128xi32, #tpu.memory_space<hbm>>
          %dma_start3A_177 = arith.constant 0 : i32
          %dma_start3A_178 = tpu.memref_slice %arg7[%multiple_of3A_172, %dma_start3A_177] : memref<32x128xi32, #tpu.memory_space<vmem>> -> memref<16x128xi32, #tpu.memory_space<vmem>>
          %dma_start3A_179 = arith.constant 0 : i32
          %dma_start3A_180 = tpu.memref_slice %arg4[%multiple_of3A_167, %dma_start3A_179] : memref<2560x128xi32, #tpu.memory_space<hbm>> -> memref<16x128xi32, #tpu.memory_space<hbm>>
          tpu.enqueue_dma source(%dma_start3A_180 : memref<16x128xi32, #tpu.memory_space<hbm>>) target(%dma_start3A_178 : memref<16x128xi32, #tpu.memory_space<vmem>>) target_semaphore(%run_scoped3A : memref<!tpu.dma_semaphore, #tpu.memory_space<semaphore_mem>>)
          %dma_wait3A_181 = arith.constant 0 : i32
          %dma_wait3A_182 = tpu.memref_slice %arg7[%multiple_of3A_172, %dma_wait3A_181] : memref<32x128xi32, #tpu.memory_space<vmem>> -> memref<16x128xi32, #tpu.memory_space<vmem>>
          %dma_wait3A_183 = arith.constant 0 : i32
          %dma_wait3A_184 = tpu.memref_slice %arg4[%multiple_of3A_167, %dma_wait3A_183] : memref<2560x128xi32, #tpu.memory_space<hbm>> -> memref<16x128xi32, #tpu.memory_space<hbm>>
          %dma_wait3A_185 = arith.constant 0 : i32
          %dma_wait3A_186 = tpu.memref_slice %arg7[%multiple_of3A_172, %dma_wait3A_185] : memref<32x128xi32, #tpu.memory_space<vmem>> -> memref<16x128xi32, #tpu.memory_space<vmem>>
          %dma_wait3A_187 = arith.constant 0 : i32
          %dma_wait3A_188 = tpu.memref_slice %arg4[%multiple_of3A_167, %dma_wait3A_187] : memref<2560x128xi32, #tpu.memory_space<hbm>> -> memref<16x128xi32, #tpu.memory_space<hbm>>
          tpu.wait_dma2 semaphore(%run_scoped3A : memref<!tpu.dma_semaphore, #tpu.memory_space<semaphore_mem>>) src(%dma_wait3A_188 : memref<16x128xi32, #tpu.memory_space<hbm>>) dst(%dma_wait3A_186 : memref<16x128xi32, #tpu.memory_space<vmem>>)
          tpu.yield
        }) : () -> ()
      } else {
      }
      %lt3A_87 = arith.constant 80 : i32
      %lt3A_88 = arith.cmpi slt, %add3A_73, %lt3A_87 : i32
      %convert_element_type3A_89 = arith.extui %lt3A_88 : i1 to i32
      %cond3A_90 = arith.constant 0 : i32
      %cond3A_91 = arith.cmpi ne, %convert_element_type3A_89, %cond3A_90 : i32
      scf.if %cond3A_91 {
        %rem3A_162 = arith.constant 32 : i32
        %rem3A_163 = arith.remsi %add3A_73, %rem3A_162 : i32
        %dma_start3A_164 = arith.constant 1 : i32
        %dma_start3A_165 = arith.constant 0 : i32
        %dma_start3A_166 = arith.constant 0 : i32
        %dma_start3A_167 = tpu.memref_slice %arg8[%dma_start3A_164, %dma_start3A_165, %dma_start3A_166] : memref<2x128x128xf32, #tpu.memory_space<vmem>> -> memref<1x128x128xf32, #tpu.memory_space<vmem>>
        %dma_start3A_168 = tpu.memref_squeeze %dma_start3A_167 : memref<1x128x128xf32, #tpu.memory_space<vmem>> -> memref<128x128xf32, #tpu.memory_space<vmem>>
        %dma_start3A_169 = arith.constant 0 : i32
        %dma_start3A_170 = tpu.memref_slice %arg6[%rem3A_163, %dma_start3A_169] : memref<32x128xi32, #tpu.memory_space<vmem>> -> memref<1x128xi32, #tpu.memory_space<vmem>>
        %dma_start3A_171 = tpu.memref_squeeze %dma_start3A_170 : memref<1x128xi32, #tpu.memory_space<vmem>> -> memref<128xi32, #tpu.memory_space<vmem>>
        %dma_start3A_172 = arith.constant 0 : i32
        %dma_start3A_173 = arith.constant 0 : i32
        %dma_start3A_174 = tpu.memref_slice %arg2[%dma_start3A_172, %dma_start3A_173] : memref<10240x128xf32, #tpu.memory_space<hbm>> -> memref<10240x128xf32, #tpu.memory_space<hbm>>
        tpu.enqueue_indirect_dma source(%dma_start3A_174 : memref<10240x128xf32, #tpu.memory_space<hbm>>) target(%dma_start3A_168 : memref<128x128xf32, #tpu.memory_space<vmem>>) offsets(%dma_start3A_171 : memref<128xi32, #tpu.memory_space<vmem>>) semaphore(%arg11 : memref<!tpu.dma_semaphore, #tpu.memory_space<semaphore_mem>>)
      } else {
      }
      %rem3A_92 = arith.constant 32 : i32
      %rem3A_93 = arith.remsi %add3A_56, %rem3A_92 : i32
      %dma_start3A_94 = arith.constant 0 : i32
      %dma_start3A_95 = arith.constant 0 : i32
      %dma_start3A_96 = arith.constant 0 : i32
      %dma_start3A_97 = tpu.memref_slice %arg8[%dma_start3A_94, %dma_start3A_95, %dma_start3A_96] : memref<2x128x128xf32, #tpu.memory_space<vmem>> -> memref<1x128x128xf32, #tpu.memory_space<vmem>>
      %dma_start3A_98 = tpu.memref_squeeze %dma_start3A_97 : memref<1x128x128xf32, #tpu.memory_space<vmem>> -> memref<128x128xf32, #tpu.memory_space<vmem>>
      %dma_start3A_99 = arith.constant 0 : i32
      %dma_start3A_100 = tpu.memref_slice %arg7[%rem3A_93, %dma_start3A_99] : memref<32x128xi32, #tpu.memory_space<vmem>> -> memref<1x128xi32, #tpu.memory_space<vmem>>
      %dma_start3A_101 = tpu.memref_squeeze %dma_start3A_100 : memref<1x128xi32, #tpu.memory_space<vmem>> -> memref<128xi32, #tpu.memory_space<vmem>>
      %dma_start3A_102 = arith.constant 0 : i32
      %dma_start3A_103 = arith.constant 0 : i32
      %dma_start3A_104 = tpu.memref_slice %arg9[%dma_start3A_102, %dma_start3A_103] : memref<10240x128xf32, #tpu.memory_space<vmem_shared>> -> memref<10240x128xf32, #tpu.memory_space<vmem_shared>>
      tpu.enqueue_indirect_dma source(%dma_start3A_98 : memref<128x128xf32, #tpu.memory_space<vmem>>) target(%dma_start3A_104 : memref<10240x128xf32, #tpu.memory_space<vmem_shared>>) offsets(%dma_start3A_101 : memref<128xi32, #tpu.memory_space<vmem>>) semaphore(%arg12 : memref<!tpu.dma_semaphore, #tpu.memory_space<semaphore_mem>>) {add = true}
      %add3A_105 = arith.constant 1 : i32
      %add3A_106 = arith.addi %add3A_54, %add3A_105 : i32
      %dma_wait3A_107 = arith.constant 1 : i32
      %dma_wait3A_108 = arith.constant 0 : i32
      %dma_wait3A_109 = arith.constant 0 : i32
      %dma_wait3A_110 = tpu.memref_slice %arg8[%dma_wait3A_107, %dma_wait3A_108, %dma_wait3A_109] : memref<2x128x128xf32, #tpu.memory_space<vmem>> -> memref<1x128x128xf32, #tpu.memory_space<vmem>>
      %dma_wait3A_111 = tpu.memref_squeeze %dma_wait3A_110 : memref<1x128x128xf32, #tpu.memory_space<vmem>> -> memref<128x128xf32, #tpu.memory_space<vmem>>
      %dma_wait3A_112 = arith.constant 0 : i32
      %dma_wait3A_113 = arith.constant 0 : i32
      %dma_wait3A_114 = tpu.memref_slice %arg2[%dma_wait3A_112, %dma_wait3A_113] : memref<10240x128xf32, #tpu.memory_space<hbm>> -> memref<128x128xf32, #tpu.memory_space<hbm>>
      %dma_wait3A_115 = arith.constant 0 : i32
      %dma_wait3A_116 = arith.constant 0 : i32
      %dma_wait3A_117 = tpu.memref_slice %arg8[%dma_wait3A_107, %dma_wait3A_115, %dma_wait3A_116] : memref<2x128x128xf32, #tpu.memory_space<vmem>> -> memref<1x128x128xf32, #tpu.memory_space<vmem>>
      %dma_wait3A_118 = tpu.memref_squeeze %dma_wait3A_117 : memref<1x128x128xf32, #tpu.memory_space<vmem>> -> memref<128x128xf32, #tpu.memory_space<vmem>>
      %dma_wait3A_119 = arith.constant 0 : i32
      %dma_wait3A_120 = arith.constant 0 : i32
      %dma_wait3A_121 = tpu.memref_slice %arg2[%dma_wait3A_119, %dma_wait3A_120] : memref<10240x128xf32, #tpu.memory_space<hbm>> -> memref<128x128xf32, #tpu.memory_space<hbm>>
      tpu.wait_dma2 semaphore(%arg11 : memref<!tpu.dma_semaphore, #tpu.memory_space<semaphore_mem>>) src(%dma_wait3A_121 : memref<128x128xf32, #tpu.memory_space<hbm>>) dst(%dma_wait3A_118 : memref<128x128xf32, #tpu.memory_space<vmem>>)
      %add3A_122 = arith.constant 1 : i32
      %add3A_123 = arith.addi %add3A_106, %add3A_122 : i32
      %ge3A_124 = arith.constant 1 : i32
      %ge3A_125 = arith.cmpi sge, %add3A_106, %ge3A_124 : i32
      %convert_element_type3A_126 = arith.extui %ge3A_125 : i1 to i32
      %cond3A_127 = arith.constant 0 : i32
      %cond3A_128 = arith.cmpi ne, %convert_element_type3A_126, %cond3A_127 : i32
      scf.if %cond3A_128 {
        %dma_wait3A_162 = arith.constant 0 : i32
        %dma_wait3A_163 = arith.constant 0 : i32
        %dma_wait3A_164 = arith.constant 0 : i32
        %dma_wait3A_165 = tpu.memref_slice %arg8[%dma_wait3A_162, %dma_wait3A_163, %dma_wait3A_164] : memref<2x128x128xf32, #tpu.memory_space<vmem>> -> memref<1x128x128xf32, #tpu.memory_space<vmem>>
        %dma_wait3A_166 = tpu.memref_squeeze %dma_wait3A_165 : memref<1x128x128xf32, #tpu.memory_space<vmem>> -> memref<128x128xf32, #tpu.memory_space<vmem>>
        %dma_wait3A_167 = arith.constant 0 : i32
        %dma_wait3A_168 = arith.constant 0 : i32
        %dma_wait3A_169 = tpu.memref_slice %arg9[%dma_wait3A_167, %dma_wait3A_168] : memref<10240x128xf32, #tpu.memory_space<vmem_shared>> -> memref<128x128xf32, #tpu.memory_space<vmem_shared>>
        %dma_wait3A_170 = arith.constant 0 : i32
        %dma_wait3A_171 = arith.constant 0 : i32
        %dma_wait3A_172 = tpu.memref_slice %arg9[%dma_wait3A_170, %dma_wait3A_171] : memref<10240x128xf32, #tpu.memory_space<vmem_shared>> -> memref<128x128xf32, #tpu.memory_space<vmem_shared>>
        %dma_wait3A_173 = arith.constant 0 : i32
        %dma_wait3A_174 = arith.constant 0 : i32
        %dma_wait3A_175 = tpu.memref_slice %arg8[%dma_wait3A_162, %dma_wait3A_173, %dma_wait3A_174] : memref<2x128x128xf32, #tpu.memory_space<vmem>> -> memref<1x128x128xf32, #tpu.memory_space<vmem>>
        %dma_wait3A_176 = tpu.memref_squeeze %dma_wait3A_175 : memref<1x128x128xf32, #tpu.memory_space<vmem>> -> memref<128x128xf32, #tpu.memory_space<vmem>>
        tpu.wait_dma2 semaphore(%arg12 : memref<!tpu.dma_semaphore, #tpu.memory_space<semaphore_mem>>) src(%dma_wait3A_176 : memref<128x128xf32, #tpu.memory_space<vmem>>) dst(%dma_wait3A_172 : memref<128x128xf32, #tpu.memory_space<vmem_shared>>)
      } else {
      }
      %rem3A_129 = arith.constant 16 : i32
      %rem3A_130 = arith.remsi %add3A_106, %rem3A_129 : i32
      %eq3A_131 = arith.constant 0 : i32
      %eq3A_132 = arith.cmpi eq, %rem3A_130, %eq3A_131 : i32
      %ge3A_133 = arith.constant 1 : i32
      %ge3A_134 = arith.cmpi sge, %add3A_106, %ge3A_133 : i32
      %and3A_135 = arith.andi %eq3A_132, %ge3A_134 : i1
      %add3A_136 = arith.constant 16 : i32
      %add3A_137 = arith.addi %add3A_106, %add3A_136 : i32
      %lt3A_138 = arith.constant 80 : i32
      %lt3A_139 = arith.cmpi slt, %add3A_137, %lt3A_138 : i32
      %and3A_140 = arith.andi %and3A_135, %lt3A_139 : i1
      %convert_element_type3A_141 = arith.extui %and3A_140 : i1 to i32
      %cond3A_142 = arith.constant 0 : i32
      %cond3A_143 = arith.cmpi ne, %convert_element_type3A_141, %cond3A_142 : i32
      scf.if %cond3A_143 {
        %mul3A_162 = arith.constant 80 : i32
        %mul3A_163 = arith.muli %add3A, %mul3A_162 : i32
        %add3A_164 = arith.addi %mul3A_163, %add3A_106 : i32
        %add3A_165 = arith.constant 16 : i32
        %add3A_166 = arith.addi %add3A_164, %add3A_165 : i32
        %multiple_of3A_167 = tpu.assume_multiple %add3A_166, 8 : i32
        %add3A_168 = arith.constant 16 : i32
        %add3A_169 = arith.addi %add3A_106, %add3A_168 : i32
        %rem3A_170 = arith.constant 32 : i32
        %rem3A_171 = arith.remsi %add3A_169, %rem3A_170 : i32
        %multiple_of3A_172 = tpu.assume_multiple %rem3A_171, 8 : i32
        "tpu.region"() ({
          %run_scoped3A = tpu.sem_alloc : memref<!tpu.dma_semaphore, #tpu.memory_space<semaphore_mem>>
          %dma_start3A_173 = arith.constant 0 : i32
          %dma_start3A_174 = tpu.memref_slice %arg6[%multiple_of3A_172, %dma_start3A_173] : memref<32x128xi32, #tpu.memory_space<vmem>> -> memref<16x128xi32, #tpu.memory_space<vmem>>
          %dma_start3A_175 = arith.constant 0 : i32
          %dma_start3A_176 = tpu.memref_slice %arg3[%multiple_of3A_167, %dma_start3A_175] : memref<2560x128xi32, #tpu.memory_space<hbm>> -> memref<16x128xi32, #tpu.memory_space<hbm>>
          %dma_start3A_177 = arith.constant 0 : i32
          %dma_start3A_178 = tpu.memref_slice %arg6[%multiple_of3A_172, %dma_start3A_177] : memref<32x128xi32, #tpu.memory_space<vmem>> -> memref<16x128xi32, #tpu.memory_space<vmem>>
          %dma_start3A_179 = arith.constant 0 : i32
          %dma_start3A_180 = tpu.memref_slice %arg3[%multiple_of3A_167, %dma_start3A_179] : memref<2560x128xi32, #tpu.memory_space<hbm>> -> memref<16x128xi32, #tpu.memory_space<hbm>>
          tpu.enqueue_dma source(%dma_start3A_180 : memref<16x128xi32, #tpu.memory_space<hbm>>) target(%dma_start3A_178 : memref<16x128xi32, #tpu.memory_space<vmem>>) target_semaphore(%run_scoped3A : memref<!tpu.dma_semaphore, #tpu.memory_space<semaphore_mem>>)
          %dma_wait3A_181 = arith.constant 0 : i32
          %dma_wait3A_182 = tpu.memref_slice %arg6[%multiple_of3A_172, %dma_wait3A_181] : memref<32x128xi32, #tpu.memory_space<vmem>> -> memref<16x128xi32, #tpu.memory_space<vmem>>
          %dma_wait3A_183 = arith.constant 0 : i32
          %dma_wait3A_184 = tpu.memref_slice %arg3[%multiple_of3A_167, %dma_wait3A_183] : memref<2560x128xi32, #tpu.memory_space<hbm>> -> memref<16x128xi32, #tpu.memory_space<hbm>>
          %dma_wait3A_185 = arith.constant 0 : i32
          %dma_wait3A_186 = tpu.memref_slice %arg6[%multiple_of3A_172, %dma_wait3A_185] : memref<32x128xi32, #tpu.memory_space<vmem>> -> memref<16x128xi32, #tpu.memory_space<vmem>>
          %dma_wait3A_187 = arith.constant 0 : i32
          %dma_wait3A_188 = tpu.memref_slice %arg3[%multiple_of3A_167, %dma_wait3A_187] : memref<2560x128xi32, #tpu.memory_space<hbm>> -> memref<16x128xi32, #tpu.memory_space<hbm>>
          tpu.wait_dma2 semaphore(%run_scoped3A : memref<!tpu.dma_semaphore, #tpu.memory_space<semaphore_mem>>) src(%dma_wait3A_188 : memref<16x128xi32, #tpu.memory_space<hbm>>) dst(%dma_wait3A_186 : memref<16x128xi32, #tpu.memory_space<vmem>>)
          tpu.yield
        }) : () -> ()
        "tpu.region"() ({
          %run_scoped3A = tpu.sem_alloc : memref<!tpu.dma_semaphore, #tpu.memory_space<semaphore_mem>>
          %dma_start3A_173 = arith.constant 0 : i32
          %dma_start3A_174 = tpu.memref_slice %arg7[%multiple_of3A_172, %dma_start3A_173] : memref<32x128xi32, #tpu.memory_space<vmem>> -> memref<16x128xi32, #tpu.memory_space<vmem>>
          %dma_start3A_175 = arith.constant 0 : i32
          %dma_start3A_176 = tpu.memref_slice %arg4[%multiple_of3A_167, %dma_start3A_175] : memref<2560x128xi32, #tpu.memory_space<hbm>> -> memref<16x128xi32, #tpu.memory_space<hbm>>
          %dma_start3A_177 = arith.constant 0 : i32
          %dma_start3A_178 = tpu.memref_slice %arg7[%multiple_of3A_172, %dma_start3A_177] : memref<32x128xi32, #tpu.memory_space<vmem>> -> memref<16x128xi32, #tpu.memory_space<vmem>>
          %dma_start3A_179 = arith.constant 0 : i32
          %dma_start3A_180 = tpu.memref_slice %arg4[%multiple_of3A_167, %dma_start3A_179] : memref<2560x128xi32, #tpu.memory_space<hbm>> -> memref<16x128xi32, #tpu.memory_space<hbm>>
          tpu.enqueue_dma source(%dma_start3A_180 : memref<16x128xi32, #tpu.memory_space<hbm>>) target(%dma_start3A_178 : memref<16x128xi32, #tpu.memory_space<vmem>>) target_semaphore(%run_scoped3A : memref<!tpu.dma_semaphore, #tpu.memory_space<semaphore_mem>>)
          %dma_wait3A_181 = arith.constant 0 : i32
          %dma_wait3A_182 = tpu.memref_slice %arg7[%multiple_of3A_172, %dma_wait3A_181] : memref<32x128xi32, #tpu.memory_space<vmem>> -> memref<16x128xi32, #tpu.memory_space<vmem>>
          %dma_wait3A_183 = arith.constant 0 : i32
          %dma_wait3A_184 = tpu.memref_slice %arg4[%multiple_of3A_167, %dma_wait3A_183] : memref<2560x128xi32, #tpu.memory_space<hbm>> -> memref<16x128xi32, #tpu.memory_space<hbm>>
          %dma_wait3A_185 = arith.constant 0 : i32
          %dma_wait3A_186 = tpu.memref_slice %arg7[%multiple_of3A_172, %dma_wait3A_185] : memref<32x128xi32, #tpu.memory_space<vmem>> -> memref<16x128xi32, #tpu.memory_space<vmem>>
          %dma_wait3A_187 = arith.constant 0 : i32
          %dma_wait3A_188 = tpu.memref_slice %arg4[%multiple_of3A_167, %dma_wait3A_187] : memref<2560x128xi32, #tpu.memory_space<hbm>> -> memref<16x128xi32, #tpu.memory_space<hbm>>
          tpu.wait_dma2 semaphore(%run_scoped3A : memref<!tpu.dma_semaphore, #tpu.memory_space<semaphore_mem>>) src(%dma_wait3A_188 : memref<16x128xi32, #tpu.memory_space<hbm>>) dst(%dma_wait3A_186 : memref<16x128xi32, #tpu.memory_space<vmem>>)
          tpu.yield
        }) : () -> ()
      } else {
      }
      %lt3A_144 = arith.constant 80 : i32
      %lt3A_145 = arith.cmpi slt, %add3A_123, %lt3A_144 : i32
      %convert_element_type3A_146 = arith.extui %lt3A_145 : i1 to i32
      %cond3A_147 = arith.constant 0 : i32
      %cond3A_148 = arith.cmpi ne, %convert_element_type3A_146, %cond3A_147 : i32
      scf.if %cond3A_148 {
        %rem3A_162 = arith.constant 32 : i32
        %rem3A_163 = arith.remsi %add3A_123, %rem3A_162 : i32
        %dma_start3A_164 = arith.constant 0 : i32
        %dma_start3A_165 = arith.constant 0 : i32
        %dma_start3A_166 = arith.constant 0 : i32
        %dma_start3A_167 = tpu.memref_slice %arg8[%dma_start3A_164, %dma_start3A_165, %dma_start3A_166] : memref<2x128x128xf32, #tpu.memory_space<vmem>> -> memref<1x128x128xf32, #tpu.memory_space<vmem>>
        %dma_start3A_168 = tpu.memref_squeeze %dma_start3A_167 : memref<1x128x128xf32, #tpu.memory_space<vmem>> -> memref<128x128xf32, #tpu.memory_space<vmem>>
        %dma_start3A_169 = arith.constant 0 : i32
        %dma_start3A_170 = tpu.memref_slice %arg6[%rem3A_163, %dma_start3A_169] : memref<32x128xi32, #tpu.memory_space<vmem>> -> memref<1x128xi32, #tpu.memory_space<vmem>>
        %dma_start3A_171 = tpu.memref_squeeze %dma_start3A_170 : memref<1x128xi32, #tpu.memory_space<vmem>> -> memref<128xi32, #tpu.memory_space<vmem>>
        %dma_start3A_172 = arith.constant 0 : i32
        %dma_start3A_173 = arith.constant 0 : i32
        %dma_start3A_174 = tpu.memref_slice %arg2[%dma_start3A_172, %dma_start3A_173] : memref<10240x128xf32, #tpu.memory_space<hbm>> -> memref<10240x128xf32, #tpu.memory_space<hbm>>
        tpu.enqueue_indirect_dma source(%dma_start3A_174 : memref<10240x128xf32, #tpu.memory_space<hbm>>) target(%dma_start3A_168 : memref<128x128xf32, #tpu.memory_space<vmem>>) offsets(%dma_start3A_171 : memref<128xi32, #tpu.memory_space<vmem>>) semaphore(%arg10 : memref<!tpu.dma_semaphore, #tpu.memory_space<semaphore_mem>>)
      } else {
      }
      %rem3A_149 = arith.constant 32 : i32
      %rem3A_150 = arith.remsi %add3A_106, %rem3A_149 : i32
      %dma_start3A_151 = arith.constant 1 : i32
      %dma_start3A_152 = arith.constant 0 : i32
      %dma_start3A_153 = arith.constant 0 : i32
      %dma_start3A_154 = tpu.memref_slice %arg8[%dma_start3A_151, %dma_start3A_152, %dma_start3A_153] : memref<2x128x128xf32, #tpu.memory_space<vmem>> -> memref<1x128x128xf32, #tpu.memory_space<vmem>>
      %dma_start3A_155 = tpu.memref_squeeze %dma_start3A_154 : memref<1x128x128xf32, #tpu.memory_space<vmem>> -> memref<128x128xf32, #tpu.memory_space<vmem>>
      %dma_start3A_156 = arith.constant 0 : i32
      %dma_start3A_157 = tpu.memref_slice %arg7[%rem3A_150, %dma_start3A_156] : memref<32x128xi32, #tpu.memory_space<vmem>> -> memref<1x128xi32, #tpu.memory_space<vmem>>
      %dma_start3A_158 = tpu.memref_squeeze %dma_start3A_157 : memref<1x128xi32, #tpu.memory_space<vmem>> -> memref<128xi32, #tpu.memory_space<vmem>>
      %dma_start3A_159 = arith.constant 0 : i32
      %dma_start3A_160 = arith.constant 0 : i32
      %dma_start3A_161 = tpu.memref_slice %arg9[%dma_start3A_159, %dma_start3A_160] : memref<10240x128xf32, #tpu.memory_space<vmem_shared>> -> memref<10240x128xf32, #tpu.memory_space<vmem_shared>>
      tpu.enqueue_indirect_dma source(%dma_start3A_155 : memref<128x128xf32, #tpu.memory_space<vmem>>) target(%dma_start3A_161 : memref<10240x128xf32, #tpu.memory_space<vmem_shared>>) offsets(%dma_start3A_158 : memref<128xi32, #tpu.memory_space<vmem>>) semaphore(%arg13 : memref<!tpu.dma_semaphore, #tpu.memory_space<semaphore_mem>>) {add = true}
    }
    %scan3A_29 = arith.constant 40 : i32
    %dma_wait3A = arith.constant 1 : i32
    %dma_wait3A_30 = arith.constant 0 : i32
    %dma_wait3A_31 = arith.constant 0 : i32
    %dma_wait3A_32 = tpu.memref_slice %arg8[%dma_wait3A, %dma_wait3A_30, %dma_wait3A_31] : memref<2x128x128xf32, #tpu.memory_space<vmem>> -> memref<1x128x128xf32, #tpu.memory_space<vmem>>
    %dma_wait3A_33 = tpu.memref_squeeze %dma_wait3A_32 : memref<1x128x128xf32, #tpu.memory_space<vmem>> -> memref<128x128xf32, #tpu.memory_space<vmem>>
    %dma_wait3A_34 = arith.constant 0 : i32
    %dma_wait3A_35 = arith.constant 0 : i32
    %dma_wait3A_36 = tpu.memref_slice %arg9[%dma_wait3A_34, %dma_wait3A_35] : memref<10240x128xf32, #tpu.memory_space<vmem_shared>> -> memref<128x128xf32, #tpu.memory_space<vmem_shared>>
    %dma_wait3A_37 = arith.constant 0 : i32
    %dma_wait3A_38 = arith.constant 0 : i32
    %dma_wait3A_39 = tpu.memref_slice %arg9[%dma_wait3A_37, %dma_wait3A_38] : memref<10240x128xf32, #tpu.memory_space<vmem_shared>> -> memref<128x128xf32, #tpu.memory_space<vmem_shared>>
    %dma_wait3A_40 = arith.constant 0 : i32
    %dma_wait3A_41 = arith.constant 0 : i32
    %dma_wait3A_42 = tpu.memref_slice %arg8[%dma_wait3A, %dma_wait3A_40, %dma_wait3A_41] : memref<2x128x128xf32, #tpu.memory_space<vmem>> -> memref<1x128x128xf32, #tpu.memory_space<vmem>>
    %dma_wait3A_43 = tpu.memref_squeeze %dma_wait3A_42 : memref<1x128x128xf32, #tpu.memory_space<vmem>> -> memref<128x128xf32, #tpu.memory_space<vmem>>
    tpu.wait_dma2 semaphore(%arg13 : memref<!tpu.dma_semaphore, #tpu.memory_space<semaphore_mem>>) src(%dma_wait3A_43 : memref<128x128xf32, #tpu.memory_space<vmem>>) dst(%dma_wait3A_39 : memref<128x128xf32, #tpu.memory_space<vmem_shared>>)
    %barrier3A_44 = arith.constant 0 : index
    tpu.barrier barrier_id(%barrier3A_44)
    %scan3A_45 = arith.constant 0 : i32
    %scan3A_46 = arith.constant 5 : i32
    %scan3A_47 = arith.addi %scan3A_45, %scan3A_46 : i32
    %scan3A_48 = arith.constant 1 : i32
    scf.for %scan3A_50 = %scan3A_45 to %scan3A_47 step %scan3A_48  : i32 {
      %mul3A_51 = arith.constant 128 : i32
      %mul3A_52 = arith.muli %scan3A_50, %mul3A_51 : i32
      %add3A_53 = arith.constant 0 : i32
      %add3A_54 = arith.addi %add3A_53, %mul3A_52 : i32
      %add3A_55 = arith.addi %mul3A_2, %add3A_54 : i32
      %add3A_56 = arith.addi %mul3A_2, %add3A_54 : i32
      "tpu.region"() ({
        %run_scoped3A = tpu.sem_alloc : memref<!tpu.dma_semaphore, #tpu.memory_space<semaphore_mem>>
        %dma_start3A_57 = arith.constant 0 : i32
        %dma_start3A_58 = tpu.memref_slice %arg5[%arg0, %add3A_56, %dma_start3A_57] : memref<2x10240x128xf32, #tpu.memory_space<hbm>> -> memref<1x128x128xf32, #tpu.memory_space<hbm>>
        %dma_start3A_59 = tpu.memref_squeeze %dma_start3A_58 : memref<1x128x128xf32, #tpu.memory_space<hbm>> -> memref<128x128xf32, #tpu.memory_space<hbm>>
        %dma_start3A_60 = arith.constant 0 : i32
        %dma_start3A_61 = tpu.memref_slice %arg9[%add3A_55, %dma_start3A_60] : memref<10240x128xf32, #tpu.memory_space<vmem_shared>> -> memref<128x128xf32, #tpu.memory_space<vmem_shared>>
        tpu.enqueue_dma source(%dma_start3A_61 : memref<128x128xf32, #tpu.memory_space<vmem_shared>>) target(%dma_start3A_59 : memref<128x128xf32, #tpu.memory_space<hbm>>) target_semaphore(%run_scoped3A : memref<!tpu.dma_semaphore, #tpu.memory_space<semaphore_mem>>)
        %dma_wait3A_62 = arith.constant 0 : i32
        %dma_wait3A_63 = tpu.memref_slice %arg5[%arg0, %add3A_56, %dma_wait3A_62] : memref<2x10240x128xf32, #tpu.memory_space<hbm>> -> memref<1x128x128xf32, #tpu.memory_space<hbm>>
        %dma_wait3A_64 = tpu.memref_squeeze %dma_wait3A_63 : memref<1x128x128xf32, #tpu.memory_space<hbm>> -> memref<128x128xf32, #tpu.memory_space<hbm>>
        %dma_wait3A_65 = arith.constant 0 : i32
        %dma_wait3A_66 = tpu.memref_slice %arg9[%add3A_55, %dma_wait3A_65] : memref<10240x128xf32, #tpu.memory_space<vmem_shared>> -> memref<128x128xf32, #tpu.memory_space<vmem_shared>>
        tpu.wait_dma2 semaphore(%run_scoped3A : memref<!tpu.dma_semaphore, #tpu.memory_space<semaphore_mem>>) src(%dma_wait3A_66 : memref<128x128xf32, #tpu.memory_space<vmem_shared>>) dst(%dma_wait3A_64 : memref<128x128xf32, #tpu.memory_space<hbm>>)
        tpu.yield
      }) : () -> ()
    }
    %scan3A_49 = arith.constant 5 : i32
    return
  }
}

module attributes {stable_mosaic.version = 14 : i64} {
  func.func @_first_body(%arg0: i32, %arg1: memref<1024x128xf32, #tpu.memory_space<vmem>>, %arg2: memref<128x128xf32, #tpu.memory_space<vmem>>, %arg3: memref<32x1024xf32, #tpu.memory_space<vmem>>, %arg4: memref<1024x128xf32, #tpu.memory_space<vmem>>, %arg5: memref<1024x16xf32, #tpu.memory_space<vmem>>) attributes {dimension_semantics = [#tpu.dimension_semantics<arbitrary>], iteration_bounds = array<i64: 10>, scalar_prefetch = 0 : i64, scratch_operands = 0 : i64, tpu.core_type = #tpu.core_type<tc>, window_params = [{transform_indices = @transform_0, window_bounds = array<i64: 1024, 128>}, {pipeline_mode = #tpu.pipeline_mode<synchronous>, transform_indices = @transform_1, window_bounds = array<i64: 128, 128>}, {transform_indices = @transform_2, window_bounds = array<i64: 32, 1024>}, {transform_indices = @transform_3, window_bounds = array<i64: 1024, 128>}, {transform_indices = @transform_4, window_bounds = array<i64: 1024, 16>}]} {
    %get3A = arith.constant 0 : index
    %get3A_0 = arith.constant 0 : index
    %get3A_1 = vector.load %arg3[%get3A, %get3A_0] : memref<32x1024xf32, #tpu.memory_space<vmem>>, vector<32x1024xf32>
    %broadcast_in_dim3A = arith.constant 1.000000e+00 : f32
    %broadcast_in_dim3A_2 = vector.broadcast %broadcast_in_dim3A : f32 to vector<32x1xf32>
    %dot_general3A = arith.constant dense<0.000000e+00> : vector<1024x1xf32>
    %dot_general3A_3 = tpu.matmul %get3A_1, %broadcast_in_dim3A_2, %dot_general3A {dimension_numbers = #tpu.dot_dimension_numbers<[0], [0], [1], [1], [0, 1, 1, 1], [], []>, transpose_lhs_hint = false} : vector<32x1024xf32>, vector<32x1xf32>, vector<1024x1xf32> -> vector<1024x1xf32>
    %add3A = arith.constant 1.000000e+00 : f32
    %add3A_4 = vector.broadcast %add3A : f32 to vector<1024x1xf32>
    %add3A_5 = arith.addf %dot_general3A_3, %add3A_4 : vector<1024x1xf32>
    %rsqrt3A = math.rsqrt %add3A_5 : vector<1024x1xf32>
    %broadcast_in_dim3A_6 = vector.shape_cast %rsqrt3A : vector<1024x1xf32> to vector<1024x1xf32>
    %broadcast_in_dim3A_7 = vector.broadcast %broadcast_in_dim3A_6 : vector<1024x1xf32> to vector<1024x16xf32>
    %swap3A = arith.constant 0 : index
    %swap3A_8 = arith.constant 0 : index
    %swap3A_9 = vector.load %arg5[%swap3A, %swap3A_8] : memref<1024x16xf32, #tpu.memory_space<vmem>>, vector<1024x16xf32>
    tpu.vector_store %arg5[%swap3A, %swap3A_8], %broadcast_in_dim3A_7 {strides = array<i32>} : memref<1024x16xf32, #tpu.memory_space<vmem>>, vector<1024x16xf32>,
    %get3A_10 = arith.constant 0 : index
    %get3A_11 = arith.constant 0 : index
    %get3A_12 = vector.load %arg1[%get3A_10, %get3A_11] : memref<1024x128xf32, #tpu.memory_space<vmem>>, vector<1024x128xf32>
    %get3A_13 = arith.constant 0 : index
    %get3A_14 = arith.constant 0 : index
    %get3A_15 = vector.load %arg2[%get3A_13, %get3A_14] : memref<128x128xf32, #tpu.memory_space<vmem>>, vector<128x128xf32>
    %dot_general3A_16 = arith.constant dense<0.000000e+00> : vector<1024x128xf32>
    %dot_general3A_17 = tpu.matmul %get3A_12, %get3A_15, %dot_general3A_16 {dimension_numbers = #tpu.dot_dimension_numbers<[1], [0], [0], [1], [0, 0, 1, 1], [], []>, transpose_lhs_hint = false} : vector<1024x128xf32>, vector<128x128xf32>, vector<1024x128xf32> -> vector<1024x128xf32>
    %mul3A = vector.broadcast %rsqrt3A : vector<1024x1xf32> to vector<1024x128xf32>
    %mul3A_18 = arith.mulf %dot_general3A_17, %mul3A : vector<1024x128xf32>
    %swap3A_19 = arith.constant 0 : index
    %swap3A_20 = arith.constant 0 : index
    %swap3A_21 = vector.load %arg4[%swap3A_19, %swap3A_20] : memref<1024x128xf32, #tpu.memory_space<vmem>>, vector<1024x128xf32>
    tpu.vector_store %arg4[%swap3A_19, %swap3A_20], %mul3A_18 {strides = array<i32>} : memref<1024x128xf32, #tpu.memory_space<vmem>>, vector<1024x128xf32>,
    return
  }
  func.func @transform_0(%arg0: i32) -> (i32, i32) {
    %c0_i32 = arith.constant 0 : i32
    %c0_i32_0 = arith.constant 0 : i32
    return %arg0, %c0_i32 : i32, i32
  }
  func.func @transform_1(%arg0: i32) -> (i32, i32) {
    %c0_i32 = arith.constant 0 : i32
    %c0_i32_0 = arith.constant 0 : i32
    %c0_i32_1 = arith.constant 0 : i32
    return %c0_i32, %c0_i32_0 : i32, i32
  }
  func.func @transform_2(%arg0: i32) -> (i32, i32) {
    %c0_i32 = arith.constant 0 : i32
    %c0_i32_0 = arith.constant 0 : i32
    return %c0_i32, %arg0 : i32, i32
  }
  func.func @transform_3(%arg0: i32) -> (i32, i32) {
    %c0_i32 = arith.constant 0 : i32
    %c0_i32_0 = arith.constant 0 : i32
    return %arg0, %c0_i32 : i32, i32
  }
  func.func @transform_4(%arg0: i32) -> (i32, i32) {
    %c0_i32 = arith.constant 0 : i32
    %c0_i32_0 = arith.constant 0 : i32
    return %arg0, %c0_i32 : i32, i32
  }
}

module attributes {stable_mosaic.version = 14 : i64} {
  func.func @_mid_body(%arg0: i32, %arg1: memref<2x1024x128xf32, #tpu.memory_space<vmem>>, %arg2: memref<1024x128xf32, #tpu.memory_space<vmem>>, %arg3: memref<1024x16xf32, #tpu.memory_space<vmem>>, %arg4: memref<1x128xf32, #tpu.memory_space<vmem>>, %arg5: memref<128x128xf32, #tpu.memory_space<vmem>>, %arg6: memref<1024x128xf32, #tpu.memory_space<vmem>>) attributes {dimension_semantics = [#tpu.dimension_semantics<arbitrary>], iteration_bounds = array<i64: 10>, scalar_prefetch = 0 : i64, scratch_operands = 0 : i64, tpu.core_type = #tpu.core_type<tc>, window_params = [{transform_indices = @transform_0, window_bounds = array<i64: 2, 1024, 128>}, {transform_indices = @transform_1, window_bounds = array<i64: 1024, 128>}, {transform_indices = @transform_2, window_bounds = array<i64: 1024, 16>}, {pipeline_mode = #tpu.pipeline_mode<synchronous>, transform_indices = @transform_3, window_bounds = array<i64: 1, 128>}, {pipeline_mode = #tpu.pipeline_mode<synchronous>, transform_indices = @transform_4, window_bounds = array<i64: 128, 128>}, {transform_indices = @transform_5, window_bounds = array<i64: 1024, 128>}]} {
    %get3A = arith.constant 0 : index
    %get3A_0 = arith.constant 0 : index
    %get3A_1 = vector.load %arg3[%get3A, %get3A_0] : memref<1024x16xf32, #tpu.memory_space<vmem>>, vector<1024x16xf32>
    %slice3A = vector.extract_strided_slice %get3A_1 {offsets = [0, 0], sizes = [1024, 1], strides = [1, 1]} : vector<1024x16xf32> to vector<1024x1xf32>
    %get3A_2 = arith.constant 0 : index
    %get3A_3 = arith.constant 0 : index
    %get3A_4 = arith.constant 0 : index
    %get3A_5 = vector.load %arg1[%get3A_2, %get3A_3, %get3A_4] : memref<2x1024x128xf32, #tpu.memory_space<vmem>>, vector<1x1024x128xf32>
    %get3A_6 = vector.shape_cast %get3A_5 : vector<1x1024x128xf32> to vector<1024x128xf32>
    %get3A_7 = arith.constant 1 : index
    %get3A_8 = arith.constant 0 : index
    %get3A_9 = arith.constant 0 : index
    %get3A_10 = vector.load %arg1[%get3A_7, %get3A_8, %get3A_9] : memref<2x1024x128xf32, #tpu.memory_space<vmem>>, vector<1x1024x128xf32>
    %get3A_11 = vector.shape_cast %get3A_10 : vector<1x1024x128xf32> to vector<1024x128xf32>
    %add3A = arith.addf %get3A_6, %get3A_11 : vector<1024x128xf32>
    %get3A_12 = arith.constant 0 : index
    %get3A_13 = arith.constant 0 : index
    %get3A_14 = vector.load %arg2[%get3A_12, %get3A_13] : memref<1024x128xf32, #tpu.memory_space<vmem>>, vector<1024x128xf32>
    %add3A_15 = arith.addf %add3A, %get3A_14 : vector<1024x128xf32>
    %mul3A = vector.broadcast %slice3A : vector<1024x1xf32> to vector<1024x128xf32>
    %mul3A_16 = arith.mulf %add3A_15, %mul3A : vector<1024x128xf32>
    %get3A_17 = arith.constant 0 : index
    %get3A_18 = arith.constant 0 : index
    %get3A_19 = vector.load %arg4[%get3A_17, %get3A_18] : memref<1x128xf32, #tpu.memory_space<vmem>>, vector<1x128xf32>
    %add3A_20 = vector.broadcast %get3A_19 : vector<1x128xf32> to vector<1024x128xf32>
    %add3A_21 = arith.addf %mul3A_16, %add3A_20 : vector<1024x128xf32>
    %max3A = arith.constant 0.000000e+00 : f32
    %max3A_22 = vector.broadcast %max3A : f32 to vector<1024x128xf32>
    %max3A_23 = arith.maximumf %add3A_21, %max3A_22 : vector<1024x128xf32>
    %get3A_24 = arith.constant 0 : index
    %get3A_25 = arith.constant 0 : index
    %get3A_26 = vector.load %arg5[%get3A_24, %get3A_25] : memref<128x128xf32, #tpu.memory_space<vmem>>, vector<128x128xf32>
    %dot_general3A = arith.constant dense<0.000000e+00> : vector<1024x128xf32>
    %dot_general3A_27 = tpu.matmul %max3A_23, %get3A_26, %dot_general3A {dimension_numbers = #tpu.dot_dimension_numbers<[1], [0], [0], [1], [0, 0, 1, 1], [], []>, transpose_lhs_hint = false} : vector<1024x128xf32>, vector<128x128xf32>, vector<1024x128xf32> -> vector<1024x128xf32>
    %mul3A_28 = vector.broadcast %slice3A : vector<1024x1xf32> to vector<1024x128xf32>
    %mul3A_29 = arith.mulf %dot_general3A_27, %mul3A_28 : vector<1024x128xf32>
    %swap3A = arith.constant 0 : index
    %swap3A_30 = arith.constant 0 : index
    %swap3A_31 = vector.load %arg6[%swap3A, %swap3A_30] : memref<1024x128xf32, #tpu.memory_space<vmem>>, vector<1024x128xf32>
    tpu.vector_store %arg6[%swap3A, %swap3A_30], %mul3A_29 {strides = array<i32>} : memref<1024x128xf32, #tpu.memory_space<vmem>>, vector<1024x128xf32>,
    return
  }
  func.func @transform_0(%arg0: i32) -> (i32, i32, i32) {
    %c0_i32 = arith.constant 0 : i32
    %c0_i32_0 = arith.constant 0 : i32
    %c0_i32_1 = arith.constant 0 : i32
    return %c0_i32, %arg0, %c0_i32_0 : i32, i32, i32
  }
  func.func @transform_1(%arg0: i32) -> (i32, i32) {
    %c0_i32 = arith.constant 0 : i32
    %c0_i32_0 = arith.constant 0 : i32
    return %arg0, %c0_i32 : i32, i32
  }
  func.func @transform_2(%arg0: i32) -> (i32, i32) {
    %c0_i32 = arith.constant 0 : i32
    %c0_i32_0 = arith.constant 0 : i32
    return %arg0, %c0_i32 : i32, i32
  }
  func.func @transform_3(%arg0: i32) -> (i32, i32) {
    %c0_i32 = arith.constant 0 : i32
    %c0_i32_0 = arith.constant 0 : i32
    %c0_i32_1 = arith.constant 0 : i32
    return %c0_i32, %c0_i32_0 : i32, i32
  }
  func.func @transform_4(%arg0: i32) -> (i32, i32) {
    %c0_i32 = arith.constant 0 : i32
    %c0_i32_0 = arith.constant 0 : i32
    %c0_i32_1 = arith.constant 0 : i32
    return %c0_i32, %c0_i32_0 : i32, i32
  }
  func.func @transform_5(%arg0: i32) -> (i32, i32) {
    %c0_i32 = arith.constant 0 : i32
    %c0_i32_0 = arith.constant 0 : i32
    return %arg0, %c0_i32 : i32, i32
  }
}

module attributes {stable_mosaic.version = 14 : i64} {
  func.func @_last_body(%arg0: i32, %arg1: memref<2x1000x128xf32, #tpu.memory_space<vmem>>, %arg2: memref<1000x128xf32, #tpu.memory_space<vmem>>, %arg3: memref<1000x16xf32, #tpu.memory_space<vmem>>, %arg4: memref<1x128xf32, #tpu.memory_space<vmem>>, %arg5: memref<1000x128xf32, #tpu.memory_space<vmem>>) attributes {dimension_semantics = [#tpu.dimension_semantics<arbitrary>], iteration_bounds = array<i64: 10>, scalar_prefetch = 0 : i64, scratch_operands = 0 : i64, tpu.core_type = #tpu.core_type<tc>, window_params = [{transform_indices = @transform_0, window_bounds = array<i64: 2, 1000, 128>}, {transform_indices = @transform_1, window_bounds = array<i64: 1000, 128>}, {transform_indices = @transform_2, window_bounds = array<i64: 1000, 16>}, {pipeline_mode = #tpu.pipeline_mode<synchronous>, transform_indices = @transform_3, window_bounds = array<i64: 1, 128>}, {transform_indices = @transform_4, window_bounds = array<i64: 1000, 128>}]} {
    %get3A = arith.constant 0 : index
    %get3A_0 = arith.constant 0 : index
    %get3A_1 = vector.load %arg3[%get3A, %get3A_0] : memref<1000x16xf32, #tpu.memory_space<vmem>>, vector<1000x16xf32>
    %slice3A = vector.extract_strided_slice %get3A_1 {offsets = [0, 0], sizes = [1000, 1], strides = [1, 1]} : vector<1000x16xf32> to vector<1000x1xf32>
    %get3A_2 = arith.constant 0 : index
    %get3A_3 = arith.constant 0 : index
    %get3A_4 = arith.constant 0 : index
    %get3A_5 = vector.load %arg1[%get3A_2, %get3A_3, %get3A_4] : memref<2x1000x128xf32, #tpu.memory_space<vmem>>, vector<1x1000x128xf32>
    %get3A_6 = vector.shape_cast %get3A_5 : vector<1x1000x128xf32> to vector<1000x128xf32>
    %get3A_7 = arith.constant 1 : index
    %get3A_8 = arith.constant 0 : index
    %get3A_9 = arith.constant 0 : index
    %get3A_10 = vector.load %arg1[%get3A_7, %get3A_8, %get3A_9] : memref<2x1000x128xf32, #tpu.memory_space<vmem>>, vector<1x1000x128xf32>
    %get3A_11 = vector.shape_cast %get3A_10 : vector<1x1000x128xf32> to vector<1000x128xf32>
    %add3A = arith.addf %get3A_6, %get3A_11 : vector<1000x128xf32>
    %get3A_12 = arith.constant 0 : index
    %get3A_13 = arith.constant 0 : index
    %get3A_14 = vector.load %arg2[%get3A_12, %get3A_13] : memref<1000x128xf32, #tpu.memory_space<vmem>>, vector<1000x128xf32>
    %add3A_15 = arith.addf %add3A, %get3A_14 : vector<1000x128xf32>
    %mul3A = vector.broadcast %slice3A : vector<1000x1xf32> to vector<1000x128xf32>
    %mul3A_16 = arith.mulf %add3A_15, %mul3A : vector<1000x128xf32>
    %get3A_17 = arith.constant 0 : index
    %get3A_18 = arith.constant 0 : index
    %get3A_19 = vector.load %arg4[%get3A_17, %get3A_18] : memref<1x128xf32, #tpu.memory_space<vmem>>, vector<1x128xf32>
    %add3A_20 = vector.broadcast %get3A_19 : vector<1x128xf32> to vector<1000x128xf32>
    %add3A_21 = arith.addf %mul3A_16, %add3A_20 : vector<1000x128xf32>
    %swap3A = arith.constant 0 : index
    %swap3A_22 = arith.constant 0 : index
    %swap3A_23 = vector.load %arg5[%swap3A, %swap3A_22] : memref<1000x128xf32, #tpu.memory_space<vmem>>, vector<1000x128xf32>
    tpu.vector_store %arg5[%swap3A, %swap3A_22], %add3A_21 {strides = array<i32>} : memref<1000x128xf32, #tpu.memory_space<vmem>>, vector<1000x128xf32>,
    return
  }
  func.func @transform_0(%arg0: i32) -> (i32, i32, i32) {
    %c0_i32 = arith.constant 0 : i32
    %c0_i32_0 = arith.constant 0 : i32
    %c0_i32_1 = arith.constant 0 : i32
    return %c0_i32, %arg0, %c0_i32_0 : i32, i32, i32
  }
  func.func @transform_1(%arg0: i32) -> (i32, i32) {
    %c0_i32 = arith.constant 0 : i32
    %c0_i32_0 = arith.constant 0 : i32
    return %arg0, %c0_i32 : i32, i32
  }
  func.func @transform_2(%arg0: i32) -> (i32, i32) {
    %c0_i32 = arith.constant 0 : i32
    %c0_i32_0 = arith.constant 0 : i32
    return %arg0, %c0_i32 : i32, i32
  }
  func.func @transform_3(%arg0: i32) -> (i32, i32) {
    %c0_i32 = arith.constant 0 : i32
    %c0_i32_0 = arith.constant 0 : i32
    %c0_i32_1 = arith.constant 0 : i32
    return %c0_i32, %c0_i32_0 : i32, i32
  }
  func.func @transform_4(%arg0: i32) -> (i32, i32) {
    %c0_i32 = arith.constant 0 : i32
    %c0_i32_0 = arith.constant 0 : i32
    return %arg0, %c0_i32 : i32, i32
  }
}

</mosaic_0001>

<sc_bundles>
// kernel: kernel.10.cloned.1.call-start
scs
__scs_entry_jumppad:
0x0: {  	(pc) =	sbr.rel $0x88, $3  }
0x1: {  	(tag) =	ssettag $0x0;
	lr =	simm.s32 $0x1  }
0x2: {  	[smem:$0x3F99] =	sst lr;
	_ =	strace $0xD0000000  }
0x3: {  	_ = 	snop  }
0x4: {  	_ = 	snop  }
0x5: {  	_ = 	snop  }
0x6: {  	_ = 	snop  }
0x7: {  	_ = 	snop  }
__scs_overlays_trampoline_lowered:
0x8: {  	[smem:$0x3FA8] =	sst s0  }
0x9: {  	[smem:$0x3FA9] =	sst s1  }
0xa: {  	[smem:$0x3FAA] =	sst s2  }
0xb: {  	[smem:$0x3FAB] =	sst s3  }
0xc: {  	[smem:$0x3FAC] =	sst s4  }
0xd: {  	[smem:$0x3FAD] =	sst s5  }
0xe: {  	[smem:$0x3FAE] =	sst s6  }
0xf: {  	[smem:$0x3FAF] =	sst s7  }
0x10: {  	[smem:$0x3FB0] =	sst s8  }
0x11: {  	[smem:$0x3FB1] =	sst s9;
	s0 =	simm.s32 @!p0 $0x0  }
0x12: {  	s1 =	sld [smem:$0x3F97];
	s0 =	simm.s32 @p0 $0x1  }
0x13: {  	[smem:$0x3FB2] =	sst s0;
	s0 =	simm.s32 @!p1 $0x0  }
0x14: {  	s2 =	sld [smem:$0x3F96];
	s0 =	simm.s32 @p1 $0x1  }
0x15: {  	[smem:$0x3FB3] =	sst s0;
	s0 =	simm.s32 @!p2 $0x0  }
0x16: {  	s3 =	sld [smem:$0x3FDB];
	s0 =	simm.s32 @p2 $0x1  }
0x17: {  	s4 =	simm.s32 $0x1BF5;
	[smem:$0x3FB5] =	sst s0  }
0x18: {  	s0 =	sld [smem:$0x3F98];
	_ =	swait.ge [sflag:s4], $0x0  }
0x19: {  	s7 =	sld [smem:$0x3F99]  }
0x1a: {  	s8 =	sadd.s32 $0xFFFFE003, lr  }
0x1b: {  	s9 =	sadd.s32 $0xFFFFFEF7, lr;
	s5 =	simm.s32 $0xFFFFFFFF;
	p2 =	slt.u32 s8, $0xFFFFF086  }
0x1c: {  	p1 =	slt.u32 s9, $0xF7A;
	s5 =	simm.s32 @!p2 $0x0  }
0x1d: {  	s5 =	simm.s32 @p1 $0x1;
	p0 =	seq.s32 s7, s2  }
0x1e: {  	s7 =	smul.u32 @!p0 $0xF7A, s2;
	p2 =	seq.s32 @!p0 s5, $0x0  }
0x1f: {  	s9 =	smul.u32 $0xF7A, s1;
	s8 =	simm.s32 @!p0 $0x1BF5;
	p2 =	por !p2, p0  }
0x20: {  	[sflag:s8] =	ssyncset.s32 @!p0 $0xFFFFF086;
	s6 =	sadd.s32 @!p0 s3, s7;
	s7 =	simm.s32 @!p0 $0x108  }
0x21: {  	s3 =	sadd.s32 s3, s9;
	s6 =	sadd.s32 @!p0 $0x88, s6;
	s7 =	simm.s32 @p2 $0x1082  }
0x22: {  	[simem:s7], [sflag:s8] =	dma.local @!p0 [hbm:s6], $0xF7A  }
0x23: {  	s9 =	sor.u32 $0xD0000000, s2;
	s6 =	simm.s32 $0x108;
	_ =	swait.ge @!p0 [sflag:s8], $0x0  }
0x24: {  	s3 =	sadd.s32 $0x88, s3;
	s6 =	simm.s32 @!p1 $0x1082;
	[sflag:s4] =	ssyncset.s32 $0xFFFFF086  }
0x25: {  	[simem:s6], [sflag:s4] =	dma.local [hbm:s3], $0xF7A  }
0x26: {  	[smem:$0x3F99] =	sst s1;
	(tag) =	ssettag s2;
	_ =	strace s9  }
0x27: {  	s1 =	sld [smem:$0x3FA9]  }
0x28: {  	s2 =	sld [smem:$0x3FAA]  }
0x29: {  	s4 =	sld [smem:$0x3FAC]  }
0x2a: {  	p0 =	seq.s32 s5, $0x0;
	s5 =	sld [smem:$0x3FAD]  }
0x2b: {  	s6 =	sld [smem:$0x3FAE]  }
0x2c: {  	s7 =	sld [smem:$0x3FAF]  }
0x2d: {  	s3 =	simm.s32 $0x108;
	s8 =	sld [smem:$0x3FB0]  }
0x2e: {  	s3 =	simm.s32 @!p0 $0x1082;
	s9 =	sld [smem:$0x3FB1]  }
0x2f: {  	lr =	sadd.s32 s0, s3;
	s0 =	sld [smem:$0x3FA8]  }
0x30: {  	s3 =	sld [smem:$0x3FAB]  }
0x31: {  	[smem:$0x3FB4] =	sst s10  }
0x32: {  	s10 =	sld [smem:$0x3FB2];
	_ =	sdelay $0x3  }
0x33: {  	p0 =	seq.s32 s10, $0x1;
	s10 =	sld [smem:$0x3FB4];
	_ =	sdelay $0x3  }
0x34: {  	[smem:$0x3FB4] =	sst s10  }
0x35: {  	s10 =	sld [smem:$0x3FB3];
	_ =	sdelay $0x3  }
0x36: {  	p1 =	seq.s32 s10, $0x1;
	s10 =	sld [smem:$0x3FB4];
	_ =	sdelay $0x3  }
0x37: {  	[smem:$0x3FB4] =	sst s10  }
0x38: {  	s10 =	sld [smem:$0x3FB5]  }
0x39: {  	_ = 	snop;
	(pc) =	sbr.ind lr, $3  }
0x3a: {  	_ = 	snop  }
0x3b: {  	_ = 	snop  }
0x3c: {  	p2 =	seq.s32 s10, $0x1;
	s10 =	sld [smem:$0x3FB4]  }
0x3d: {  	_ =	shalt  }
0x3e: {  	_ =	shalt  }
0x3f: {  	_ =	shalt  }
0x40: {  	_ =	shalt  }
0x41: {  	_ =	shalt  }
0x42: {  	_ =	shalt  }
0x43: {  	_ =	shalt  }
0x44: {  	_ =	shalt  }
0x45: {  	_ =	shalt  }
0x46: {  	_ =	shalt  }
0x47: {  	_ =	shalt  }
0x48: {  	_ =	shalt  }
0x49: {  	_ =	shalt  }
0x4a: {  	_ =	shalt  }
0x4b: {  	_ =	shalt  }
0x4c: {  	_ =	shalt  }
0x4d: {  	_ =	shalt  }
0x4e: {  	_ =	shalt  }
0x4f: {  	_ =	shalt  }
0x50: {  	_ =	shalt  }
0x51: {  	_ =	shalt  }
0x52: {  	_ =	shalt  }
0x53: {  	_ =	shalt  }
0x54: {  	_ =	shalt  }
0x55: {  	_ =	shalt  }
0x56: {  	_ =	shalt  }
0x57: {  	_ =	shalt  }
0x58: {  	_ =	shalt  }
0x59: {  	_ =	shalt  }
0x5a: {  	_ =	shalt  }
0x5b: {  	_ =	shalt  }
0x5c: {  	_ =	shalt  }
0x5d: {  	_ =	shalt  }
0x5e: {  	_ =	shalt  }
0x5f: {  	_ =	shalt  }
0x60: {  	_ =	shalt  }
0x61: {  	_ =	shalt  }
0x62: {  	_ =	shalt  }
0x63: {  	_ =	shalt  }
0x64: {  	_ =	shalt  }
0x65: {  	_ =	shalt  }
0x66: {  	_ =	shalt  }
0x67: {  	_ =	shalt  }
0x68: {  	_ =	shalt  }
0x69: {  	_ =	shalt  }
0x6a: {  	_ =	shalt  }
0x6b: {  	_ =	shalt  }
0x6c: {  	_ =	shalt  }
0x6d: {  	_ =	shalt  }
0x6e: {  	_ =	shalt  }
0x6f: {  	_ =	shalt  }
0x70: {  	_ =	shalt  }
0x71: {  	_ =	shalt  }
0x72: {  	_ =	shalt  }
0x73: {  	_ =	shalt  }
0x74: {  	_ =	shalt  }
0x75: {  	_ =	shalt  }
0x76: {  	_ =	shalt  }
0x77: {  	_ =	shalt  }
0x78: {  	_ =	shalt  }
0x79: {  	_ =	shalt  }
0x7a: {  	_ =	shalt  }
0x7b: {  	_ =	shalt  }
0x7c: {  	_ =	shalt  }
0x7d: {  	_ =	shalt  }
0x7e: {  	_ =	shalt  }
0x7f: {  	_ =	shalt  }
0x80: {  	_ =	shalt  }
0x81: {  	_ =	shalt  }
0x82: {  	_ =	shalt  }
0x83: {  	_ =	shalt  }
0x84: {  	_ =	shalt  }
0x85: {  	_ =	shalt  }
0x86: {  	_ =	shalt  }
0x87: {  	_ =	shalt  }
.Lfunc_end0:
.L_simem_size_0:
called_computation_lowered:
.L_overlay_start_0:
0x88: {  	s2 =	sld [smem:$0x3FD9]  }
0x89: {  	s3 =	sld [smem:$0x3FFE];
	_ =	sdelay $0x1  }
0x8a: {  	s1 =	srdreg.scid  }
0x8b: {  	s0 =	sand.u32 $0x1, s1  }
0x8c: {  	s16 =	sshll.u32 s0, $0xA;
	s2 =	sadd.s32 s3, s2  }
0x8d: {  	s2 =	sadd.s32 s2, s16  }
0x8e: {  	[smem:$0x3FC0] =	sst s2  }
0x8f: {  	_ = 	snop  }
0x90: {  	(tm) =	ssettm $0x1  }
0x91: {  	s17 =	sld [smem:$0x3FFB];
	_ =	sdelay $0x3  }
0x92: {  	_ =	strace s17  }
0x93: {  	s2 =	sld [smem:$0x3FFC];
	_ =	sdelay $0x3  }
0x94: {  	_ =	strace s2  }
0x95: {  	s2 =	sld [smem:$0x3FFD];
	_ =	sdelay $0x3  }
0x96: {  	_ =	strace s2  }
0x97: {  	_ =	strace $0x8FFFFFFF  }
0x98: {  	s18 =	sld [smem:$0x3FDB];
	_ =	sdelay $0x1  }
0x99: {  	s19 =	simm.s32 $_scs_section_size  }
0x9a: {  	s4 =	simm.s32 $_size__tile_overlayer_lowered;
	s5 =	simm.s32 $_tile_overlayer_lowered  }
0x9b: {  	s22 =	simm.s32 $0x1BFF;
	s21 =	sshll.u32 s5, $0x1;
	s2 =	sadd.s32 s19, s18  }
0x9c: {  	s6 =	simm.s32 $0x0;
	s20 =	sshll.u32 s4, $0x1;
	s4 =	sadd.s32 s21, s2  }
0x9d: {  	[timem:s6], [sflag:s22] =	dma.local [hbm:s4], s20  }
0x9e: {  	_ =	swait.ge [sflag:s22], s20  }
0x9f: {  	s3 =	ssub.s32 $0x0, s20;
	[sflag:s22] =	ssyncset.done $0x0  }
0xa0: {  	[sflag:s22] =	ssyncadd.s32 s3;
	_ =	sdelay $0x1  }
0xa1: {  	s23 =	simm.s32 $0x1B8B  }
0xa2: {  	_ =	swait.ge [sflag:s23], $0x1  }
0xa3: {  	[sflag:s23] =	ssyncset.done $0x0  }
0xa4: {  	s25 =	simm.s32 $0x1B8E;
	s24 =	sld [smem:$0x3FFE];
	[sflag:s23] =	ssyncadd.s32 $0xFFFFFFFF  }
0xa5: {  	s26 =	simm.s32 $execute0_lowered;
	[smem:$0x3FD2] =	sst s25  }
0xa6: {  	s4 =	sshll.u32 s26, $0x1;
	_ =	strace $0x80000046;
	[dreg:$0x1] =	wrdreg $0xFFFFFFFF  }
0xa7: {  	s28 =	simm.s32 $_size_execute0_lowered;
	s2 =	sadd.s32 s2, s4;
	[dreg:$0x0] =	wrdreg $0x0  }
0xa8: {  	s4 =	sshll.u32 s28, $0x1;
	[dreg:$0x2] =	wrdreg s2  }
0xa9: {  	[dreg:$0x3] =	wrdreg s4  }
0xaa: {  	[dreg:$0x4] =	wrdreg $0xC0  }
0xab: {  	_ =	task [dreg:s6], $0x5FFFF  }
0xac: {  	[dreg:$0x1] =	wrdreg $0xFFFFFFFF  }
0xad: {  	[dreg:$0x0] =	wrdreg $0x60  }
0xae: {  	[dreg:$0x2] =	wrdreg s24  }
0xaf: {  	[dreg:$0x3] =	wrdreg $0x9  }
0xb0: {  	_ =	task.clear_ibuf [dreg:s6], $0x4FFFF;
	_ =	strace $0x90000046  }
0xb1: {  	s29 =	simm.s32 $0x9;
	_ =	strace $0x80000048  }
0xb2: {  	_ =	swait.ge [sflag:s29], $0x1  }
0xb3: {  	[sflag:s29] =	ssyncadd.s32 $0xFFFFFFFF  }
0xb4: {  	_ =	strace $0x90000048  }
0xb5: {  	_ =	sfence  }
0xb6: {  	s30 =	sld [smem:$0x0];
	_ =	sdelay $0x2  }
0xb7: {  	s31 =	sshll.u32 s1, $0xD;
	s1 =	sshrl.u32 s1, $0x2  }
0xb8: {  	s3 =	sand.u32 $0x4000, s31;
	s1 =	sadd.s32 s1, s30  }
0xb9: {  	s0 =	sor.u32 s3, s0;
	s1 =	sshll.u32 s1, $0x11  }
0xba: {  	s0 =	sor.u32 s1, s0  }
0xbb: {  	s0 =	sadd.s32 $0x8F2B, s0  }
0xbc: {  	[sflag:s0] =	ssyncadd.remote.s32 $0x1  }
0xbd: {  	_ =	sfence.sel $0xFFFF  }
0xbe: {  	[dreg:$0x0] =	wrdreg $0xFFFFFFFF;
	(pc) =	sbr.abs _section_cstart, $3  }
0xbf: {  	[dreg:$0x1] =	wrdreg $0xFFFFFFFF  }
0xc0: {  	_ =	task.clear_ibuf [dreg:s6], $0x2FFFF;
	_ =	strace $0x9FFFFFFF  }
0xc1: {  	(tm) =	ssettm $0x7FFFFFFF  }
tec
execute0_lowered:
.L_overlay_start_1:
0x0: {  	(tag) =	ssettag $0x1  }
0x1: {  	s1 =	srdreg.scid;
	s0 =	stileid.u32  }
0x2: {  	s3 =	rddreg [dreg:$0x0];
	s8 =	simm.s32 $0x80;
	s9 =	simm.s32 $0x400  }
0x3: {  	s4 =	sand.u32 $0x1, s1;
	s2 =	sshll.u32 s0, $0x1;
	s1 =	rddreg [dreg:$0x1]  }
0x4: {  	s6 =	sshrl.u32 s0, $0x2;
	s5 =	sor.u32 s4, s2;
	s2 =	simm.s32 $0x0  }
0x5: {  	s6 =	smul.u32 $0x14000, s6;
	s4 =	ssub.s32 $0x2, s4;
	s7 =	sshll.u32 s5, $0x7  }
0x6: {  	[smem:$0x7FF] =	sst s2;
	s5 =	smul.u32 $0x500, s5;
	s7 =	sand.u32 $0x380, s7  }
0x7: {  	s31 =	sshrl.u32 s4, $0x1;
	_ =	strace $0x80000047;
	s6 =	sor.u32 s6, s7  }
0x8: {  	s5 =	sadd.s32 s5, s3;
	s7 =	ssub.s32 s4, s31;
	s6 =	sshrl.u32 s6, $0x3  }
0x9: {  	s6 =	sadd.s32 s6, s3;
	s3 =	sadd.s32 $0x3600, s5;
	s5 =	smax.u32 s7, $0x1  }
0xa: {  	v0 =	vimm.f32 $0.0e+00;
	v1 =	vimm.f32 $1.000000000e+00;
	s7 =	simm.s32 $0x2800;
	s4 =	sadd.s32 $0xD600, s6;
	s6 =	simm.s32 $0x1  }
.LBB2_1:
0xb: {  	s10 =	simm.s32 $0x40;
	s11 =	simm.s32 $0x0  }
.LBB2_2:
0xc: {  	p0 =	sne.s32 s10, $0x9FC0;
	[tilespmem:s11+$0x2800] =	vst v0;
	s11 =	smov.u32 s10;
	s10 =	sadd.s32 $0x40, s10  }
.Ltmp0:
0xd: {  	(pc) =	sbr.rel @p0 .LBB2_2-.Ltmp0, $2  }
0xe: {  	_ =	sdelay $0x2  }
0xf: {  	s11 =	sshra.s32 s11, $0x2  }
0x10: {  	[tilespmem:s11+$0x2800] =	vst v0;
	s10 =	simm.s32 $0x0  }
0x11: {  	[tilespmem:s10], [sflag:$0x1] =	stream.linear.gather [hbm4b:s3+s10], $0x2800, $0x38;
	[tilespmem:$0x5000] =	vst v63  }
0x12: {  	_ =	swait.ge [sflag:s6], $0x2800  }
0x13: {  	[sflag:s6] =	ssyncset.done $0x0  }
0x14: {  	s11 =	simm.s32 $0x0;
	s10 =	simm.s32 $0x40;
	[sflag:s6] =	ssyncadd.s32 $0xFFFFD800  }
.LBB2_4:
0x15: {  	p0 =	sne.s32 s10, $0x9FC0;
	v2 =	vld [tilespmem:s11+$0x0];
	_ =	sdelay $0x3  }
.Ltmp1:
0x16: {  	(pc) =	sbr.rel @p0 .LBB2_4-.Ltmp1, $2  }
0x17: {  	_ =	sdelay $0x2  }
0x18: {  	s11 =	sshra.s32 s10, $0x2;
	s10 =	sadd.s32 $0x40, s10;
	[tilespmem:v2+s7+$0x0] =	vst.idx.add.f32.msk $0xffff, v1  }
0x19: {  	v2 =	vld [tilespmem:s11+$0x0];
	_ =	sdelay $0x5  }
0x1a: {  	s2 =	sadd.s32 $0x1, s2  }
0x1b: {  	p0 =	sne.s32 s2, s5  }
.Ltmp2:
0x1c: {  	[tilespmem:v2+s7+$0x0] =	vst.idx.add.f32.msk $0xffff, v1;
	(pc) =	sbr.rel @p0 .LBB2_1-.Ltmp2, $4  }
0x1d: {  	[hbm4b:s4+s8] =	stream.strided.scatter [tilespmem:s7], [sflag:$0x1], $0x2800, s9, s8, $0x38;
	[tilespmem:$0x5000] =	vst v63  }
0x1e: {  	_ =	swait.ge [sflag:s6], $0x2800  }
0x1f: {  	[sflag:s6] =	ssyncset.done $0x0  }
0x20: {  	[sflag:s6] =	ssyncadd.s32 $0xFFFFD800  }
0x21: {  	_ =	sfence.sel $0x180000  }
0x22: {  	[bflag:$0x0] =	sbarrier.arrive $0xFFFF  }
0x23: {  	p0 =	sne.s32 s0, $0x0;
	_ =	strace $0x90000047  }
0x24: {  	s0 =	sadd.s32 @!p0 $0x100000, s1;
	[bflag:$0x2] =	sbarrier.arrive $0xFFFF  }
0x25: {  	[sflag:s0] =	ssyncadd.tile.s32 @!p0 $0x1;
	_ =	shalt  }
.Lfunc_end2:
_tile_overlayer_lowered:
.L_overlay_start_2:
0x26: {  	(tag) =	ssettag $0x2  }
0x27: {  	s0 =	rddreg [dreg:$0x0];
	s2 =	stileid.u32  }
0x28: {  	s1 =	rddreg [dreg:$0x1];
	p0 =	sne.s32 s2, $0x0  }
0x29: {  	s3 =	rddreg [dreg:$0x2];
	[bflag:$0x3] =	sbarrier.arrive $0xFFFF;
	s2 =	simm.s32 @!p0 $0x1C01  }
0x2a: {  	[timem:s3], [sflag:s2] =	dma.local @!p0 [hbm:s0], s1  }
0x2b: {  	s0 =	simm.s32 @!p0 $0x1  }
0x2c: {  	_ =	swait.ge @!p0 [sflag:s0], s1  }
0x2d: {  	s1 =	ssub.s32 @!p0 $0x0, s1;
	[sflag:s0] =	ssyncset.done @!p0 $0x0  }
0x2e: {  	[sflag:s0] =	ssyncadd.s32 @!p0 s1  }
0x2f: {  	[bflag:$0x3] =	sbarrier.arrive $0xFFFF  }
0x30: {  	_ =	shalt  }

// kernel: kernel.13.cloned.1.call-start
scs
__scs_entry_jumppad:
0x0: {  	(pc) =	sbr.rel $0x88, $3  }
0x1: {  	(tag) =	ssettag $0x0;
	lr =	simm.s32 $0x1  }
0x2: {  	[smem:$0x3F99] =	sst lr;
	_ =	strace $0xD0000000  }
0x3: {  	_ = 	snop  }
0x4: {  	_ = 	snop  }
0x5: {  	_ = 	snop  }
0x6: {  	_ = 	snop  }
0x7: {  	_ = 	snop  }
__scs_overlays_trampoline_lowered:
0x8: {  	[smem:$0x3FA8] =	sst s0  }
0x9: {  	[smem:$0x3FA9] =	sst s1  }
0xa: {  	[smem:$0x3FAA] =	sst s2  }
0xb: {  	[smem:$0x3FAB] =	sst s3  }
0xc: {  	[smem:$0x3FAC] =	sst s4  }
0xd: {  	[smem:$0x3FAD] =	sst s5  }
0xe: {  	[smem:$0x3FAE] =	sst s6  }
0xf: {  	[smem:$0x3FAF] =	sst s7  }
0x10: {  	[smem:$0x3FB0] =	sst s8  }
0x11: {  	[smem:$0x3FB1] =	sst s9;
	s0 =	simm.s32 @!p0 $0x0  }
0x12: {  	s1 =	sld [smem:$0x3F97];
	s0 =	simm.s32 @p0 $0x1  }
0x13: {  	[smem:$0x3FB2] =	sst s0;
	s0 =	simm.s32 @!p1 $0x0  }
0x14: {  	s2 =	sld [smem:$0x3F96];
	s0 =	simm.s32 @p1 $0x1  }
0x15: {  	[smem:$0x3FB3] =	sst s0;
	s0 =	simm.s32 @!p2 $0x0  }
0x16: {  	s3 =	sld [smem:$0x3FDB];
	s0 =	simm.s32 @p2 $0x1  }
0x17: {  	s4 =	simm.s32 $0x1BF5;
	[smem:$0x3FB5] =	sst s0  }
0x18: {  	s0 =	sld [smem:$0x3F98];
	_ =	swait.ge [sflag:s4], $0x0  }
0x19: {  	s7 =	sld [smem:$0x3F99]  }
0x1a: {  	s8 =	sadd.s32 $0xFFFFE003, lr  }
0x1b: {  	s9 =	sadd.s32 $0xFFFFFEF7, lr;
	s5 =	simm.s32 $0xFFFFFFFF;
	p2 =	slt.u32 s8, $0xFFFFF086  }
0x1c: {  	p1 =	slt.u32 s9, $0xF7A;
	s5 =	simm.s32 @!p2 $0x0  }
0x1d: {  	s5 =	simm.s32 @p1 $0x1;
	p0 =	seq.s32 s7, s2  }
0x1e: {  	s7 =	smul.u32 @!p0 $0xF7A, s2;
	p2 =	seq.s32 @!p0 s5, $0x0  }
0x1f: {  	s9 =	smul.u32 $0xF7A, s1;
	s8 =	simm.s32 @!p0 $0x1BF5;
	p2 =	por !p2, p0  }
0x20: {  	[sflag:s8] =	ssyncset.s32 @!p0 $0xFFFFF086;
	s6 =	sadd.s32 @!p0 s3, s7;
	s7 =	simm.s32 @!p0 $0x108  }
0x21: {  	s3 =	sadd.s32 s3, s9;
	s6 =	sadd.s32 @!p0 $0x88, s6;
	s7 =	simm.s32 @p2 $0x1082  }
0x22: {  	[simem:s7], [sflag:s8] =	dma.local @!p0 [hbm:s6], $0xF7A  }
0x23: {  	s9 =	sor.u32 $0xD0000000, s2;
	s6 =	simm.s32 $0x108;
	_ =	swait.ge @!p0 [sflag:s8], $0x0  }
0x24: {  	s3 =	sadd.s32 $0x88, s3;
	s6 =	simm.s32 @!p1 $0x1082;
	[sflag:s4] =	ssyncset.s32 $0xFFFFF086  }
0x25: {  	[simem:s6], [sflag:s4] =	dma.local [hbm:s3], $0xF7A  }
0x26: {  	[smem:$0x3F99] =	sst s1;
	(tag) =	ssettag s2;
	_ =	strace s9  }
0x27: {  	s1 =	sld [smem:$0x3FA9]  }
0x28: {  	s2 =	sld [smem:$0x3FAA]  }
0x29: {  	s4 =	sld [smem:$0x3FAC]  }
0x2a: {  	p0 =	seq.s32 s5, $0x0;
	s5 =	sld [smem:$0x3FAD]  }
0x2b: {  	s6 =	sld [smem:$0x3FAE]  }
0x2c: {  	s7 =	sld [smem:$0x3FAF]  }
0x2d: {  	s3 =	simm.s32 $0x108;
	s8 =	sld [smem:$0x3FB0]  }
0x2e: {  	s3 =	simm.s32 @!p0 $0x1082;
	s9 =	sld [smem:$0x3FB1]  }
0x2f: {  	lr =	sadd.s32 s0, s3;
	s0 =	sld [smem:$0x3FA8]  }
0x30: {  	s3 =	sld [smem:$0x3FAB]  }
0x31: {  	[smem:$0x3FB4] =	sst s10  }
0x32: {  	s10 =	sld [smem:$0x3FB2];
	_ =	sdelay $0x3  }
0x33: {  	p0 =	seq.s32 s10, $0x1;
	s10 =	sld [smem:$0x3FB4];
	_ =	sdelay $0x3  }
0x34: {  	[smem:$0x3FB4] =	sst s10  }
0x35: {  	s10 =	sld [smem:$0x3FB3];
	_ =	sdelay $0x3  }
0x36: {  	p1 =	seq.s32 s10, $0x1;
	s10 =	sld [smem:$0x3FB4];
	_ =	sdelay $0x3  }
0x37: {  	[smem:$0x3FB4] =	sst s10  }
0x38: {  	s10 =	sld [smem:$0x3FB5]  }
0x39: {  	_ = 	snop;
	(pc) =	sbr.ind lr, $3  }
0x3a: {  	_ = 	snop  }
0x3b: {  	_ = 	snop  }
0x3c: {  	p2 =	seq.s32 s10, $0x1;
	s10 =	sld [smem:$0x3FB4]  }
0x3d: {  	_ =	shalt  }
0x3e: {  	_ =	shalt  }
0x3f: {  	_ =	shalt  }
0x40: {  	_ =	shalt  }
0x41: {  	_ =	shalt  }
0x42: {  	_ =	shalt  }
0x43: {  	_ =	shalt  }
0x44: {  	_ =	shalt  }
0x45: {  	_ =	shalt  }
0x46: {  	_ =	shalt  }
0x47: {  	_ =	shalt  }
0x48: {  	_ =	shalt  }
0x49: {  	_ =	shalt  }
0x4a: {  	_ =	shalt  }
0x4b: {  	_ =	shalt  }
0x4c: {  	_ =	shalt  }
0x4d: {  	_ =	shalt  }
0x4e: {  	_ =	shalt  }
0x4f: {  	_ =	shalt  }
0x50: {  	_ =	shalt  }
0x51: {  	_ =	shalt  }
0x52: {  	_ =	shalt  }
0x53: {  	_ =	shalt  }
0x54: {  	_ =	shalt  }
0x55: {  	_ =	shalt  }
0x56: {  	_ =	shalt  }
0x57: {  	_ =	shalt  }
0x58: {  	_ =	shalt  }
0x59: {  	_ =	shalt  }
0x5a: {  	_ =	shalt  }
0x5b: {  	_ =	shalt  }
0x5c: {  	_ =	shalt  }
0x5d: {  	_ =	shalt  }
0x5e: {  	_ =	shalt  }
0x5f: {  	_ =	shalt  }
0x60: {  	_ =	shalt  }
0x61: {  	_ =	shalt  }
0x62: {  	_ =	shalt  }
0x63: {  	_ =	shalt  }
0x64: {  	_ =	shalt  }
0x65: {  	_ =	shalt  }
0x66: {  	_ =	shalt  }
0x67: {  	_ =	shalt  }
0x68: {  	_ =	shalt  }
0x69: {  	_ =	shalt  }
0x6a: {  	_ =	shalt  }
0x6b: {  	_ =	shalt  }
0x6c: {  	_ =	shalt  }
0x6d: {  	_ =	shalt  }
0x6e: {  	_ =	shalt  }
0x6f: {  	_ =	shalt  }
0x70: {  	_ =	shalt  }
0x71: {  	_ =	shalt  }
0x72: {  	_ =	shalt  }
0x73: {  	_ =	shalt  }
0x74: {  	_ =	shalt  }
0x75: {  	_ =	shalt  }
0x76: {  	_ =	shalt  }
0x77: {  	_ =	shalt  }
0x78: {  	_ =	shalt  }
0x79: {  	_ =	shalt  }
0x7a: {  	_ =	shalt  }
0x7b: {  	_ =	shalt  }
0x7c: {  	_ =	shalt  }
0x7d: {  	_ =	shalt  }
0x7e: {  	_ =	shalt  }
0x7f: {  	_ =	shalt  }
0x80: {  	_ =	shalt  }
0x81: {  	_ =	shalt  }
0x82: {  	_ =	shalt  }
0x83: {  	_ =	shalt  }
0x84: {  	_ =	shalt  }
0x85: {  	_ =	shalt  }
0x86: {  	_ =	shalt  }
0x87: {  	_ =	shalt  }
.Lfunc_end0:
.L_simem_size_0:
called_computation.1_lowered:
.L_overlay_start_0:
0x88: {  	s2 =	sld [smem:$0x3FD9]  }
0x89: {  	s3 =	sld [smem:$0x3FFE];
	_ =	sdelay $0x1  }
0x8a: {  	s1 =	srdreg.scid  }
0x8b: {  	s0 =	sand.u32 $0x1, s1  }
0x8c: {  	s17 =	sshll.u32 s0, $0xA;
	s2 =	sadd.s32 s3, s2  }
0x8d: {  	s2 =	sadd.s32 s2, s17  }
0x8e: {  	[smem:$0x3FC0] =	sst s2  }
0x8f: {  	_ = 	snop  }
0x90: {  	s2 =	sld [smem:$0x3FD0];
	(tm) =	ssettm $0x1  }
0x91: {  	s18 =	sld [smem:$0x3FFB];
	_ =	sdelay $0x3  }
0x92: {  	_ =	strace s18  }
0x93: {  	s3 =	sld [smem:$0x3FFC];
	_ =	sdelay $0x3  }
0x94: {  	_ =	strace s3  }
0x95: {  	s3 =	sld [smem:$0x3FFD];
	_ =	sdelay $0x3  }
0x96: {  	_ =	strace s3  }
0x97: {  	_ =	strace $0x8FFFFFFF  }
0x98: {  	s19 =	sld [smem:$0x3FDB];
	_ =	sdelay $0x1  }
0x99: {  	s4 =	simm.s32 $_scs_section_size  }
0x9a: {  	s5 =	simm.s32 $_size__tile_overlayer_lowered;
	s6 =	simm.s32 $_tile_overlayer_lowered  }
0x9b: {  	s22 =	simm.s32 $0x1BFF;
	s21 =	sshll.u32 s6, $0x1;
	s3 =	sadd.s32 s4, s19  }
0x9c: {  	s7 =	simm.s32 $0x0;
	s20 =	sshll.u32 s5, $0x1;
	s5 =	sadd.s32 s21, s3  }
0x9d: {  	[timem:s7], [sflag:s22] =	dma.local [hbm:s5], s20  }
0x9e: {  	_ =	swait.ge [sflag:s22], s20  }
0x9f: {  	s4 =	ssub.s32 $0x0, s20;
	[sflag:s22] =	ssyncset.done $0x0  }
0xa0: {  	[sflag:s22] =	ssyncadd.s32 s4;
	_ =	sdelay $0x1  }
0xa1: {  	s23 =	simm.s32 $0x1B8B  }
0xa2: {  	_ =	swait.ge [sflag:s23], $0x1  }
0xa3: {  	[sflag:s23] =	ssyncset.done $0x0  }
0xa4: {  	s25 =	simm.s32 $0x1B8E;
	s24 =	sld [smem:$0x3FFE];
	[sflag:s23] =	ssyncadd.s32 $0xFFFFFFFF  }
0xa5: {  	s26 =	simm.s32 $execute0_lowered;
	[smem:$0x3FD2] =	sst s25  }
0xa6: {  	s5 =	sshll.u32 s26, $0x1;
	_ =	strace $0x80000049;
	[dreg:$0x1] =	wrdreg $0xFFFFFFFF  }
0xa7: {  	s28 =	simm.s32 $_size_execute0_lowered;
	s3 =	sadd.s32 s3, s5;
	[dreg:$0x0] =	wrdreg $0x0  }
0xa8: {  	s5 =	sshll.u32 s28, $0x1;
	[dreg:$0x2] =	wrdreg s3  }
0xa9: {  	[dreg:$0x3] =	wrdreg s5  }
0xaa: {  	[dreg:$0x4] =	wrdreg $0xC0  }
0xab: {  	_ =	task [dreg:s7], $0x5FFFF  }
0xac: {  	[dreg:$0x1] =	wrdreg $0xFFFFFFFF  }
0xad: {  	[dreg:$0x0] =	wrdreg $0x60  }
0xae: {  	[dreg:$0x2] =	wrdreg s24  }
0xaf: {  	[dreg:$0x3] =	wrdreg s2  }
0xb0: {  	[dreg:$0x4] =	wrdreg $0xA0000  }
0xb1: {  	[dreg:$0x5] =	wrdreg $0x9  }
0xb2: {  	_ =	task.clear_ibuf [dreg:s7], $0x6FFFF;
	_ =	strace $0x90000049  }
0xb3: {  	s29 =	simm.s32 $0x9;
	_ =	strace $0x8000004B  }
0xb4: {  	_ =	swait.ge [sflag:s29], $0x1  }
0xb5: {  	[sflag:s29] =	ssyncadd.s32 $0xFFFFFFFF  }
0xb6: {  	_ =	strace $0x9000004B  }
0xb7: {  	_ =	sfence  }
0xb8: {  	s30 =	sld [smem:$0x0];
	_ =	sdelay $0x2  }
0xb9: {  	s31 =	sshll.u32 s1, $0xD;
	s1 =	sshrl.u32 s1, $0x2  }
0xba: {  	s3 =	sand.u32 $0x4000, s31;
	s1 =	sadd.s32 s1, s30  }
0xbb: {  	s0 =	sor.u32 s3, s0;
	s1 =	sshll.u32 s1, $0x11  }
0xbc: {  	s0 =	sor.u32 s1, s0  }
0xbd: {  	s0 =	sadd.s32 $0x8F2B, s0  }
0xbe: {  	[sflag:s0] =	ssyncadd.remote.s32 $0x1  }
0xbf: {  	_ =	sfence.sel $0xFFFF  }
0xc0: {  	[dreg:$0x0] =	wrdreg $0xFFFFFFFF;
	(pc) =	sbr.abs _section_cstart, $3  }
0xc1: {  	[dreg:$0x1] =	wrdreg $0xFFFFFFFF  }
0xc2: {  	_ =	task.clear_ibuf [dreg:s7], $0x2FFFF;
	_ =	strace $0x9FFFFFFF  }
0xc3: {  	(tm) =	ssettm $0x7FFFFFFF  }
tec
execute0_lowered:
.L_overlay_start_1:
0x0: {  	(tag) =	ssettag $0x1  }
0x1: {  	s0 =	rddreg [dreg:$0x0]  }
0x2: {  	s2 =	rddreg [dreg:$0x1]  }
0x3: {  	s1 =	rddreg [dreg:$0x2];
	s3 =	simm.s32 $0x0  }
0x4: {  	s4 =	srdreg.scid;
	s16 =	stileid.u32;
	s20 =	simm.s32 $0x2000  }
0x5: {  	s28 =	simm.s32 $0x80;
	s29 =	simm.s32 $0x6000;
	s30 =	simm.s32 $0x2  }
0x6: {  	s31 =	simm.s32 $0x3;
	[smem:$0x7FF] =	sst s3;
	s5 =	smul.u32 $0x50000, s16  }
0x7: {  	s6 =	sand.u32 $0x1, s4;
	s4 =	sadd.s32 $0xD600, s0;
	s11 =	smul.u32 $0x14000, s16  }
0x8: {  	s7 =	sadd.s32 $0x3600, s0;
	s10 =	sshll.u32 s16, $0x1;
	s16 =	smul.u32 $0xA00, s16  }
0x9: {  	s0 =	sadd.s32 $0x35600, s0;
	s8 =	smul.u32 $0x140000, s6;
	s10 =	sor.u32 s6, s10  }
0xa: {  	_ =	strace $0x8000004A;
	s9 =	ssub.s32 $0x2, s6;
	s10 =	smul.u32 $0x500, s10  }
0xb: {  	s6 =	smul.u32 $0x500, s6;
	s12 =	sshrl.u32 s9, $0x1;
	s5 =	sshrl.u32 s5, $0x2  }
0xc: {  	s13 =	sadd.s32 s8, s11;
	s9 =	ssub.s32 s9, s12;
	s22 =	sadd.s32 s2, s10  }
0xd: {  	s5 =	sadd.s32 s5, s1;
	s10 =	sadd.s32 s7, s10;
	[dreg:$0x4] =	wrdreg s22  }
0xe: {  	s21 =	sshrl.u32 s13, $0x3;
	s9 =	smax.u32 s9, $0x1;
	[dreg:$0x5] =	wrdreg s10  }
0xf: {  	s24 =	sadd.s32 $0x4000, s5;
	s25 =	sadd.s32 $0x8000, s5;
	[dreg:$0x7] =	wrdreg s9  }
0x10: {  	s26 =	sadd.s32 $0xC000, s5;
	s13 =	sadd.s32 $0x8000, s11;
	[dreg:$0x8] =	wrdreg s24  }
0x11: {  	s17 =	sadd.s32 $0x10000, s5;
	s7 =	sadd.s32 s16, s7;
	[dreg:$0x9] =	wrdreg s25  }
0x12: {  	s2 =	sadd.s32 s16, s2;
	s23 =	sadd.s32 s0, s21;
	[dreg:$0xa] =	wrdreg s26  }
0x13: {  	s10 =	sadd.s32 $0x4000, s11;
	[dreg:$0xb] =	wrdreg s17;
	s14 =	sadd.s32 s8, s13  }
0x14: {  	s19 =	sadd.s32 s13, s1;
	s25 =	sadd.s32 s6, s7;
	s2 =	sadd.s32 s6, s2  }
0x15: {  	s21 =	simm.s32 $0x5;
	s6 =	simm.s32 $0x0;
	[dreg:$0x6] =	wrdreg s23  }
0x16: {  	s18 =	sadd.s32 s8, s10;
	s15 =	sshrl.u32 s14, $0x3;
	s9 =	sadd.s32 s10, s1  }
0x17: {  	s23 =	sadd.s32 $0xC000, s11;
	s11 =	sadd.s32 $0x10000, s11;
	s10 =	sadd.s32 $0x120, s2  }
0x18: {  	s2 =	simm.s32 $0x1;
	s12 =	sshrl.u32 s18, $0x3;
	s15 =	sadd.s32 s0, s15  }
0x19: {  	s24 =	sadd.s32 s8, s23;
	s8 =	sadd.s32 s8, s11;
	s18 =	sadd.s32 s23, s1  }
.Ltmp0:
0x1a: {  	s26 =	sadd.s32 s11, s1;
	s11 =	sadd.s32 $0x120, s25;
	(pc) =	sbr.rel .LBB2_1-.Ltmp0, $4  }
0x1b: {  	s22 =	sshrl.u32 s9, $0x3;
	s23 =	sshrl.u32 s19, $0x3;
	s12 =	sadd.s32 s0, s12  }
0x1c: {  	s16 =	sshrl.u32 s24, $0x3;
	s8 =	sshrl.u32 s8, $0x3;
	s24 =	sshrl.u32 s18, $0x3  }
0x1d: {  	s25 =	sshrl.u32 s26, $0x3;
	s26 =	simm.s32 $0x1000;
	[dreg:$0xc] =	wrdreg s12  }
0x1e: {  	v0 =	vimm.f32 $0.0e+00;
	s16 =	sadd.s32 s0, s16;
	s17 =	sadd.s32 s0, s8;
	s0 =	simm.s32 $0x4  }
.LBB2_6:
0x1f: {  	[spmem:s1] =	stream.indirect.scatter.add.f32 [tilespmem:s29], [sflag:$0x4], $0x80, s12, s28, $0xb8;
	[tilespmem:$0x1E000] =	vst v63  }
0x20: {  	_ =	swait.ge [sflag:s0], $0x4000  }
0x21: {  	[sflag:s0] =	ssyncset.done $0x0  }
0x22: {  	s7 =	stileid.u32;
	[sflag:s0] =	ssyncadd.s32 $0xFFFFC000  }
0x23: {  	s7 =	sshll.u32 s7, $0x6;
	[bflag:$0x0] =	sbarrier.arrive $0xFFFF  }
0x24: {  	s8 =	sshrl.u32 s5, $0x3;
	s7 =	sor.u32 $0x1C05, s7;
	s9 =	rddreg [dreg:$0x6]  }
0x25: {  	[hbm:s9], [sflag:s7] =	dma.local [spmem:s8], $0x800  }
0x26: {  	_ =	swait.ge [sflag:s21], $0x800  }
0x27: {  	[sflag:s21] =	ssyncset.done $0x0  }
0x28: {  	s18 =	rddreg [dreg:$0xc];
	[sflag:s21] =	ssyncadd.s32 $0xFFFFF800  }
0x29: {  	[hbm:s18], [sflag:s7] =	dma.local [spmem:s22], $0x800  }
0x2a: {  	_ =	swait.ge [sflag:s21], $0x800  }
0x2b: {  	[sflag:s21] =	ssyncset.done $0x0  }
0x2c: {  	[sflag:s21] =	ssyncadd.s32 $0xFFFFF800  }
0x2d: {  	[hbm:s15], [sflag:s7] =	dma.local [spmem:s23], $0x800  }
0x2e: {  	_ =	swait.ge [sflag:s21], $0x800  }
0x2f: {  	[sflag:s21] =	ssyncset.done $0x0  }
0x30: {  	[sflag:s21] =	ssyncadd.s32 $0xFFFFF800  }
0x31: {  	[hbm:s16], [sflag:s7] =	dma.local [spmem:s24], $0x800  }
0x32: {  	_ =	swait.ge [sflag:s21], $0x800  }
0x33: {  	[sflag:s21] =	ssyncset.done $0x0  }
0x34: {  	[sflag:s21] =	ssyncadd.s32 $0xFFFFF800  }
0x35: {  	[hbm:s17], [sflag:s7] =	dma.local [spmem:s25], $0x800  }
0x36: {  	_ =	swait.ge [sflag:s21], $0x800  }
0x37: {  	s6 =	sadd.s32 $0x1, s6;
	s19 =	rddreg [dreg:$0x7]  }
0x38: {  	p0 =	sne.s32 s6, s19  }
.Ltmp1:
0x39: {  	_ = 	snop;
	(pc) =	sbr.rel @!p0 .LBB2_7-.Ltmp1, $3  }
0x3a: {  	_ =	sdelay $0x1  }
0x3b: {  	[sflag:s21] =	ssyncset.done $0x0  }
0x3c: {  	[sflag:s21] =	ssyncadd.s32 $0xFFFFF800  }
.LBB2_1:
0x3d: {  	s7 =	simm.s32 $0x0;
	s8 =	simm.s32 $0x200  }
.LBB2_2:
0x3e: {  	p0 =	sne.s32 s8, $0xFE00;
	[tilespmem:s7+$0x2070] =	vst v0  }
0x3f: {  	[tilespmem:s7+$0x2000] =	vst v0  }
0x40: {  	[tilespmem:s7+$0x2010] =	vst v0  }
.Ltmp2:
0x41: {  	[tilespmem:s7+$0x2020] =	vst v0;
	(pc) =	sbr.rel @p0 .LBB2_2-.Ltmp2, $4  }
0x42: {  	[tilespmem:s7+$0x2030] =	vst v0  }
0x43: {  	[tilespmem:s7+$0x2040] =	vst v0  }
0x44: {  	[tilespmem:s7+$0x2050] =	vst v0  }
0x45: {  	[tilespmem:s7+$0x2060] =	vst v0;
	s7 =	sshra.s32 s8, $0x2;
	s8 =	sadd.s32 $0x200, s8  }
0x46: {  	[tilespmem:s7+$0x2070] =	vst v0  }
0x47: {  	[tilespmem:s7+$0x2000] =	vst v0  }
0x48: {  	[tilespmem:s7+$0x2010] =	vst v0  }
0x49: {  	[tilespmem:s7+$0x2020] =	vst v0  }
0x4a: {  	[tilespmem:s7+$0x2030] =	vst v0  }
0x4b: {  	[tilespmem:s7+$0x2040] =	vst v0  }
0x4c: {  	[tilespmem:s7+$0x2050] =	vst v0  }
0x4d: {  	[tilespmem:s7+$0x2060] =	vst v0  }
0x4e: {  	[spmem:s5] =	stream.linear.scatter [tilespmem:s20], [sflag:$0x5], $0x4000, $0x38;
	[tilespmem:$0x1E000] =	vst v63  }
0x4f: {  	_ =	swait.ge [sflag:s21], $0x4000  }
0x50: {  	[sflag:s21] =	ssyncset.done $0x0  }
0x51: {  	s9 =	rddreg [dreg:$0x8];
	[sflag:s21] =	ssyncadd.s32 $0xFFFFC000  }
0x52: {  	[spmem:s9] =	stream.linear.scatter [tilespmem:s20], [sflag:$0x5], $0x4000, $0x38;
	[tilespmem:$0x1E000] =	vst v63  }
0x53: {  	_ =	swait.ge [sflag:s21], $0x4000  }
0x54: {  	[sflag:s21] =	ssyncset.done $0x0  }
0x55: {  	s12 =	rddreg [dreg:$0x9];
	[sflag:s21] =	ssyncadd.s32 $0xFFFFC000  }
0x56: {  	[spmem:s12] =	stream.linear.scatter [tilespmem:s20], [sflag:$0x5], $0x4000, $0x38;
	[tilespmem:$0x1E000] =	vst v63  }
0x57: {  	_ =	swait.ge [sflag:s21], $0x4000  }
0x58: {  	[sflag:s21] =	ssyncset.done $0x0  }
0x59: {  	s13 =	rddreg [dreg:$0xa];
	[sflag:s21] =	ssyncadd.s32 $0xFFFFC000  }
0x5a: {  	[spmem:s13] =	stream.linear.scatter [tilespmem:s20], [sflag:$0x5], $0x4000, $0x38;
	[tilespmem:$0x1E000] =	vst v63  }
0x5b: {  	_ =	swait.ge [sflag:s21], $0x4000  }
0x5c: {  	[sflag:s21] =	ssyncset.done $0x0  }
0x5d: {  	s14 =	rddreg [dreg:$0xb];
	[sflag:s21] =	ssyncadd.s32 $0xFFFFC000  }
0x5e: {  	[spmem:s14] =	stream.linear.scatter [tilespmem:s20], [sflag:$0x5], $0x4000, $0x38;
	[tilespmem:$0x1E000] =	vst v63  }
0x5f: {  	_ =	swait.ge [sflag:s21], $0x4000  }
0x60: {  	[sflag:s21] =	ssyncset.done $0x0  }
0x61: {  	s18 =	rddreg [dreg:$0x4];
	[sflag:s21] =	ssyncadd.s32 $0xFFFFC000  }
0x62: {  	[tilespmem:s3], [sflag:$0x5] =	stream.linear.gather [hbm4b:s18+s3], $0x1000, $0x38;
	[tilespmem:$0x1E000] =	vst v63  }
0x63: {  	_ =	swait.ge [sflag:s21], $0x1000  }
0x64: {  	[sflag:s21] =	ssyncset.done $0x0  }
0x65: {  	s19 =	rddreg [dreg:$0x5];
	[sflag:s21] =	ssyncadd.s32 $0xFFFFF000  }
0x66: {  	[tilespmem:s26], [sflag:$0x5] =	stream.linear.gather [hbm4b:s19+s3], $0x1000, $0x38;
	[tilespmem:$0x1E000] =	vst v63  }
0x67: {  	_ =	swait.ge [sflag:s21], $0x1000  }
0x68: {  	[sflag:s21] =	ssyncset.done $0x0  }
0x69: {  	[sflag:s21] =	ssyncadd.s32 $0xFFFFF000  }
0x6a: {  	[tilespmem:s20], [sflag:$0x1] =	stream.indirect.gather [hbm4b:s4+s28], $0x80, s3, s28, $0xb8;
	[tilespmem:$0x1E000] =	vst v63  }
0x6b: {  	s7 =	simm.s32 $0x1;
	[bflag:$0x0] =	sbarrier.arrive $0xFFFF  }
0x6c: {  	_ =	swait.ge [sflag:s7], $0x4000  }
0x6d: {  	[sflag:s7] =	ssyncset.done $0x0  }
0x6e: {  	[sflag:s7] =	ssyncadd.s32 $0xFFFFC000  }
0x6f: {  	[tilespmem:s29], [sflag:$0x2] =	stream.indirect.gather [hbm4b:s4+s28], $0x80, s28, s28, $0xb8;
	[tilespmem:$0x1E000] =	vst v63  }
0x70: {  	_ = 	snop  }
0x71: {  	[spmem:s1] =	stream.indirect.scatter.add.f32 [tilespmem:s20], [sflag:$0x3], $0x80, s26, s28, $0xb8;
	[tilespmem:$0x1E000] =	vst v63  }
0x72: {  	_ =	swait.ge [sflag:s30], $0x4000  }
0x73: {  	[sflag:s30] =	ssyncset.done $0x0  }
0x74: {  	[sflag:s30] =	ssyncadd.s32 $0xFFFFC000  }
0x75: {  	_ =	swait.ge [sflag:s31], $0x4000  }
0x76: {  	[sflag:s31] =	ssyncset.done $0x0  }
0x77: {  	s8 =	simm.s32 $0x100;
	[sflag:s31] =	ssyncadd.s32 $0xFFFFC000  }
0x78: {  	[tilespmem:s20], [sflag:$0x1] =	stream.indirect.gather [hbm4b:s4+s28], $0x80, s8, s28, $0xb8;
	[tilespmem:$0x1E000] =	vst v63  }
0x79: {  	s9 =	simm.s32 $0x1080  }
0x7a: {  	[spmem:s1] =	stream.indirect.scatter.add.f32 [tilespmem:s29], [sflag:$0x4], $0x80, s9, s28, $0xb8;
	[tilespmem:$0x1E000] =	vst v63  }
0x7b: {  	s18 =	smov.u32 s11;
	s19 =	smov.u32 s10;
	s9 =	simm.s32 $0x800  }
.LBB2_4:
0x7c: {  	_ =	swait.ge [sflag:s2], $0x4000  }
0x7d: {  	[sflag:s2] =	ssyncset.done $0x0  }
0x7e: {  	s12 =	sand.u32 $0x27, s7;
	[sflag:s2] =	ssyncadd.s32 $0xFFFFC000  }
0x7f: {  	p0 =	sne.s32 s12, $0x0;
	_ =	swait.ge [sflag:s0], $0x4000  }
0x80: {  	s12 =	sxor.u32 @!p0 $0xFFFFFFFF, s8;
	s13 =	simm.s32 @!p0 $0x0;
	[sflag:s0] =	ssyncset.done $0x0  }
0x81: {  	s14 =	simm.s32 @!p0 $0x5;
	s12 =	sand.u32 @!p0 $0x800, s12;
	[sflag:s0] =	ssyncadd.s32 $0xFFFFC000  }
0x82: {  	[tilespmem:s12], [sflag:$0x5] =	stream.linear.gather @!p0 [hbm4b:s19+s13], $0x800, $0x38;
	[tilespmem:$0x1E000] =	vst v63  }
0x83: {  	_ =	swait.ge @!p0 [sflag:s14], $0x800  }
0x84: {  	[sflag:s14] =	ssyncset.done @!p0 $0x0  }
0x85: {  	s12 =	sor.u32 @!p0 $0x1000, s12;
	[sflag:s14] =	ssyncadd.s32 @!p0 $0xFFFFF800  }
0x86: {  	[tilespmem:s12], [sflag:$0x5] =	stream.linear.gather @!p0 [hbm4b:s18+s13], $0x800, $0x38;
	[tilespmem:$0x1E000] =	vst v63  }
0x87: {  	s13 =	sadd.s32 $0xFFFFFC00, s9  }
0x88: {  	_ =	swait.ge @!p0 [sflag:s14], $0x800;
	s12 =	sand.u32 $0x3C00, s13  }
0x89: {  	[sflag:s14] =	ssyncset.done @!p0 $0x0;
	s13 =	sor.u32 $0x200, s12  }
0x8a: {  	s12 =	sshrl.u32 s12, $0x2;
	[sflag:s14] =	ssyncadd.s32 @!p0 $0xFFFFF800;
	s13 =	sshrl.u32 s13, $0x2  }
0x8b: {  	[tilespmem:s29], [sflag:$0x2] =	stream.indirect.gather [hbm4b:s4+s28], $0x80, s13, s28, $0xb8;
	[tilespmem:$0x1E000] =	vst v63  }
0x8c: {  	s12 =	sor.u32 $0x1000, s12  }
0x8d: {  	[spmem:s1] =	stream.indirect.scatter.add.f32 [tilespmem:s20], [sflag:$0x3], $0x80, s12, s28, $0xb8;
	[tilespmem:$0x1E000] =	vst v63  }
0x8e: {  	p0 =	seq.s32 s9, $0xA000;
	_ =	swait.ge [sflag:s30], $0x4000  }
.Ltmp3:
0x8f: {  	[sflag:s30] =	ssyncset.done $0x0;
	(pc) =	sbr.rel @p0 .LBB2_6-.Ltmp3, $4  }
0x90: {  	[sflag:s30] =	ssyncadd.s32 $0xFFFFC000  }
0x91: {  	_ =	swait.ge [sflag:s31], $0x4000  }
0x92: {  	[sflag:s31] =	ssyncset.done $0x0  }
0x93: {  	s12 =	sor.u32 $0x1000, s13;
	[sflag:s31] =	ssyncadd.s32 $0xFFFFC000  }
.Ltmp4:
0x94: {  	s13 =	sand.u32 $0x3C00, s9;
	(pc) =	sbr.rel .LBB2_4-.Ltmp4, $4  }
0x95: {  	s7 =	sadd.s32 $0x1, s7;
	s18 =	sadd.s32 $0x20, s18;
	s13 =	sshrl.u32 s13, $0x2  }
0x96: {  	[tilespmem:s20], [sflag:$0x1] =	stream.indirect.gather [hbm4b:s4+s28], $0x80, s13, s28, $0xb8;
	[tilespmem:$0x1E000] =	vst v63  }
0x97: {  	s19 =	sadd.s32 $0x20, s19;
	s8 =	sadd.s32 $0x100, s8;
	s9 =	sadd.s32 $0x400, s9  }
0x98: {  	[spmem:s1] =	stream.indirect.scatter.add.f32 [tilespmem:s29], [sflag:$0x4], $0x80, s12, s28, $0xb8;
	[tilespmem:$0x1E000] =	vst v63  }
.LBB2_7:
0x99: {  	_ =	sfence.sel $0x180000  }
0x9a: {  	[bflag:$0x0] =	sbarrier.arrive $0xFFFF  }
0x9b: {  	_ =	strace $0x9000004A  }
0x9c: {  	s0 =	stileid.u32;
	[bflag:$0x2] =	sbarrier.arrive $0xFFFF  }
0x9d: {  	p0 =	sne.s32 s0, $0x0;
	s0 =	rddreg [dreg:$0x3]  }
0x9e: {  	s0 =	sadd.s32 @!p0 $0x100000, s0  }
0x9f: {  	[sflag:s0] =	ssyncadd.tile.s32 @!p0 $0x1;
	_ =	shalt  }
.Lfunc_end2:
_tile_overlayer_lowered:
.L_overlay_start_2:
0xa0: {  	(tag) =	ssettag $0x2  }
0xa1: {  	s0 =	rddreg [dreg:$0x0];
	s2 =	stileid.u32  }
0xa2: {  	s1 =	rddreg [dreg:$0x1];
	p0 =	sne.s32 s2, $0x0  }
0xa3: {  	s3 =	rddreg [dreg:$0x2];
	[bflag:$0x3] =	sbarrier.arrive $0xFFFF;
	s2 =	simm.s32 @!p0 $0x1C05  }
0xa4: {  	[timem:s3], [sflag:s2] =	dma.local @!p0 [hbm:s0], s1  }
0xa5: {  	s0 =	simm.s32 @!p0 $0x5  }
0xa6: {  	_ =	swait.ge @!p0 [sflag:s0], s1  }
0xa7: {  	s1 =	ssub.s32 @!p0 $0x0, s1;
	[sflag:s0] =	ssyncset.done @!p0 $0x0  }
0xa8: {  	[sflag:s0] =	ssyncadd.s32 @!p0 s1  }
0xa9: {  	[bflag:$0x3] =	sbarrier.arrive $0xFFFF  }
0xaa: {  	_ =	shalt  }

// kernel: kernel.16.cloned.1.call-start
scs
__scs_entry_jumppad:
0x0: {  	(pc) =	sbr.rel $0x88, $3  }
0x1: {  	(tag) =	ssettag $0x0;
	lr =	simm.s32 $0x1  }
0x2: {  	[smem:$0x3F99] =	sst lr;
	_ =	strace $0xD0000000  }
0x3: {  	_ = 	snop  }
0x4: {  	_ = 	snop  }
0x5: {  	_ = 	snop  }
0x6: {  	_ = 	snop  }
0x7: {  	_ = 	snop  }
__scs_overlays_trampoline_lowered:
0x8: {  	[smem:$0x3FA8] =	sst s0  }
0x9: {  	[smem:$0x3FA9] =	sst s1  }
0xa: {  	[smem:$0x3FAA] =	sst s2  }
0xb: {  	[smem:$0x3FAB] =	sst s3  }
0xc: {  	[smem:$0x3FAC] =	sst s4  }
0xd: {  	[smem:$0x3FAD] =	sst s5  }
0xe: {  	[smem:$0x3FAE] =	sst s6  }
0xf: {  	[smem:$0x3FAF] =	sst s7  }
0x10: {  	[smem:$0x3FB0] =	sst s8  }
0x11: {  	[smem:$0x3FB1] =	sst s9;
	s0 =	simm.s32 @!p0 $0x0  }
0x12: {  	s1 =	sld [smem:$0x3F97];
	s0 =	simm.s32 @p0 $0x1  }
0x13: {  	[smem:$0x3FB2] =	sst s0;
	s0 =	simm.s32 @!p1 $0x0  }
0x14: {  	s2 =	sld [smem:$0x3F96];
	s0 =	simm.s32 @p1 $0x1  }
0x15: {  	[smem:$0x3FB3] =	sst s0;
	s0 =	simm.s32 @!p2 $0x0  }
0x16: {  	s3 =	sld [smem:$0x3FDB];
	s0 =	simm.s32 @p2 $0x1  }
0x17: {  	s4 =	simm.s32 $0x1BF5;
	[smem:$0x3FB5] =	sst s0  }
0x18: {  	s0 =	sld [smem:$0x3F98];
	_ =	swait.ge [sflag:s4], $0x0  }
0x19: {  	s7 =	sld [smem:$0x3F99]  }
0x1a: {  	s8 =	sadd.s32 $0xFFFFE003, lr  }
0x1b: {  	s9 =	sadd.s32 $0xFFFFFEF7, lr;
	s5 =	simm.s32 $0xFFFFFFFF;
	p2 =	slt.u32 s8, $0xFFFFF086  }
0x1c: {  	p1 =	slt.u32 s9, $0xF7A;
	s5 =	simm.s32 @!p2 $0x0  }
0x1d: {  	s5 =	simm.s32 @p1 $0x1;
	p0 =	seq.s32 s7, s2  }
0x1e: {  	s7 =	smul.u32 @!p0 $0xF7A, s2;
	p2 =	seq.s32 @!p0 s5, $0x0  }
0x1f: {  	s9 =	smul.u32 $0xF7A, s1;
	s8 =	simm.s32 @!p0 $0x1BF5;
	p2 =	por !p2, p0  }
0x20: {  	[sflag:s8] =	ssyncset.s32 @!p0 $0xFFFFF086;
	s6 =	sadd.s32 @!p0 s3, s7;
	s7 =	simm.s32 @!p0 $0x108  }
0x21: {  	s3 =	sadd.s32 s3, s9;
	s6 =	sadd.s32 @!p0 $0x88, s6;
	s7 =	simm.s32 @p2 $0x1082  }
0x22: {  	[simem:s7], [sflag:s8] =	dma.local @!p0 [hbm:s6], $0xF7A  }
0x23: {  	s9 =	sor.u32 $0xD0000000, s2;
	s6 =	simm.s32 $0x108;
	_ =	swait.ge @!p0 [sflag:s8], $0x0  }
0x24: {  	s3 =	sadd.s32 $0x88, s3;
	s6 =	simm.s32 @!p1 $0x1082;
	[sflag:s4] =	ssyncset.s32 $0xFFFFF086  }
0x25: {  	[simem:s6], [sflag:s4] =	dma.local [hbm:s3], $0xF7A  }
0x26: {  	[smem:$0x3F99] =	sst s1;
	(tag) =	ssettag s2;
	_ =	strace s9  }
0x27: {  	s1 =	sld [smem:$0x3FA9]  }
0x28: {  	s2 =	sld [smem:$0x3FAA]  }
0x29: {  	s4 =	sld [smem:$0x3FAC]  }
0x2a: {  	p0 =	seq.s32 s5, $0x0;
	s5 =	sld [smem:$0x3FAD]  }
0x2b: {  	s6 =	sld [smem:$0x3FAE]  }
0x2c: {  	s7 =	sld [smem:$0x3FAF]  }
0x2d: {  	s3 =	simm.s32 $0x108;
	s8 =	sld [smem:$0x3FB0]  }
0x2e: {  	s3 =	simm.s32 @!p0 $0x1082;
	s9 =	sld [smem:$0x3FB1]  }
0x2f: {  	lr =	sadd.s32 s0, s3;
	s0 =	sld [smem:$0x3FA8]  }
0x30: {  	s3 =	sld [smem:$0x3FAB]  }
0x31: {  	[smem:$0x3FB4] =	sst s10  }
0x32: {  	s10 =	sld [smem:$0x3FB2];
	_ =	sdelay $0x3  }
0x33: {  	p0 =	seq.s32 s10, $0x1;
	s10 =	sld [smem:$0x3FB4];
	_ =	sdelay $0x3  }
0x34: {  	[smem:$0x3FB4] =	sst s10  }
0x35: {  	s10 =	sld [smem:$0x3FB3];
	_ =	sdelay $0x3  }
0x36: {  	p1 =	seq.s32 s10, $0x1;
	s10 =	sld [smem:$0x3FB4];
	_ =	sdelay $0x3  }
0x37: {  	[smem:$0x3FB4] =	sst s10  }
0x38: {  	s10 =	sld [smem:$0x3FB5]  }
0x39: {  	_ = 	snop;
	(pc) =	sbr.ind lr, $3  }
0x3a: {  	_ = 	snop  }
0x3b: {  	_ = 	snop  }
0x3c: {  	p2 =	seq.s32 s10, $0x1;
	s10 =	sld [smem:$0x3FB4]  }
0x3d: {  	_ =	shalt  }
0x3e: {  	_ =	shalt  }
0x3f: {  	_ =	shalt  }
0x40: {  	_ =	shalt  }
0x41: {  	_ =	shalt  }
0x42: {  	_ =	shalt  }
0x43: {  	_ =	shalt  }
0x44: {  	_ =	shalt  }
0x45: {  	_ =	shalt  }
0x46: {  	_ =	shalt  }
0x47: {  	_ =	shalt  }
0x48: {  	_ =	shalt  }
0x49: {  	_ =	shalt  }
0x4a: {  	_ =	shalt  }
0x4b: {  	_ =	shalt  }
0x4c: {  	_ =	shalt  }
0x4d: {  	_ =	shalt  }
0x4e: {  	_ =	shalt  }
0x4f: {  	_ =	shalt  }
0x50: {  	_ =	shalt  }
0x51: {  	_ =	shalt  }
0x52: {  	_ =	shalt  }
0x53: {  	_ =	shalt  }
0x54: {  	_ =	shalt  }
0x55: {  	_ =	shalt  }
0x56: {  	_ =	shalt  }
0x57: {  	_ =	shalt  }
0x58: {  	_ =	shalt  }
0x59: {  	_ =	shalt  }
0x5a: {  	_ =	shalt  }
0x5b: {  	_ =	shalt  }
0x5c: {  	_ =	shalt  }
0x5d: {  	_ =	shalt  }
0x5e: {  	_ =	shalt  }
0x5f: {  	_ =	shalt  }
0x60: {  	_ =	shalt  }
0x61: {  	_ =	shalt  }
0x62: {  	_ =	shalt  }
0x63: {  	_ =	shalt  }
0x64: {  	_ =	shalt  }
0x65: {  	_ =	shalt  }
0x66: {  	_ =	shalt  }
0x67: {  	_ =	shalt  }
0x68: {  	_ =	shalt  }
0x69: {  	_ =	shalt  }
0x6a: {  	_ =	shalt  }
0x6b: {  	_ =	shalt  }
0x6c: {  	_ =	shalt  }
0x6d: {  	_ =	shalt  }
0x6e: {  	_ =	shalt  }
0x6f: {  	_ =	shalt  }
0x70: {  	_ =	shalt  }
0x71: {  	_ =	shalt  }
0x72: {  	_ =	shalt  }
0x73: {  	_ =	shalt  }
0x74: {  	_ =	shalt  }
0x75: {  	_ =	shalt  }
0x76: {  	_ =	shalt  }
0x77: {  	_ =	shalt  }
0x78: {  	_ =	shalt  }
0x79: {  	_ =	shalt  }
0x7a: {  	_ =	shalt  }
0x7b: {  	_ =	shalt  }
0x7c: {  	_ =	shalt  }
0x7d: {  	_ =	shalt  }
0x7e: {  	_ =	shalt  }
0x7f: {  	_ =	shalt  }
0x80: {  	_ =	shalt  }
0x81: {  	_ =	shalt  }
0x82: {  	_ =	shalt  }
0x83: {  	_ =	shalt  }
0x84: {  	_ =	shalt  }
0x85: {  	_ =	shalt  }
0x86: {  	_ =	shalt  }
0x87: {  	_ =	shalt  }
.Lfunc_end0:
.L_simem_size_0:
called_computation.2_lowered:
.L_overlay_start_0:
0x88: {  	s2 =	sld [smem:$0x3FD9]  }
0x89: {  	s3 =	sld [smem:$0x3FFE];
	_ =	sdelay $0x1  }
0x8a: {  	s1 =	srdreg.scid  }
0x8b: {  	s0 =	sand.u32 $0x1, s1  }
0x8c: {  	s17 =	sshll.u32 s0, $0xA;
	s2 =	sadd.s32 s3, s2  }
0x8d: {  	s2 =	sadd.s32 s2, s17  }
0x8e: {  	[smem:$0x3FC0] =	sst s2  }
0x8f: {  	_ = 	snop  }
0x90: {  	s2 =	sld [smem:$0x3FD0];
	(tm) =	ssettm $0x1  }
0x91: {  	s18 =	sld [smem:$0x3FFB];
	_ =	sdelay $0x3  }
0x92: {  	_ =	strace s18  }
0x93: {  	s3 =	sld [smem:$0x3FFC];
	_ =	sdelay $0x3  }
0x94: {  	_ =	strace s3  }
0x95: {  	s3 =	sld [smem:$0x3FFD];
	_ =	sdelay $0x3  }
0x96: {  	_ =	strace s3  }
0x97: {  	_ =	strace $0x8FFFFFFF  }
0x98: {  	s19 =	sld [smem:$0x3FDB];
	_ =	sdelay $0x1  }
0x99: {  	s4 =	simm.s32 $_scs_section_size  }
0x9a: {  	s5 =	simm.s32 $_size__tile_overlayer_lowered;
	s6 =	simm.s32 $_tile_overlayer_lowered  }
0x9b: {  	s22 =	simm.s32 $0x1BFF;
	s21 =	sshll.u32 s6, $0x1;
	s3 =	sadd.s32 s4, s19  }
0x9c: {  	s7 =	simm.s32 $0x0;
	s20 =	sshll.u32 s5, $0x1;
	s5 =	sadd.s32 s21, s3  }
0x9d: {  	[timem:s7], [sflag:s22] =	dma.local [hbm:s5], s20  }
0x9e: {  	_ =	swait.ge [sflag:s22], s20  }
0x9f: {  	s4 =	ssub.s32 $0x0, s20;
	[sflag:s22] =	ssyncset.done $0x0  }
0xa0: {  	[sflag:s22] =	ssyncadd.s32 s4;
	_ =	sdelay $0x1  }
0xa1: {  	s23 =	simm.s32 $0x1B8B  }
0xa2: {  	_ =	swait.ge [sflag:s23], $0x1  }
0xa3: {  	[sflag:s23] =	ssyncset.done $0x0  }
0xa4: {  	s25 =	simm.s32 $0x1B8E;
	s24 =	sld [smem:$0x3FFE];
	[sflag:s23] =	ssyncadd.s32 $0xFFFFFFFF  }
0xa5: {  	s26 =	simm.s32 $execute0_lowered;
	[smem:$0x3FD2] =	sst s25  }
0xa6: {  	s5 =	sshll.u32 s26, $0x1;
	_ =	strace $0x8000004C;
	[dreg:$0x1] =	wrdreg $0xFFFFFFFF  }
0xa7: {  	s28 =	simm.s32 $_size_execute0_lowered;
	s3 =	sadd.s32 s3, s5;
	[dreg:$0x0] =	wrdreg $0x0  }
0xa8: {  	s5 =	sshll.u32 s28, $0x1;
	[dreg:$0x2] =	wrdreg s3  }
0xa9: {  	[dreg:$0x3] =	wrdreg s5  }
0xaa: {  	[dreg:$0x4] =	wrdreg $0xC0  }
0xab: {  	_ =	task [dreg:s7], $0x5FFFF  }
0xac: {  	[dreg:$0x1] =	wrdreg $0xFFFFFFFF  }
0xad: {  	[dreg:$0x0] =	wrdreg $0x60  }
0xae: {  	[dreg:$0x2] =	wrdreg s24  }
0xaf: {  	[dreg:$0x3] =	wrdreg s2  }
0xb0: {  	[dreg:$0x4] =	wrdreg $0xA0000  }
0xb1: {  	[dreg:$0x5] =	wrdreg $0x9  }
0xb2: {  	_ =	task.clear_ibuf [dreg:s7], $0x6FFFF;
	_ =	strace $0x9000004C  }
0xb3: {  	s29 =	simm.s32 $0x9;
	_ =	strace $0x8000004E  }
0xb4: {  	_ =	swait.ge [sflag:s29], $0x1  }
0xb5: {  	[sflag:s29] =	ssyncadd.s32 $0xFFFFFFFF  }
0xb6: {  	_ =	strace $0x9000004E  }
0xb7: {  	_ =	sfence  }
0xb8: {  	s30 =	sld [smem:$0x0];
	_ =	sdelay $0x2  }
0xb9: {  	s31 =	sshll.u32 s1, $0xD;
	s1 =	sshrl.u32 s1, $0x2  }
0xba: {  	s3 =	sand.u32 $0x4000, s31;
	s1 =	sadd.s32 s1, s30  }
0xbb: {  	s0 =	sor.u32 s3, s0;
	s1 =	sshll.u32 s1, $0x11  }
0xbc: {  	s0 =	sor.u32 s1, s0  }
0xbd: {  	s0 =	sadd.s32 $0x8F2B, s0  }
0xbe: {  	[sflag:s0] =	ssyncadd.remote.s32 $0x1  }
0xbf: {  	_ =	sfence.sel $0xFFFF  }
0xc0: {  	[dreg:$0x0] =	wrdreg $0xFFFFFFFF;
	(pc) =	sbr.abs _section_cstart, $3  }
0xc1: {  	[dreg:$0x1] =	wrdreg $0xFFFFFFFF  }
0xc2: {  	_ =	task.clear_ibuf [dreg:s7], $0x2FFFF;
	_ =	strace $0x9FFFFFFF  }
0xc3: {  	(tm) =	ssettm $0x7FFFFFFF  }
tec
execute0_lowered:
.L_overlay_start_1:
0x0: {  	(tag) =	ssettag $0x1  }
0x1: {  	s0 =	rddreg [dreg:$0x0]  }
0x2: {  	s2 =	rddreg [dreg:$0x1]  }
0x3: {  	s1 =	rddreg [dreg:$0x2];
	s3 =	simm.s32 $0x0  }
0x4: {  	s4 =	srdreg.scid;
	s16 =	stileid.u32;
	s20 =	simm.s32 $0x2000  }
0x5: {  	s28 =	simm.s32 $0x80;
	s29 =	simm.s32 $0x6000;
	s30 =	simm.s32 $0x2  }
0x6: {  	s31 =	simm.s32 $0x3;
	[smem:$0x7FF] =	sst s3;
	s5 =	smul.u32 $0x50000, s16  }
0x7: {  	s6 =	sand.u32 $0x1, s4;
	s4 =	sadd.s32 $0xD600, s0;
	s11 =	smul.u32 $0x14000, s16  }
0x8: {  	s7 =	sadd.s32 $0x3600, s0;
	s10 =	sshll.u32 s16, $0x1;
	s16 =	smul.u32 $0xA00, s16  }
0x9: {  	s0 =	sadd.s32 $0x35600, s0;
	s8 =	smul.u32 $0x140000, s6;
	s10 =	sor.u32 s6, s10  }
0xa: {  	_ =	strace $0x8000004D;
	s9 =	ssub.s32 $0x2, s6;
	s10 =	smul.u32 $0x500, s10  }
0xb: {  	s6 =	smul.u32 $0x500, s6;
	s12 =	sshrl.u32 s9, $0x1;
	s5 =	sshrl.u32 s5, $0x2  }
0xc: {  	s13 =	sadd.s32 s8, s11;
	s9 =	ssub.s32 s9, s12;
	s22 =	sadd.s32 s2, s10  }
0xd: {  	s5 =	sadd.s32 s5, s1;
	s10 =	sadd.s32 s7, s10;
	[dreg:$0x4] =	wrdreg s22  }
0xe: {  	s21 =	sshrl.u32 s13, $0x3;
	s9 =	smax.u32 s9, $0x1;
	[dreg:$0x5] =	wrdreg s10  }
0xf: {  	s24 =	sadd.s32 $0x4000, s5;
	s25 =	sadd.s32 $0x8000, s5;
	[dreg:$0x7] =	wrdreg s9  }
0x10: {  	s26 =	sadd.s32 $0xC000, s5;
	s13 =	sadd.s32 $0x8000, s11;
	[dreg:$0x8] =	wrdreg s24  }
0x11: {  	s17 =	sadd.s32 $0x10000, s5;
	s7 =	sadd.s32 s16, s7;
	[dreg:$0x9] =	wrdreg s25  }
0x12: {  	s2 =	sadd.s32 s16, s2;
	s23 =	sadd.s32 s0, s21;
	[dreg:$0xa] =	wrdreg s26  }
0x13: {  	s10 =	sadd.s32 $0x4000, s11;
	[dreg:$0xb] =	wrdreg s17;
	s14 =	sadd.s32 s8, s13  }
0x14: {  	s19 =	sadd.s32 s13, s1;
	s25 =	sadd.s32 s6, s7;
	s2 =	sadd.s32 s6, s2  }
0x15: {  	s21 =	simm.s32 $0x5;
	s6 =	simm.s32 $0x0;
	[dreg:$0x6] =	wrdreg s23  }
0x16: {  	s18 =	sadd.s32 s8, s10;
	s15 =	sshrl.u32 s14, $0x3;
	s9 =	sadd.s32 s10, s1  }
0x17: {  	s23 =	sadd.s32 $0xC000, s11;
	s11 =	sadd.s32 $0x10000, s11;
	s10 =	sadd.s32 $0x120, s2  }
0x18: {  	s2 =	simm.s32 $0x1;
	s12 =	sshrl.u32 s18, $0x3;
	s15 =	sadd.s32 s0, s15  }
0x19: {  	s24 =	sadd.s32 s8, s23;
	s8 =	sadd.s32 s8, s11;
	s18 =	sadd.s32 s23, s1  }
.Ltmp0:
0x1a: {  	s26 =	sadd.s32 s11, s1;
	s11 =	sadd.s32 $0x120, s25;
	(pc) =	sbr.rel .LBB2_1-.Ltmp0, $4  }
0x1b: {  	s22 =	sshrl.u32 s9, $0x3;
	s23 =	sshrl.u32 s19, $0x3;
	s12 =	sadd.s32 s0, s12  }
0x1c: {  	s16 =	sshrl.u32 s24, $0x3;
	s8 =	sshrl.u32 s8, $0x3;
	s24 =	sshrl.u32 s18, $0x3  }
0x1d: {  	s25 =	sshrl.u32 s26, $0x3;
	s26 =	simm.s32 $0x1000;
	[dreg:$0xc] =	wrdreg s12  }
0x1e: {  	v0 =	vimm.f32 $0.0e+00;
	s16 =	sadd.s32 s0, s16;
	s17 =	sadd.s32 s0, s8;
	s0 =	simm.s32 $0x4  }
.LBB2_6:
0x1f: {  	[spmem:s1] =	stream.indirect.scatter.add.f32 [tilespmem:s29], [sflag:$0x4], $0x80, s12, s28, $0xb8;
	[tilespmem:$0x1E000] =	vst v63  }
0x20: {  	_ =	swait.ge [sflag:s0], $0x4000  }
0x21: {  	[sflag:s0] =	ssyncset.done $0x0  }
0x22: {  	s7 =	stileid.u32;
	[sflag:s0] =	ssyncadd.s32 $0xFFFFC000  }
0x23: {  	s7 =	sshll.u32 s7, $0x6;
	[bflag:$0x0] =	sbarrier.arrive $0xFFFF  }
0x24: {  	s8 =	sshrl.u32 s5, $0x3;
	s7 =	sor.u32 $0x1C05, s7;
	s9 =	rddreg [dreg:$0x6]  }
0x25: {  	[hbm:s9], [sflag:s7] =	dma.local [spmem:s8], $0x800  }
0x26: {  	_ =	swait.ge [sflag:s21], $0x800  }
0x27: {  	[sflag:s21] =	ssyncset.done $0x0  }
0x28: {  	s18 =	rddreg [dreg:$0xc];
	[sflag:s21] =	ssyncadd.s32 $0xFFFFF800  }
0x29: {  	[hbm:s18], [sflag:s7] =	dma.local [spmem:s22], $0x800  }
0x2a: {  	_ =	swait.ge [sflag:s21], $0x800  }
0x2b: {  	[sflag:s21] =	ssyncset.done $0x0  }
0x2c: {  	[sflag:s21] =	ssyncadd.s32 $0xFFFFF800  }
0x2d: {  	[hbm:s15], [sflag:s7] =	dma.local [spmem:s23], $0x800  }
0x2e: {  	_ =	swait.ge [sflag:s21], $0x800  }
0x2f: {  	[sflag:s21] =	ssyncset.done $0x0  }
0x30: {  	[sflag:s21] =	ssyncadd.s32 $0xFFFFF800  }
0x31: {  	[hbm:s16], [sflag:s7] =	dma.local [spmem:s24], $0x800  }
0x32: {  	_ =	swait.ge [sflag:s21], $0x800  }
0x33: {  	[sflag:s21] =	ssyncset.done $0x0  }
0x34: {  	[sflag:s21] =	ssyncadd.s32 $0xFFFFF800  }
0x35: {  	[hbm:s17], [sflag:s7] =	dma.local [spmem:s25], $0x800  }
0x36: {  	_ =	swait.ge [sflag:s21], $0x800  }
0x37: {  	s6 =	sadd.s32 $0x1, s6;
	s19 =	rddreg [dreg:$0x7]  }
0x38: {  	p0 =	sne.s32 s6, s19  }
.Ltmp1:
0x39: {  	_ = 	snop;
	(pc) =	sbr.rel @!p0 .LBB2_7-.Ltmp1, $3  }
0x3a: {  	_ =	sdelay $0x1  }
0x3b: {  	[sflag:s21] =	ssyncset.done $0x0  }
0x3c: {  	[sflag:s21] =	ssyncadd.s32 $0xFFFFF800  }
.LBB2_1:
0x3d: {  	s7 =	simm.s32 $0x0;
	s8 =	simm.s32 $0x200  }
.LBB2_2:
0x3e: {  	p0 =	sne.s32 s8, $0xFE00;
	[tilespmem:s7+$0x2070] =	vst v0  }
0x3f: {  	[tilespmem:s7+$0x2000] =	vst v0  }
0x40: {  	[tilespmem:s7+$0x2010] =	vst v0  }
.Ltmp2:
0x41: {  	[tilespmem:s7+$0x2020] =	vst v0;
	(pc) =	sbr.rel @p0 .LBB2_2-.Ltmp2, $4  }
0x42: {  	[tilespmem:s7+$0x2030] =	vst v0  }
0x43: {  	[tilespmem:s7+$0x2040] =	vst v0  }
0x44: {  	[tilespmem:s7+$0x2050] =	vst v0  }
0x45: {  	[tilespmem:s7+$0x2060] =	vst v0;
	s7 =	sshra.s32 s8, $0x2;
	s8 =	sadd.s32 $0x200, s8  }
0x46: {  	[tilespmem:s7+$0x2070] =	vst v0  }
0x47: {  	[tilespmem:s7+$0x2000] =	vst v0  }
0x48: {  	[tilespmem:s7+$0x2010] =	vst v0  }
0x49: {  	[tilespmem:s7+$0x2020] =	vst v0  }
0x4a: {  	[tilespmem:s7+$0x2030] =	vst v0  }
0x4b: {  	[tilespmem:s7+$0x2040] =	vst v0  }
0x4c: {  	[tilespmem:s7+$0x2050] =	vst v0  }
0x4d: {  	[tilespmem:s7+$0x2060] =	vst v0  }
0x4e: {  	[spmem:s5] =	stream.linear.scatter [tilespmem:s20], [sflag:$0x5], $0x4000, $0x38;
	[tilespmem:$0x1E000] =	vst v63  }
0x4f: {  	_ =	swait.ge [sflag:s21], $0x4000  }
0x50: {  	[sflag:s21] =	ssyncset.done $0x0  }
0x51: {  	s9 =	rddreg [dreg:$0x8];
	[sflag:s21] =	ssyncadd.s32 $0xFFFFC000  }
0x52: {  	[spmem:s9] =	stream.linear.scatter [tilespmem:s20], [sflag:$0x5], $0x4000, $0x38;
	[tilespmem:$0x1E000] =	vst v63  }
0x53: {  	_ =	swait.ge [sflag:s21], $0x4000  }
0x54: {  	[sflag:s21] =	ssyncset.done $0x0  }
0x55: {  	s12 =	rddreg [dreg:$0x9];
	[sflag:s21] =	ssyncadd.s32 $0xFFFFC000  }
0x56: {  	[spmem:s12] =	stream.linear.scatter [tilespmem:s20], [sflag:$0x5], $0x4000, $0x38;
	[tilespmem:$0x1E000] =	vst v63  }
0x57: {  	_ =	swait.ge [sflag:s21], $0x4000  }
0x58: {  	[sflag:s21] =	ssyncset.done $0x0  }
0x59: {  	s13 =	rddreg [dreg:$0xa];
	[sflag:s21] =	ssyncadd.s32 $0xFFFFC000  }
0x5a: {  	[spmem:s13] =	stream.linear.scatter [tilespmem:s20], [sflag:$0x5], $0x4000, $0x38;
	[tilespmem:$0x1E000] =	vst v63  }
0x5b: {  	_ =	swait.ge [sflag:s21], $0x4000  }
0x5c: {  	[sflag:s21] =	ssyncset.done $0x0  }
0x5d: {  	s14 =	rddreg [dreg:$0xb];
	[sflag:s21] =	ssyncadd.s32 $0xFFFFC000  }
0x5e: {  	[spmem:s14] =	stream.linear.scatter [tilespmem:s20], [sflag:$0x5], $0x4000, $0x38;
	[tilespmem:$0x1E000] =	vst v63  }
0x5f: {  	_ =	swait.ge [sflag:s21], $0x4000  }
0x60: {  	[sflag:s21] =	ssyncset.done $0x0  }
0x61: {  	s18 =	rddreg [dreg:$0x4];
	[sflag:s21] =	ssyncadd.s32 $0xFFFFC000  }
0x62: {  	[tilespmem:s3], [sflag:$0x5] =	stream.linear.gather [hbm4b:s18+s3], $0x1000, $0x38;
	[tilespmem:$0x1E000] =	vst v63  }
0x63: {  	_ =	swait.ge [sflag:s21], $0x1000  }
0x64: {  	[sflag:s21] =	ssyncset.done $0x0  }
0x65: {  	s19 =	rddreg [dreg:$0x5];
	[sflag:s21] =	ssyncadd.s32 $0xFFFFF000  }
0x66: {  	[tilespmem:s26], [sflag:$0x5] =	stream.linear.gather [hbm4b:s19+s3], $0x1000, $0x38;
	[tilespmem:$0x1E000] =	vst v63  }
0x67: {  	_ =	swait.ge [sflag:s21], $0x1000  }
0x68: {  	[sflag:s21] =	ssyncset.done $0x0  }
0x69: {  	[sflag:s21] =	ssyncadd.s32 $0xFFFFF000  }
0x6a: {  	[tilespmem:s20], [sflag:$0x1] =	stream.indirect.gather [hbm4b:s4+s28], $0x80, s3, s28, $0xb8;
	[tilespmem:$0x1E000] =	vst v63  }
0x6b: {  	s7 =	simm.s32 $0x1;
	[bflag:$0x0] =	sbarrier.arrive $0xFFFF  }
0x6c: {  	_ =	swait.ge [sflag:s7], $0x4000  }
0x6d: {  	[sflag:s7] =	ssyncset.done $0x0  }
0x6e: {  	[sflag:s7] =	ssyncadd.s32 $0xFFFFC000  }
0x6f: {  	[tilespmem:s29], [sflag:$0x2] =	stream.indirect.gather [hbm4b:s4+s28], $0x80, s28, s28, $0xb8;
	[tilespmem:$0x1E000] =	vst v63  }
0x70: {  	_ = 	snop  }
0x71: {  	[spmem:s1] =	stream.indirect.scatter.add.f32 [tilespmem:s20], [sflag:$0x3], $0x80, s26, s28, $0xb8;
	[tilespmem:$0x1E000] =	vst v63  }
0x72: {  	_ =	swait.ge [sflag:s30], $0x4000  }
0x73: {  	[sflag:s30] =	ssyncset.done $0x0  }
0x74: {  	[sflag:s30] =	ssyncadd.s32 $0xFFFFC000  }
0x75: {  	_ =	swait.ge [sflag:s31], $0x4000  }
0x76: {  	[sflag:s31] =	ssyncset.done $0x0  }
0x77: {  	s8 =	simm.s32 $0x100;
	[sflag:s31] =	ssyncadd.s32 $0xFFFFC000  }
0x78: {  	[tilespmem:s20], [sflag:$0x1] =	stream.indirect.gather [hbm4b:s4+s28], $0x80, s8, s28, $0xb8;
	[tilespmem:$0x1E000] =	vst v63  }
0x79: {  	s9 =	simm.s32 $0x1080  }
0x7a: {  	[spmem:s1] =	stream.indirect.scatter.add.f32 [tilespmem:s29], [sflag:$0x4], $0x80, s9, s28, $0xb8;
	[tilespmem:$0x1E000] =	vst v63  }
0x7b: {  	s18 =	smov.u32 s11;
	s19 =	smov.u32 s10;
	s9 =	simm.s32 $0x800  }
.LBB2_4:
0x7c: {  	_ =	swait.ge [sflag:s2], $0x4000  }
0x7d: {  	[sflag:s2] =	ssyncset.done $0x0  }
0x7e: {  	s12 =	sand.u32 $0x27, s7;
	[sflag:s2] =	ssyncadd.s32 $0xFFFFC000  }
0x7f: {  	p0 =	sne.s32 s12, $0x0;
	_ =	swait.ge [sflag:s0], $0x4000  }
0x80: {  	s12 =	sxor.u32 @!p0 $0xFFFFFFFF, s8;
	s13 =	simm.s32 @!p0 $0x0;
	[sflag:s0] =	ssyncset.done $0x0  }
0x81: {  	s14 =	simm.s32 @!p0 $0x5;
	s12 =	sand.u32 @!p0 $0x800, s12;
	[sflag:s0] =	ssyncadd.s32 $0xFFFFC000  }
0x82: {  	[tilespmem:s12], [sflag:$0x5] =	stream.linear.gather @!p0 [hbm4b:s19+s13], $0x800, $0x38;
	[tilespmem:$0x1E000] =	vst v63  }
0x83: {  	_ =	swait.ge @!p0 [sflag:s14], $0x800  }
0x84: {  	[sflag:s14] =	ssyncset.done @!p0 $0x0  }
0x85: {  	s12 =	sor.u32 @!p0 $0x1000, s12;
	[sflag:s14] =	ssyncadd.s32 @!p0 $0xFFFFF800  }
0x86: {  	[tilespmem:s12], [sflag:$0x5] =	stream.linear.gather @!p0 [hbm4b:s18+s13], $0x800, $0x38;
	[tilespmem:$0x1E000] =	vst v63  }
0x87: {  	s13 =	sadd.s32 $0xFFFFFC00, s9  }
0x88: {  	_ =	swait.ge @!p0 [sflag:s14], $0x800;
	s12 =	sand.u32 $0x3C00, s13  }
0x89: {  	[sflag:s14] =	ssyncset.done @!p0 $0x0;
	s13 =	sor.u32 $0x200, s12  }
0x8a: {  	s12 =	sshrl.u32 s12, $0x2;
	[sflag:s14] =	ssyncadd.s32 @!p0 $0xFFFFF800;
	s13 =	sshrl.u32 s13, $0x2  }
0x8b: {  	[tilespmem:s29], [sflag:$0x2] =	stream.indirect.gather [hbm4b:s4+s28], $0x80, s13, s28, $0xb8;
	[tilespmem:$0x1E000] =	vst v63  }
0x8c: {  	s12 =	sor.u32 $0x1000, s12  }
0x8d: {  	[spmem:s1] =	stream.indirect.scatter.add.f32 [tilespmem:s20], [sflag:$0x3], $0x80, s12, s28, $0xb8;
	[tilespmem:$0x1E000] =	vst v63  }
0x8e: {  	p0 =	seq.s32 s9, $0xA000;
	_ =	swait.ge [sflag:s30], $0x4000  }
.Ltmp3:
0x8f: {  	[sflag:s30] =	ssyncset.done $0x0;
	(pc) =	sbr.rel @p0 .LBB2_6-.Ltmp3, $4  }
0x90: {  	[sflag:s30] =	ssyncadd.s32 $0xFFFFC000  }
0x91: {  	_ =	swait.ge [sflag:s31], $0x4000  }
0x92: {  	[sflag:s31] =	ssyncset.done $0x0  }
0x93: {  	s12 =	sor.u32 $0x1000, s13;
	[sflag:s31] =	ssyncadd.s32 $0xFFFFC000  }
.Ltmp4:
0x94: {  	s13 =	sand.u32 $0x3C00, s9;
	(pc) =	sbr.rel .LBB2_4-.Ltmp4, $4  }
0x95: {  	s7 =	sadd.s32 $0x1, s7;
	s18 =	sadd.s32 $0x20, s18;
	s13 =	sshrl.u32 s13, $0x2  }
0x96: {  	[tilespmem:s20], [sflag:$0x1] =	stream.indirect.gather [hbm4b:s4+s28], $0x80, s13, s28, $0xb8;
	[tilespmem:$0x1E000] =	vst v63  }
0x97: {  	s19 =	sadd.s32 $0x20, s19;
	s8 =	sadd.s32 $0x100, s8;
	s9 =	sadd.s32 $0x400, s9  }
0x98: {  	[spmem:s1] =	stream.indirect.scatter.add.f32 [tilespmem:s29], [sflag:$0x4], $0x80, s12, s28, $0xb8;
	[tilespmem:$0x1E000] =	vst v63  }
.LBB2_7:
0x99: {  	_ =	sfence.sel $0x180000  }
0x9a: {  	[bflag:$0x0] =	sbarrier.arrive $0xFFFF  }
0x9b: {  	_ =	strace $0x9000004D  }
0x9c: {  	s0 =	stileid.u32;
	[bflag:$0x2] =	sbarrier.arrive $0xFFFF  }
0x9d: {  	p0 =	sne.s32 s0, $0x0;
	s0 =	rddreg [dreg:$0x3]  }
0x9e: {  	s0 =	sadd.s32 @!p0 $0x100000, s0  }
0x9f: {  	[sflag:s0] =	ssyncadd.tile.s32 @!p0 $0x1;
	_ =	shalt  }
.Lfunc_end2:
_tile_overlayer_lowered:
.L_overlay_start_2:
0xa0: {  	(tag) =	ssettag $0x2  }
0xa1: {  	s0 =	rddreg [dreg:$0x0];
	s2 =	stileid.u32  }
0xa2: {  	s1 =	rddreg [dreg:$0x1];
	p0 =	sne.s32 s2, $0x0  }
0xa3: {  	s3 =	rddreg [dreg:$0x2];
	[bflag:$0x3] =	sbarrier.arrive $0xFFFF;
	s2 =	simm.s32 @!p0 $0x1C05  }
0xa4: {  	[timem:s3], [sflag:s2] =	dma.local @!p0 [hbm:s0], s1  }
0xa5: {  	s0 =	simm.s32 @!p0 $0x5  }
0xa6: {  	_ =	swait.ge @!p0 [sflag:s0], s1  }
0xa7: {  	s1 =	ssub.s32 @!p0 $0x0, s1;
	[sflag:s0] =	ssyncset.done @!p0 $0x0  }
0xa8: {  	[sflag:s0] =	ssyncadd.s32 @!p0 s1  }
0xa9: {  	[bflag:$0x3] =	sbarrier.arrive $0xFFFF  }
0xaa: {  	_ =	shalt  }

// kernel: kernel.19.cloned.1.call-start
scs
__scs_entry_jumppad:
0x0: {  	(pc) =	sbr.rel $0x88, $3  }
0x1: {  	(tag) =	ssettag $0x0;
	lr =	simm.s32 $0x1  }
0x2: {  	[smem:$0x3F99] =	sst lr;
	_ =	strace $0xD0000000  }
0x3: {  	_ = 	snop  }
0x4: {  	_ = 	snop  }
0x5: {  	_ = 	snop  }
0x6: {  	_ = 	snop  }
0x7: {  	_ = 	snop  }
__scs_overlays_trampoline_lowered:
0x8: {  	[smem:$0x3FA8] =	sst s0  }
0x9: {  	[smem:$0x3FA9] =	sst s1  }
0xa: {  	[smem:$0x3FAA] =	sst s2  }
0xb: {  	[smem:$0x3FAB] =	sst s3  }
0xc: {  	[smem:$0x3FAC] =	sst s4  }
0xd: {  	[smem:$0x3FAD] =	sst s5  }
0xe: {  	[smem:$0x3FAE] =	sst s6  }
0xf: {  	[smem:$0x3FAF] =	sst s7  }
0x10: {  	[smem:$0x3FB0] =	sst s8  }
0x11: {  	[smem:$0x3FB1] =	sst s9;
	s0 =	simm.s32 @!p0 $0x0  }
0x12: {  	s1 =	sld [smem:$0x3F97];
	s0 =	simm.s32 @p0 $0x1  }
0x13: {  	[smem:$0x3FB2] =	sst s0;
	s0 =	simm.s32 @!p1 $0x0  }
0x14: {  	s2 =	sld [smem:$0x3F96];
	s0 =	simm.s32 @p1 $0x1  }
0x15: {  	[smem:$0x3FB3] =	sst s0;
	s0 =	simm.s32 @!p2 $0x0  }
0x16: {  	s3 =	sld [smem:$0x3FDB];
	s0 =	simm.s32 @p2 $0x1  }
0x17: {  	s4 =	simm.s32 $0x1BF5;
	[smem:$0x3FB5] =	sst s0  }
0x18: {  	s0 =	sld [smem:$0x3F98];
	_ =	swait.ge [sflag:s4], $0x0  }
0x19: {  	s7 =	sld [smem:$0x3F99]  }
0x1a: {  	s8 =	sadd.s32 $0xFFFFE003, lr  }
0x1b: {  	s9 =	sadd.s32 $0xFFFFFEF7, lr;
	s5 =	simm.s32 $0xFFFFFFFF;
	p2 =	slt.u32 s8, $0xFFFFF086  }
0x1c: {  	p1 =	slt.u32 s9, $0xF7A;
	s5 =	simm.s32 @!p2 $0x0  }
0x1d: {  	s5 =	simm.s32 @p1 $0x1;
	p0 =	seq.s32 s7, s2  }
0x1e: {  	s7 =	smul.u32 @!p0 $0xF7A, s2;
	p2 =	seq.s32 @!p0 s5, $0x0  }
0x1f: {  	s9 =	smul.u32 $0xF7A, s1;
	s8 =	simm.s32 @!p0 $0x1BF5;
	p2 =	por !p2, p0  }
0x20: {  	[sflag:s8] =	ssyncset.s32 @!p0 $0xFFFFF086;
	s6 =	sadd.s32 @!p0 s3, s7;
	s7 =	simm.s32 @!p0 $0x108  }
0x21: {  	s3 =	sadd.s32 s3, s9;
	s6 =	sadd.s32 @!p0 $0x88, s6;
	s7 =	simm.s32 @p2 $0x1082  }
0x22: {  	[simem:s7], [sflag:s8] =	dma.local @!p0 [hbm:s6], $0xF7A  }
0x23: {  	s9 =	sor.u32 $0xD0000000, s2;
	s6 =	simm.s32 $0x108;
	_ =	swait.ge @!p0 [sflag:s8], $0x0  }
0x24: {  	s3 =	sadd.s32 $0x88, s3;
	s6 =	simm.s32 @!p1 $0x1082;
	[sflag:s4] =	ssyncset.s32 $0xFFFFF086  }
0x25: {  	[simem:s6], [sflag:s4] =	dma.local [hbm:s3], $0xF7A  }
0x26: {  	[smem:$0x3F99] =	sst s1;
	(tag) =	ssettag s2;
	_ =	strace s9  }
0x27: {  	s1 =	sld [smem:$0x3FA9]  }
0x28: {  	s2 =	sld [smem:$0x3FAA]  }
0x29: {  	s4 =	sld [smem:$0x3FAC]  }
0x2a: {  	p0 =	seq.s32 s5, $0x0;
	s5 =	sld [smem:$0x3FAD]  }
0x2b: {  	s6 =	sld [smem:$0x3FAE]  }
0x2c: {  	s7 =	sld [smem:$0x3FAF]  }
0x2d: {  	s3 =	simm.s32 $0x108;
	s8 =	sld [smem:$0x3FB0]  }
0x2e: {  	s3 =	simm.s32 @!p0 $0x1082;
	s9 =	sld [smem:$0x3FB1]  }
0x2f: {  	lr =	sadd.s32 s0, s3;
	s0 =	sld [smem:$0x3FA8]  }
0x30: {  	s3 =	sld [smem:$0x3FAB]  }
0x31: {  	[smem:$0x3FB4] =	sst s10  }
0x32: {  	s10 =	sld [smem:$0x3FB2];
	_ =	sdelay $0x3  }
0x33: {  	p0 =	seq.s32 s10, $0x1;
	s10 =	sld [smem:$0x3FB4];
	_ =	sdelay $0x3  }
0x34: {  	[smem:$0x3FB4] =	sst s10  }
0x35: {  	s10 =	sld [smem:$0x3FB3];
	_ =	sdelay $0x3  }
0x36: {  	p1 =	seq.s32 s10, $0x1;
	s10 =	sld [smem:$0x3FB4];
	_ =	sdelay $0x3  }
0x37: {  	[smem:$0x3FB4] =	sst s10  }
0x38: {  	s10 =	sld [smem:$0x3FB5]  }
0x39: {  	_ = 	snop;
	(pc) =	sbr.ind lr, $3  }
0x3a: {  	_ = 	snop  }
0x3b: {  	_ = 	snop  }
0x3c: {  	p2 =	seq.s32 s10, $0x1;
	s10 =	sld [smem:$0x3FB4]  }
0x3d: {  	_ =	shalt  }
0x3e: {  	_ =	shalt  }
0x3f: {  	_ =	shalt  }
0x40: {  	_ =	shalt  }
0x41: {  	_ =	shalt  }
0x42: {  	_ =	shalt  }
0x43: {  	_ =	shalt  }
0x44: {  	_ =	shalt  }
0x45: {  	_ =	shalt  }
0x46: {  	_ =	shalt  }
0x47: {  	_ =	shalt  }
0x48: {  	_ =	shalt  }
0x49: {  	_ =	shalt  }
0x4a: {  	_ =	shalt  }
0x4b: {  	_ =	shalt  }
0x4c: {  	_ =	shalt  }
0x4d: {  	_ =	shalt  }
0x4e: {  	_ =	shalt  }
0x4f: {  	_ =	shalt  }
0x50: {  	_ =	shalt  }
0x51: {  	_ =	shalt  }
0x52: {  	_ =	shalt  }
0x53: {  	_ =	shalt  }
0x54: {  	_ =	shalt  }
0x55: {  	_ =	shalt  }
0x56: {  	_ =	shalt  }
0x57: {  	_ =	shalt  }
0x58: {  	_ =	shalt  }
0x59: {  	_ =	shalt  }
0x5a: {  	_ =	shalt  }
0x5b: {  	_ =	shalt  }
0x5c: {  	_ =	shalt  }
0x5d: {  	_ =	shalt  }
0x5e: {  	_ =	shalt  }
0x5f: {  	_ =	shalt  }
0x60: {  	_ =	shalt  }
0x61: {  	_ =	shalt  }
0x62: {  	_ =	shalt  }
0x63: {  	_ =	shalt  }
0x64: {  	_ =	shalt  }
0x65: {  	_ =	shalt  }
0x66: {  	_ =	shalt  }
0x67: {  	_ =	shalt  }
0x68: {  	_ =	shalt  }
0x69: {  	_ =	shalt  }
0x6a: {  	_ =	shalt  }
0x6b: {  	_ =	shalt  }
0x6c: {  	_ =	shalt  }
0x6d: {  	_ =	shalt  }
0x6e: {  	_ =	shalt  }
0x6f: {  	_ =	shalt  }
0x70: {  	_ =	shalt  }
0x71: {  	_ =	shalt  }
0x72: {  	_ =	shalt  }
0x73: {  	_ =	shalt  }
0x74: {  	_ =	shalt  }
0x75: {  	_ =	shalt  }
0x76: {  	_ =	shalt  }
0x77: {  	_ =	shalt  }
0x78: {  	_ =	shalt  }
0x79: {  	_ =	shalt  }
0x7a: {  	_ =	shalt  }
0x7b: {  	_ =	shalt  }
0x7c: {  	_ =	shalt  }
0x7d: {  	_ =	shalt  }
0x7e: {  	_ =	shalt  }
0x7f: {  	_ =	shalt  }
0x80: {  	_ =	shalt  }
0x81: {  	_ =	shalt  }
0x82: {  	_ =	shalt  }
0x83: {  	_ =	shalt  }
0x84: {  	_ =	shalt  }
0x85: {  	_ =	shalt  }
0x86: {  	_ =	shalt  }
0x87: {  	_ =	shalt  }
.Lfunc_end0:
.L_simem_size_0:
called_computation.3_lowered:
.L_overlay_start_0:
0x88: {  	s2 =	sld [smem:$0x3FD9]  }
0x89: {  	s3 =	sld [smem:$0x3FFE];
	_ =	sdelay $0x1  }
0x8a: {  	s1 =	srdreg.scid  }
0x8b: {  	s0 =	sand.u32 $0x1, s1  }
0x8c: {  	s17 =	sshll.u32 s0, $0xA;
	s2 =	sadd.s32 s3, s2  }
0x8d: {  	s2 =	sadd.s32 s2, s17  }
0x8e: {  	[smem:$0x3FC0] =	sst s2  }
0x8f: {  	_ = 	snop  }
0x90: {  	s2 =	sld [smem:$0x3FD0];
	(tm) =	ssettm $0x1  }
0x91: {  	s18 =	sld [smem:$0x3FFB];
	_ =	sdelay $0x3  }
0x92: {  	_ =	strace s18  }
0x93: {  	s3 =	sld [smem:$0x3FFC];
	_ =	sdelay $0x3  }
0x94: {  	_ =	strace s3  }
0x95: {  	s3 =	sld [smem:$0x3FFD];
	_ =	sdelay $0x3  }
0x96: {  	_ =	strace s3  }
0x97: {  	_ =	strace $0x8FFFFFFF  }
0x98: {  	s19 =	sld [smem:$0x3FDB];
	_ =	sdelay $0x1  }
0x99: {  	s4 =	simm.s32 $_scs_section_size  }
0x9a: {  	s5 =	simm.s32 $_size__tile_overlayer_lowered;
	s6 =	simm.s32 $_tile_overlayer_lowered  }
0x9b: {  	s22 =	simm.s32 $0x1BFF;
	s21 =	sshll.u32 s6, $0x1;
	s3 =	sadd.s32 s4, s19  }
0x9c: {  	s7 =	simm.s32 $0x0;
	s20 =	sshll.u32 s5, $0x1;
	s5 =	sadd.s32 s21, s3  }
0x9d: {  	[timem:s7], [sflag:s22] =	dma.local [hbm:s5], s20  }
0x9e: {  	_ =	swait.ge [sflag:s22], s20  }
0x9f: {  	s4 =	ssub.s32 $0x0, s20;
	[sflag:s22] =	ssyncset.done $0x0  }
0xa0: {  	[sflag:s22] =	ssyncadd.s32 s4;
	_ =	sdelay $0x1  }
0xa1: {  	s23 =	simm.s32 $0x1B8B  }
0xa2: {  	_ =	swait.ge [sflag:s23], $0x1  }
0xa3: {  	[sflag:s23] =	ssyncset.done $0x0  }
0xa4: {  	s25 =	simm.s32 $0x1B8E;
	s24 =	sld [smem:$0x3FFE];
	[sflag:s23] =	ssyncadd.s32 $0xFFFFFFFF  }
0xa5: {  	s26 =	simm.s32 $execute0_lowered;
	[smem:$0x3FD2] =	sst s25  }
0xa6: {  	s5 =	sshll.u32 s26, $0x1;
	_ =	strace $0x8000004F;
	[dreg:$0x1] =	wrdreg $0xFFFFFFFF  }
0xa7: {  	s28 =	simm.s32 $_size_execute0_lowered;
	s3 =	sadd.s32 s3, s5;
	[dreg:$0x0] =	wrdreg $0x0  }
0xa8: {  	s5 =	sshll.u32 s28, $0x1;
	[dreg:$0x2] =	wrdreg s3  }
0xa9: {  	[dreg:$0x3] =	wrdreg s5  }
0xaa: {  	[dreg:$0x4] =	wrdreg $0xC0  }
0xab: {  	_ =	task [dreg:s7], $0x5FFFF  }
0xac: {  	[dreg:$0x1] =	wrdreg $0xFFFFFFFF  }
0xad: {  	[dreg:$0x0] =	wrdreg $0x60  }
0xae: {  	[dreg:$0x2] =	wrdreg s24  }
0xaf: {  	[dreg:$0x3] =	wrdreg s2  }
0xb0: {  	[dreg:$0x4] =	wrdreg $0xA0000  }
0xb1: {  	[dreg:$0x5] =	wrdreg $0x9  }
0xb2: {  	_ =	task.clear_ibuf [dreg:s7], $0x6FFFF;
	_ =	strace $0x9000004F  }
0xb3: {  	s29 =	simm.s32 $0x9;
	_ =	strace $0x80000051  }
0xb4: {  	_ =	swait.ge [sflag:s29], $0x1  }
0xb5: {  	[sflag:s29] =	ssyncadd.s32 $0xFFFFFFFF  }
0xb6: {  	_ =	strace $0x90000051  }
0xb7: {  	_ =	sfence  }
0xb8: {  	s30 =	sld [smem:$0x0];
	_ =	sdelay $0x2  }
0xb9: {  	s31 =	sshll.u32 s1, $0xD;
	s1 =	sshrl.u32 s1, $0x2  }
0xba: {  	s3 =	sand.u32 $0x4000, s31;
	s1 =	sadd.s32 s1, s30  }
0xbb: {  	s0 =	sor.u32 s3, s0;
	s1 =	sshll.u32 s1, $0x11  }
0xbc: {  	s0 =	sor.u32 s1, s0  }
0xbd: {  	s0 =	sadd.s32 $0x8F2B, s0  }
0xbe: {  	[sflag:s0] =	ssyncadd.remote.s32 $0x1  }
0xbf: {  	_ =	sfence.sel $0xFFFF  }
0xc0: {  	[dreg:$0x0] =	wrdreg $0xFFFFFFFF;
	(pc) =	sbr.abs _section_cstart, $3  }
0xc1: {  	[dreg:$0x1] =	wrdreg $0xFFFFFFFF  }
0xc2: {  	_ =	task.clear_ibuf [dreg:s7], $0x2FFFF;
	_ =	strace $0x9FFFFFFF  }
0xc3: {  	(tm) =	ssettm $0x7FFFFFFF  }
tec
execute0_lowered:
.L_overlay_start_1:
0x0: {  	(tag) =	ssettag $0x1  }
0x1: {  	s0 =	rddreg [dreg:$0x0]  }
0x2: {  	s2 =	rddreg [dreg:$0x1]  }
0x3: {  	s1 =	rddreg [dreg:$0x2];
	s3 =	simm.s32 $0x0  }
0x4: {  	s4 =	srdreg.scid;
	s16 =	stileid.u32;
	s20 =	simm.s32 $0x2000  }
0x5: {  	s28 =	simm.s32 $0x80;
	s29 =	simm.s32 $0x6000;
	s30 =	simm.s32 $0x2  }
0x6: {  	s31 =	simm.s32 $0x3;
	[smem:$0x7FF] =	sst s3;
	s5 =	smul.u32 $0x50000, s16  }
0x7: {  	s6 =	sand.u32 $0x1, s4;
	s4 =	sadd.s32 $0xD600, s0;
	s11 =	smul.u32 $0x14000, s16  }
0x8: {  	s7 =	sadd.s32 $0x3600, s0;
	s10 =	sshll.u32 s16, $0x1;
	s16 =	smul.u32 $0xA00, s16  }
0x9: {  	s0 =	sadd.s32 $0x35600, s0;
	s8 =	smul.u32 $0x140000, s6;
	s10 =	sor.u32 s6, s10  }
0xa: {  	_ =	strace $0x80000050;
	s9 =	ssub.s32 $0x2, s6;
	s10 =	smul.u32 $0x500, s10  }
0xb: {  	s6 =	smul.u32 $0x500, s6;
	s12 =	sshrl.u32 s9, $0x1;
	s5 =	sshrl.u32 s5, $0x2  }
0xc: {  	s13 =	sadd.s32 s8, s11;
	s9 =	ssub.s32 s9, s12;
	s22 =	sadd.s32 s2, s10  }
0xd: {  	s5 =	sadd.s32 s5, s1;
	s10 =	sadd.s32 s7, s10;
	[dreg:$0x4] =	wrdreg s22  }
0xe: {  	s21 =	sshrl.u32 s13, $0x3;
	s9 =	smax.u32 s9, $0x1;
	[dreg:$0x5] =	wrdreg s10  }
0xf: {  	s24 =	sadd.s32 $0x4000, s5;
	s25 =	sadd.s32 $0x8000, s5;
	[dreg:$0x7] =	wrdreg s9  }
0x10: {  	s26 =	sadd.s32 $0xC000, s5;
	s13 =	sadd.s32 $0x8000, s11;
	[dreg:$0x8] =	wrdreg s24  }
0x11: {  	s17 =	sadd.s32 $0x10000, s5;
	s7 =	sadd.s32 s16, s7;
	[dreg:$0x9] =	wrdreg s25  }
0x12: {  	s2 =	sadd.s32 s16, s2;
	s23 =	sadd.s32 s0, s21;
	[dreg:$0xa] =	wrdreg s26  }
0x13: {  	s10 =	sadd.s32 $0x4000, s11;
	[dreg:$0xb] =	wrdreg s17;
	s14 =	sadd.s32 s8, s13  }
0x14: {  	s19 =	sadd.s32 s13, s1;
	s25 =	sadd.s32 s6, s7;
	s2 =	sadd.s32 s6, s2  }
0x15: {  	s21 =	simm.s32 $0x5;
	s6 =	simm.s32 $0x0;
	[dreg:$0x6] =	wrdreg s23  }
0x16: {  	s18 =	sadd.s32 s8, s10;
	s15 =	sshrl.u32 s14, $0x3;
	s9 =	sadd.s32 s10, s1  }
0x17: {  	s23 =	sadd.s32 $0xC000, s11;
	s11 =	sadd.s32 $0x10000, s11;
	s10 =	sadd.s32 $0x120, s2  }
0x18: {  	s2 =	simm.s32 $0x1;
	s12 =	sshrl.u32 s18, $0x3;
	s15 =	sadd.s32 s0, s15  }
0x19: {  	s24 =	sadd.s32 s8, s23;
	s8 =	sadd.s32 s8, s11;
	s18 =	sadd.s32 s23, s1  }
.Ltmp0:
0x1a: {  	s26 =	sadd.s32 s11, s1;
	s11 =	sadd.s32 $0x120, s25;
	(pc) =	sbr.rel .LBB2_1-.Ltmp0, $4  }
0x1b: {  	s22 =	sshrl.u32 s9, $0x3;
	s23 =	sshrl.u32 s19, $0x3;
	s12 =	sadd.s32 s0, s12  }
0x1c: {  	s16 =	sshrl.u32 s24, $0x3;
	s8 =	sshrl.u32 s8, $0x3;
	s24 =	sshrl.u32 s18, $0x3  }
0x1d: {  	s25 =	sshrl.u32 s26, $0x3;
	s26 =	simm.s32 $0x1000;
	[dreg:$0xc] =	wrdreg s12  }
0x1e: {  	v0 =	vimm.f32 $0.0e+00;
	s16 =	sadd.s32 s0, s16;
	s17 =	sadd.s32 s0, s8;
	s0 =	simm.s32 $0x4  }
.LBB2_6:
0x1f: {  	[spmem:s1] =	stream.indirect.scatter.add.f32 [tilespmem:s29], [sflag:$0x4], $0x80, s12, s28, $0xb8;
	[tilespmem:$0x1E000] =	vst v63  }
0x20: {  	_ =	swait.ge [sflag:s0], $0x4000  }
0x21: {  	[sflag:s0] =	ssyncset.done $0x0  }
0x22: {  	s7 =	stileid.u32;
	[sflag:s0] =	ssyncadd.s32 $0xFFFFC000  }
0x23: {  	s7 =	sshll.u32 s7, $0x6;
	[bflag:$0x0] =	sbarrier.arrive $0xFFFF  }
0x24: {  	s8 =	sshrl.u32 s5, $0x3;
	s7 =	sor.u32 $0x1C05, s7;
	s9 =	rddreg [dreg:$0x6]  }
0x25: {  	[hbm:s9], [sflag:s7] =	dma.local [spmem:s8], $0x800  }
0x26: {  	_ =	swait.ge [sflag:s21], $0x800  }
0x27: {  	[sflag:s21] =	ssyncset.done $0x0  }
0x28: {  	s18 =	rddreg [dreg:$0xc];
	[sflag:s21] =	ssyncadd.s32 $0xFFFFF800  }
0x29: {  	[hbm:s18], [sflag:s7] =	dma.local [spmem:s22], $0x800  }
0x2a: {  	_ =	swait.ge [sflag:s21], $0x800  }
0x2b: {  	[sflag:s21] =	ssyncset.done $0x0  }
0x2c: {  	[sflag:s21] =	ssyncadd.s32 $0xFFFFF800  }
0x2d: {  	[hbm:s15], [sflag:s7] =	dma.local [spmem:s23], $0x800  }
0x2e: {  	_ =	swait.ge [sflag:s21], $0x800  }
0x2f: {  	[sflag:s21] =	ssyncset.done $0x0  }
0x30: {  	[sflag:s21] =	ssyncadd.s32 $0xFFFFF800  }
0x31: {  	[hbm:s16], [sflag:s7] =	dma.local [spmem:s24], $0x800  }
0x32: {  	_ =	swait.ge [sflag:s21], $0x800  }
0x33: {  	[sflag:s21] =	ssyncset.done $0x0  }
0x34: {  	[sflag:s21] =	ssyncadd.s32 $0xFFFFF800  }
0x35: {  	[hbm:s17], [sflag:s7] =	dma.local [spmem:s25], $0x800  }
0x36: {  	_ =	swait.ge [sflag:s21], $0x800  }
0x37: {  	s6 =	sadd.s32 $0x1, s6;
	s19 =	rddreg [dreg:$0x7]  }
0x38: {  	p0 =	sne.s32 s6, s19  }
.Ltmp1:
0x39: {  	_ = 	snop;
	(pc) =	sbr.rel @!p0 .LBB2_7-.Ltmp1, $3  }
0x3a: {  	_ =	sdelay $0x1  }
0x3b: {  	[sflag:s21] =	ssyncset.done $0x0  }
0x3c: {  	[sflag:s21] =	ssyncadd.s32 $0xFFFFF800  }
.LBB2_1:
0x3d: {  	s7 =	simm.s32 $0x0;
	s8 =	simm.s32 $0x200  }
.LBB2_2:
0x3e: {  	p0 =	sne.s32 s8, $0xFE00;
	[tilespmem:s7+$0x2070] =	vst v0  }
0x3f: {  	[tilespmem:s7+$0x2000] =	vst v0  }
0x40: {  	[tilespmem:s7+$0x2010] =	vst v0  }
.Ltmp2:
0x41: {  	[tilespmem:s7+$0x2020] =	vst v0;
	(pc) =	sbr.rel @p0 .LBB2_2-.Ltmp2, $4  }
0x42: {  	[tilespmem:s7+$0x2030] =	vst v0  }
0x43: {  	[tilespmem:s7+$0x2040] =	vst v0  }
0x44: {  	[tilespmem:s7+$0x2050] =	vst v0  }
0x45: {  	[tilespmem:s7+$0x2060] =	vst v0;
	s7 =	sshra.s32 s8, $0x2;
	s8 =	sadd.s32 $0x200, s8  }
0x46: {  	[tilespmem:s7+$0x2070] =	vst v0  }
0x47: {  	[tilespmem:s7+$0x2000] =	vst v0  }
0x48: {  	[tilespmem:s7+$0x2010] =	vst v0  }
0x49: {  	[tilespmem:s7+$0x2020] =	vst v0  }
0x4a: {  	[tilespmem:s7+$0x2030] =	vst v0  }
0x4b: {  	[tilespmem:s7+$0x2040] =	vst v0  }
0x4c: {  	[tilespmem:s7+$0x2050] =	vst v0  }
0x4d: {  	[tilespmem:s7+$0x2060] =	vst v0  }
0x4e: {  	[spmem:s5] =	stream.linear.scatter [tilespmem:s20], [sflag:$0x5], $0x4000, $0x38;
	[tilespmem:$0x1E000] =	vst v63  }
0x4f: {  	_ =	swait.ge [sflag:s21], $0x4000  }
0x50: {  	[sflag:s21] =	ssyncset.done $0x0  }
0x51: {  	s9 =	rddreg [dreg:$0x8];
	[sflag:s21] =	ssyncadd.s32 $0xFFFFC000  }
0x52: {  	[spmem:s9] =	stream.linear.scatter [tilespmem:s20], [sflag:$0x5], $0x4000, $0x38;
	[tilespmem:$0x1E000] =	vst v63  }
0x53: {  	_ =	swait.ge [sflag:s21], $0x4000  }
0x54: {  	[sflag:s21] =	ssyncset.done $0x0  }
0x55: {  	s12 =	rddreg [dreg:$0x9];
	[sflag:s21] =	ssyncadd.s32 $0xFFFFC000  }
0x56: {  	[spmem:s12] =	stream.linear.scatter [tilespmem:s20], [sflag:$0x5], $0x4000, $0x38;
	[tilespmem:$0x1E000] =	vst v63  }
0x57: {  	_ =	swait.ge [sflag:s21], $0x4000  }
0x58: {  	[sflag:s21] =	ssyncset.done $0x0  }
0x59: {  	s13 =	rddreg [dreg:$0xa];
	[sflag:s21] =	ssyncadd.s32 $0xFFFFC000  }
0x5a: {  	[spmem:s13] =	stream.linear.scatter [tilespmem:s20], [sflag:$0x5], $0x4000, $0x38;
	[tilespmem:$0x1E000] =	vst v63  }
0x5b: {  	_ =	swait.ge [sflag:s21], $0x4000  }
0x5c: {  	[sflag:s21] =	ssyncset.done $0x0  }
0x5d: {  	s14 =	rddreg [dreg:$0xb];
	[sflag:s21] =	ssyncadd.s32 $0xFFFFC000  }
0x5e: {  	[spmem:s14] =	stream.linear.scatter [tilespmem:s20], [sflag:$0x5], $0x4000, $0x38;
	[tilespmem:$0x1E000] =	vst v63  }
0x5f: {  	_ =	swait.ge [sflag:s21], $0x4000  }
0x60: {  	[sflag:s21] =	ssyncset.done $0x0  }
0x61: {  	s18 =	rddreg [dreg:$0x4];
	[sflag:s21] =	ssyncadd.s32 $0xFFFFC000  }
0x62: {  	[tilespmem:s3], [sflag:$0x5] =	stream.linear.gather [hbm4b:s18+s3], $0x1000, $0x38;
	[tilespmem:$0x1E000] =	vst v63  }
0x63: {  	_ =	swait.ge [sflag:s21], $0x1000  }
0x64: {  	[sflag:s21] =	ssyncset.done $0x0  }
0x65: {  	s19 =	rddreg [dreg:$0x5];
	[sflag:s21] =	ssyncadd.s32 $0xFFFFF000  }
0x66: {  	[tilespmem:s26], [sflag:$0x5] =	stream.linear.gather [hbm4b:s19+s3], $0x1000, $0x38;
	[tilespmem:$0x1E000] =	vst v63  }
0x67: {  	_ =	swait.ge [sflag:s21], $0x1000  }
0x68: {  	[sflag:s21] =	ssyncset.done $0x0  }
0x69: {  	[sflag:s21] =	ssyncadd.s32 $0xFFFFF000  }
0x6a: {  	[tilespmem:s20], [sflag:$0x1] =	stream.indirect.gather [hbm4b:s4+s28], $0x80, s3, s28, $0xb8;
	[tilespmem:$0x1E000] =	vst v63  }
0x6b: {  	s7 =	simm.s32 $0x1;
	[bflag:$0x0] =	sbarrier.arrive $0xFFFF  }
0x6c: {  	_ =	swait.ge [sflag:s7], $0x4000  }
0x6d: {  	[sflag:s7] =	ssyncset.done $0x0  }
0x6e: {  	[sflag:s7] =	ssyncadd.s32 $0xFFFFC000  }
0x6f: {  	[tilespmem:s29], [sflag:$0x2] =	stream.indirect.gather [hbm4b:s4+s28], $0x80, s28, s28, $0xb8;
	[tilespmem:$0x1E000] =	vst v63  }
0x70: {  	_ = 	snop  }
0x71: {  	[spmem:s1] =	stream.indirect.scatter.add.f32 [tilespmem:s20], [sflag:$0x3], $0x80, s26, s28, $0xb8;
	[tilespmem:$0x1E000] =	vst v63  }
0x72: {  	_ =	swait.ge [sflag:s30], $0x4000  }
0x73: {  	[sflag:s30] =	ssyncset.done $0x0  }
0x74: {  	[sflag:s30] =	ssyncadd.s32 $0xFFFFC000  }
0x75: {  	_ =	swait.ge [sflag:s31], $0x4000  }
0x76: {  	[sflag:s31] =	ssyncset.done $0x0  }
0x77: {  	s8 =	simm.s32 $0x100;
	[sflag:s31] =	ssyncadd.s32 $0xFFFFC000  }
0x78: {  	[tilespmem:s20], [sflag:$0x1] =	stream.indirect.gather [hbm4b:s4+s28], $0x80, s8, s28, $0xb8;
	[tilespmem:$0x1E000] =	vst v63  }
0x79: {  	s9 =	simm.s32 $0x1080  }
0x7a: {  	[spmem:s1] =	stream.indirect.scatter.add.f32 [tilespmem:s29], [sflag:$0x4], $0x80, s9, s28, $0xb8;
	[tilespmem:$0x1E000] =	vst v63  }
0x7b: {  	s18 =	smov.u32 s11;
	s19 =	smov.u32 s10;
	s9 =	simm.s32 $0x800  }
.LBB2_4:
0x7c: {  	_ =	swait.ge [sflag:s2], $0x4000  }
0x7d: {  	[sflag:s2] =	ssyncset.done $0x0  }
0x7e: {  	s12 =	sand.u32 $0x27, s7;
	[sflag:s2] =	ssyncadd.s32 $0xFFFFC000  }
0x7f: {  	p0 =	sne.s32 s12, $0x0;
	_ =	swait.ge [sflag:s0], $0x4000  }
0x80: {  	s12 =	sxor.u32 @!p0 $0xFFFFFFFF, s8;
	s13 =	simm.s32 @!p0 $0x0;
	[sflag:s0] =	ssyncset.done $0x0  }
0x81: {  	s14 =	simm.s32 @!p0 $0x5;
	s12 =	sand.u32 @!p0 $0x800, s12;
	[sflag:s0] =	ssyncadd.s32 $0xFFFFC000  }
0x82: {  	[tilespmem:s12], [sflag:$0x5] =	stream.linear.gather @!p0 [hbm4b:s19+s13], $0x800, $0x38;
	[tilespmem:$0x1E000] =	vst v63  }
0x83: {  	_ =	swait.ge @!p0 [sflag:s14], $0x800  }
0x84: {  	[sflag:s14] =	ssyncset.done @!p0 $0x0  }
0x85: {  	s12 =	sor.u32 @!p0 $0x1000, s12;
	[sflag:s14] =	ssyncadd.s32 @!p0 $0xFFFFF800  }
0x86: {  	[tilespmem:s12], [sflag:$0x5] =	stream.linear.gather @!p0 [hbm4b:s18+s13], $0x800, $0x38;
	[tilespmem:$0x1E000] =	vst v63  }
0x87: {  	s13 =	sadd.s32 $0xFFFFFC00, s9  }
0x88: {  	_ =	swait.ge @!p0 [sflag:s14], $0x800;
	s12 =	sand.u32 $0x3C00, s13  }
0x89: {  	[sflag:s14] =	ssyncset.done @!p0 $0x0;
	s13 =	sor.u32 $0x200, s12  }
0x8a: {  	s12 =	sshrl.u32 s12, $0x2;
	[sflag:s14] =	ssyncadd.s32 @!p0 $0xFFFFF800;
	s13 =	sshrl.u32 s13, $0x2  }
0x8b: {  	[tilespmem:s29], [sflag:$0x2] =	stream.indirect.gather [hbm4b:s4+s28], $0x80, s13, s28, $0xb8;
	[tilespmem:$0x1E000] =	vst v63  }
0x8c: {  	s12 =	sor.u32 $0x1000, s12  }
0x8d: {  	[spmem:s1] =	stream.indirect.scatter.add.f32 [tilespmem:s20], [sflag:$0x3], $0x80, s12, s28, $0xb8;
	[tilespmem:$0x1E000] =	vst v63  }
0x8e: {  	p0 =	seq.s32 s9, $0xA000;
	_ =	swait.ge [sflag:s30], $0x4000  }
.Ltmp3:
0x8f: {  	[sflag:s30] =	ssyncset.done $0x0;
	(pc) =	sbr.rel @p0 .LBB2_6-.Ltmp3, $4  }
0x90: {  	[sflag:s30] =	ssyncadd.s32 $0xFFFFC000  }
0x91: {  	_ =	swait.ge [sflag:s31], $0x4000  }
0x92: {  	[sflag:s31] =	ssyncset.done $0x0  }
0x93: {  	s12 =	sor.u32 $0x1000, s13;
	[sflag:s31] =	ssyncadd.s32 $0xFFFFC000  }
.Ltmp4:
0x94: {  	s13 =	sand.u32 $0x3C00, s9;
	(pc) =	sbr.rel .LBB2_4-.Ltmp4, $4  }
0x95: {  	s7 =	sadd.s32 $0x1, s7;
	s18 =	sadd.s32 $0x20, s18;
	s13 =	sshrl.u32 s13, $0x2  }
0x96: {  	[tilespmem:s20], [sflag:$0x1] =	stream.indirect.gather [hbm4b:s4+s28], $0x80, s13, s28, $0xb8;
	[tilespmem:$0x1E000] =	vst v63  }
0x97: {  	s19 =	sadd.s32 $0x20, s19;
	s8 =	sadd.s32 $0x100, s8;
	s9 =	sadd.s32 $0x400, s9  }
0x98: {  	[spmem:s1] =	stream.indirect.scatter.add.f32 [tilespmem:s29], [sflag:$0x4], $0x80, s12, s28, $0xb8;
	[tilespmem:$0x1E000] =	vst v63  }
.LBB2_7:
0x99: {  	_ =	sfence.sel $0x180000  }
0x9a: {  	[bflag:$0x0] =	sbarrier.arrive $0xFFFF  }
0x9b: {  	_ =	strace $0x90000050  }
0x9c: {  	s0 =	stileid.u32;
	[bflag:$0x2] =	sbarrier.arrive $0xFFFF  }
0x9d: {  	p0 =	sne.s32 s0, $0x0;
	s0 =	rddreg [dreg:$0x3]  }
0x9e: {  	s0 =	sadd.s32 @!p0 $0x100000, s0  }
0x9f: {  	[sflag:s0] =	ssyncadd.tile.s32 @!p0 $0x1;
	_ =	shalt  }
.Lfunc_end2:
_tile_overlayer_lowered:
.L_overlay_start_2:
0xa0: {  	(tag) =	ssettag $0x2  }
0xa1: {  	s0 =	rddreg [dreg:$0x0];
	s2 =	stileid.u32  }
0xa2: {  	s1 =	rddreg [dreg:$0x1];
	p0 =	sne.s32 s2, $0x0  }
0xa3: {  	s3 =	rddreg [dreg:$0x2];
	[bflag:$0x3] =	sbarrier.arrive $0xFFFF;
	s2 =	simm.s32 @!p0 $0x1C05  }
0xa4: {  	[timem:s3], [sflag:s2] =	dma.local @!p0 [hbm:s0], s1  }
0xa5: {  	s0 =	simm.s32 @!p0 $0x5  }
0xa6: {  	_ =	swait.ge @!p0 [sflag:s0], s1  }
0xa7: {  	s1 =	ssub.s32 @!p0 $0x0, s1;
	[sflag:s0] =	ssyncset.done @!p0 $0x0  }
0xa8: {  	[sflag:s0] =	ssyncadd.s32 @!p0 s1  }
0xa9: {  	[bflag:$0x3] =	sbarrier.arrive $0xFFFF  }
0xaa: {  	_ =	shalt  }

</sc_bundles>
